<compile_context>
chip_gen: v7x
topology: tpu7x:2x2x1
jax: 0.10.2.dev20260603
libtpu: 0.0.44.dev20260713+nightly
codegen_flags: <defaults>
</compile_context>

<pallas_src>
import functools

import jax
import jax.numpy as jnp
from jax import lax
from jax.experimental import pallas as pl
from jax.experimental.pallas import tpu as pltpu
from jax.experimental.pallas import tpu_sc as plsc

N = 10000
E = 320000
D = 128
DOUT = 64
NW = 32
CHUNK = 128
CH0 = 100
CH1 = 58
CHMAX = max(CH0, CH1)
EP = 16 * (CH0 + CH1) * CHUNK
NP_ROWS = 10112
RPT = NP_ROWS // 16
BN = 1000


def _sc_mesh():
    return plsc.VectorSubcoreMesh(core_axis_name="c", subcore_axis_name="s")


def _sc_degree(dstp, ones128, zerosD):

    @functools.partial(
        pl.kernel,
        mesh=_sc_mesh(),
        out_type=jax.ShapeDtypeStruct((2, NP_ROWS, D), jnp.float32),
        scratch_types=[
            pltpu.VMEM_SHARED((NP_ROWS, D), jnp.float32),
            pltpu.VMEM((CHMAX, CHUNK), jnp.int32),
            pltpu.VMEM((CHUNK, D), jnp.float32),
        ],
    )
    def k(dst0_hbm, dst1_hbm, ones_hbm, zeros_hbm, out_hbm, acc, dst_v, ones_v):
        c = lax.axis_index("c")
        s = lax.axis_index("s")
        pltpu.sync_copy(ones_hbm, ones_v)
        pltpu.sync_copy(zeros_hbm.at[pl.ds(s * RPT, RPT)],
                        acc.at[pl.ds(s * RPT, RPT)])
        plsc.subcore_barrier()

        def body(j, carry):
            pltpu.sync_copy(ones_v, acc.at[dst_v.at[j]], add=True)
            return carry

        @pl.when(c == 0)
        def _():
            pltpu.sync_copy(dst0_hbm.at[s], dst_v.at[pl.ds(0, CH0)])
            lax.fori_loop(0, CH0, body, 0)

        @pl.when(c == 1)
        def _():
            pltpu.sync_copy(dst1_hbm.at[s], dst_v.at[pl.ds(0, CH1)])
            lax.fori_loop(0, CH1, body, 0)

        plsc.subcore_barrier()
        pltpu.sync_copy(acc.at[pl.ds(s * RPT, RPT)],
                        out_hbm.at[c, pl.ds(s * RPT, RPT)])

    return k(dstp[0], dstp[1], ones128, zerosD)


def _sc_scatter(g, srcp, dstp, zerosD):

    @functools.partial(
        pl.kernel,
        mesh=_sc_mesh(),
        out_type=jax.ShapeDtypeStruct((2, NP_ROWS, D), jnp.float32),
        scratch_types=[
            pltpu.VMEM_SHARED((NP_ROWS, D), jnp.float32),
            pltpu.VMEM((CHMAX, CHUNK), jnp.int32),
            pltpu.VMEM((CHMAX, CHUNK), jnp.int32),
            pltpu.VMEM((CHUNK, D), jnp.float32),
            pltpu.SemaphoreType.DMA,
        ],
    )
    def k(g_hbm, src0_hbm, dst0_hbm, src1_hbm, dst1_hbm, zeros_hbm, out_hbm,
          acc, src_v, dst_v, rows_v, sem):
        c = lax.axis_index("c")
        s = lax.axis_index("s")
        pltpu.sync_copy(zeros_hbm.at[pl.ds(s * RPT, RPT)],
                        acc.at[pl.ds(s * RPT, RPT)])
        plsc.subcore_barrier()

        def body(j, carry):
            pltpu.async_copy(g_hbm.at[src_v.at[j]], rows_v, sem).wait()
            pltpu.sync_copy(rows_v, acc.at[dst_v.at[j]], add=True)
            return carry

        @pl.when(c == 0)
        def _():
            pltpu.sync_copy(src0_hbm.at[s], src_v.at[pl.ds(0, CH0)])
            pltpu.sync_copy(dst0_hbm.at[s], dst_v.at[pl.ds(0, CH0)])
            lax.fori_loop(0, CH0, body, 0)

        @pl.when(c == 1)
        def _():
            pltpu.sync_copy(src1_hbm.at[s], src_v.at[pl.ds(0, CH1)])
            pltpu.sync_copy(dst1_hbm.at[s], dst_v.at[pl.ds(0, CH1)])
            lax.fori_loop(0, CH1, body, 0)

        plsc.subcore_barrier()
        pltpu.sync_copy(acc.at[pl.ds(s * RPT, RPT)],
                        out_hbm.at[c, pl.ds(s * RPT, RPT)])

    return k(g, srcp[0], dstp[0], srcp[1], dstp[1], zerosD)


def _tc_pre(x, W0, i0, i1):

    def body(x_ref, w_ref, i0_ref, i1_ref, dinv_ref, g_ref):
        deg = 1.0 + i0_ref[:, :1] + i1_ref[:, :1]
        dinv = jnp.broadcast_to(lax.rsqrt(deg), (BN, D))
        dinv_ref[...] = dinv
        g_ref[...] = dinv * jnp.dot(x_ref[...], w_ref[...],
                                    preferred_element_type=jnp.float32)

    return pl.pallas_call(
        body,
        grid=(N // BN,),
        in_specs=[
            pl.BlockSpec((BN, D), lambda i: (i, 0)),
            pl.BlockSpec((D, D), lambda i: (0, 0)),
            pl.BlockSpec((BN, D), lambda i: (i, 0)),
            pl.BlockSpec((BN, D), lambda i: (i, 0)),
        ],
        out_specs=[pl.BlockSpec((BN, D), lambda i: (i, 0))] * 2,
        out_shape=[jax.ShapeDtypeStruct((N, D), jnp.float32)] * 2,
    )(x, W0, i0, i1)


def _tc_layer(S, g, dinv, b, Wn):

    def body(s0_ref, s1_ref, g_ref, dinv_ref, b_ref, w_ref, h_ref, gn_ref):
        dinv = dinv_ref[...]
        agg = dinv * (s0_ref[...] + s1_ref[...] + g_ref[...]) + b_ref[...]
        h = jnp.maximum(agg, 0.0)
        h_ref[...] = h
        gn_ref[...] = dinv * jnp.dot(h, w_ref[...],
                                     preferred_element_type=jnp.float32)

    return pl.pallas_call(
        body,
        grid=(N // BN,),
        in_specs=[
            pl.BlockSpec((BN, D), lambda i: (i, 0)),
            pl.BlockSpec((BN, D), lambda i: (i, 0)),
            pl.BlockSpec((BN, D), lambda i: (i, 0)),
            pl.BlockSpec((BN, D), lambda i: (i, 0)),
            pl.BlockSpec((1, D), lambda i: (0, 0)),
            pl.BlockSpec((D, D), lambda i: (0, 0)),
        ],
        out_specs=[pl.BlockSpec((BN, D), lambda i: (i, 0))] * 2,
        out_shape=[jax.ShapeDtypeStruct((N, D), jnp.float32)] * 2,
    )(S[0, :N, :], S[1, :N, :], g, dinv, b, Wn)


def _tc_final(S, g, dinv, b, Wffn):

    def body(s0_ref, s1_ref, g_ref, dinv_ref, b_ref, w_ref,
             h_ref, f_ref, ls_ref, sm_ref):
        dinv = dinv_ref[...]
        agg = dinv * (s0_ref[...] + s1_ref[...] + g_ref[...]) + b_ref[...]
        h = jnp.maximum(agg, 0.0)
        h_ref[...] = h
        f = jnp.maximum(jnp.dot(h, w_ref[...],
                                preferred_element_type=jnp.float32), 0.0)
        m = jnp.max(f, axis=1, keepdims=True)
        lse = m + jnp.log(jnp.sum(jnp.exp(f - m), axis=1, keepdims=True))
        ls = f - lse
        f_ref[...] = f
        ls_ref[...] = ls
        sm_ref[...] = jnp.exp(ls)

    return pl.pallas_call(
        body,
        grid=(N // BN,),
        in_specs=[
            pl.BlockSpec((BN, D), lambda i: (i, 0)),
            pl.BlockSpec((BN, D), lambda i: (i, 0)),
            pl.BlockSpec((BN, D), lambda i: (i, 0)),
            pl.BlockSpec((BN, D), lambda i: (i, 0)),
            pl.BlockSpec((1, D), lambda i: (0, 0)),
            pl.BlockSpec((D, DOUT), lambda i: (0, 0)),
        ],
        out_specs=[pl.BlockSpec((BN, D), lambda i: (i, 0))]
        + [pl.BlockSpec((BN, DOUT), lambda i: (i, 0))] * 3,
        out_shape=[jax.ShapeDtypeStruct((N, D), jnp.float32)]
        + [jax.ShapeDtypeStruct((N, DOUT), jnp.float32)] * 3,
    )(S[0, :N, :], S[1, :N, :], g, dinv, b, Wffn)


def kernel(x, edge_index, batch, W0, b0, W1, b1, W2, b2, Wffn):
    src = edge_index[0]
    dst = edge_index[1]
    pad = EP - E
    E0 = 16 * CH0 * CHUNK
    src_flat = jnp.concatenate([src, jnp.zeros((pad,), jnp.int32)])
    dst_flat = jnp.concatenate([dst, jnp.full((pad,), N, jnp.int32)])
    srcp = (src_flat[:E0].reshape(16, CH0, CHUNK),
            src_flat[E0:].reshape(16, CH1, CHUNK))
    dstp = (dst_flat[:E0].reshape(16, CH0, CHUNK),
            dst_flat[E0:].reshape(16, CH1, CHUNK))
    ones128 = jnp.ones((CHUNK, D), jnp.float32)
    zerosD = jnp.zeros((NP_ROWS, D), jnp.float32)

    indeg = _sc_degree(dstp, ones128, zerosD)
    i0 = indeg[0, :N, :]
    i1 = indeg[1, :N, :]
    dinv, g0 = _tc_pre(x, W0, i0, i1)

    S0 = _sc_scatter(g0, srcp, dstp, zerosD)
    h1, g1 = _tc_layer(S0, g0, dinv, b0.reshape(1, D), W1)

    S1 = _sc_scatter(g1, srcp, dstp, zerosD)
    h2, g2 = _tc_layer(S1, g1, dinv, b1.reshape(1, D), W2)

    S2 = _sc_scatter(g2, srcp, dstp, zerosD)
    h3, ffn_out, log_soft, soft = _tc_final(S2, g2, dinv, b2.reshape(1, D), Wffn)

    return (h1, h2, h3, h3, ffn_out, log_soft, soft)

# --- scband reference (transcript-rebuilt; emitter-appended) ---
"""Pipeline reference for scband-graph-net-64939905516088 (READ-ONLY COPY).

The authoritative reference and input builder live on the scoring server;
editing this copy changes nothing except your own understanding.
"""

import jax, jax.numpy as jnp
import numpy as np

N_NODES = 10000
N_EDGES = 320000
D_IN = 128
D_HID = 128
D_OUT = 64


def _gcn_layer(h, src, dst, norm, W, b, n):
    h = h @ W
    msg = h[src] * norm[:, None]
    agg = jax.ops.segment_sum(msg, dst, num_segments=n)
    return agg + b


def setup_inputs(seed: int = 0) -> dict:
    key = jax.random.key(seed)
    ks = jax.random.split(key, 12)
    x = jax.random.normal(ks[0], (N_NODES, D_IN), dtype=jnp.float32)
    edge_index = jax.random.randint(ks[1], (2, N_EDGES), 0, N_NODES, dtype=jnp.int32)
    batch = jnp.zeros((N_NODES,), dtype=jnp.int32)
    s0 = 1.0 / np.sqrt(D_IN)
    s1 = 1.0 / np.sqrt(D_HID)
    W0 = jax.random.normal(ks[2], (D_IN, D_HID), dtype=jnp.float32) * s0
    b0 = jnp.zeros((D_HID,), dtype=jnp.float32)
    W1 = jax.random.normal(ks[3], (D_HID, D_HID), dtype=jnp.float32) * s1
    b1 = jnp.zeros((D_HID,), dtype=jnp.float32)
    W2 = jax.random.normal(ks[4], (D_HID, D_HID), dtype=jnp.float32) * s1
    b2 = jnp.zeros((D_HID,), dtype=jnp.float32)
    Wffn = jax.random.normal(ks[5], (D_HID, D_OUT), dtype=jnp.float32) * s1
    return {"x": x, "edge_index": edge_index, "batch": batch,
            "W0": W0, "b0": b0, "W1": W1, "b1": b1, "W2": W2, "b2": b2,
            "Wffn": Wffn}


def reference(x, edge_index, batch, W0, b0, W1, b1, W2, b2, Wffn):
    n = x.shape[0]
    src0, dst0 = edge_index[0], edge_index[1]
    loop = jnp.arange(n, dtype=src0.dtype)
    src = jnp.concatenate([src0, loop])
    dst = jnp.concatenate([dst0, loop])
    ones = jnp.ones((src.shape[0],), dtype=x.dtype)
    deg = jax.ops.segment_sum(ones, dst, num_segments=n)
    dinv = 1.0 / jnp.sqrt(jnp.clip(deg, 1.0, None))
    norm = dinv[src] * dinv[dst]
    hidden_outputs = []
    h = x
    for W, b in ((W0, b0), (W1, b1), (W2, b2)):
        h = _gcn_layer(h, src, dst, norm, W, b, n)
        h = jax.nn.relu(h)
        # dropout p=0.0 -> identity
        hidden_outputs.append(h)
    pooled = h  # IdenticalPool (model_level='node')
    ffn_out = jax.nn.relu(pooled @ Wffn)
    log_soft = jax.nn.log_softmax(ffn_out, axis=1)
    soft = jax.nn.softmax(log_soft, axis=1)
    return (hidden_outputs[0], hidden_outputs[1], hidden_outputs[2], pooled, ffn_out, log_soft, soft)

if __name__ == "__main__":
    import jax
    _d = setup_inputs()
    print(jax.jit(kernel)(*tuple(_d.values())))

</pallas_src>

<mosaic_0001>
#map = affine_map<(d0, d1) -> (0, 0, 0)>
#map1 = affine_map<(d0, d1) -> (0, 0)>
module attributes {stable_mosaic.version = 14 : i64} {
  func.func @k(%arg0: i32, %arg1: i32, %arg2: memref<16x100x128xi32, #tpu.memory_space<hbm>>, %arg3: memref<16x58x128xi32, #tpu.memory_space<hbm>>, %arg4: memref<128x128xf32, #tpu.memory_space<hbm>>, %arg5: memref<10112x128xf32, #tpu.memory_space<hbm>>, %arg6: memref<2x10112x128xf32, #tpu.memory_space<hbm>>, %arg7: memref<10112x128xf32, #tpu.memory_space<vmem_shared>>, %arg8: memref<100x128xi32, #tpu.memory_space<vmem>>, %arg9: memref<128x128xf32, #tpu.memory_space<vmem>>) attributes {dimension_semantics = [#tpu.dimension_semantics<core_parallel>, #tpu.dimension_semantics<subcore_parallel>], iteration_bounds = array<i64: 2, 16>, scalar_prefetch = 0 : i64, scratch_operands = 3 : i64, tpu.core_type = #tpu.core_type<sc_vector_subcore>, window_params = [{transform_indices = #map}, {transform_indices = #map}, {transform_indices = #map1}, {transform_indices = #map1}, {transform_indices = #map}]} {
    "tpu.region"() ({
      %run_scoped3A = tpu.sem_alloc : memref<!tpu.dma_semaphore, #tpu.memory_space<semaphore_mem>>
      tpu.enqueue_dma source(%arg4 : memref<128x128xf32, #tpu.memory_space<hbm>>) target(%arg9 : memref<128x128xf32, #tpu.memory_space<vmem>>) target_semaphore(%run_scoped3A : memref<!tpu.dma_semaphore, #tpu.memory_space<semaphore_mem>>)
      tpu.wait_dma2 semaphore(%run_scoped3A : memref<!tpu.dma_semaphore, #tpu.memory_space<semaphore_mem>>) src(%arg4 : memref<128x128xf32, #tpu.memory_space<hbm>>) dst(%arg9 : memref<128x128xf32, #tpu.memory_space<vmem>>)
      tpu.yield
    }) : () -> ()
    %mul3A = arith.constant 632 : i32
    %mul3A_0 = arith.muli %arg1, %mul3A : i32
    %mul3A_1 = arith.constant 632 : i32
    %mul3A_2 = arith.muli %arg1, %mul3A_1 : i32
    "tpu.region"() ({
      %run_scoped3A = tpu.sem_alloc : memref<!tpu.dma_semaphore, #tpu.memory_space<semaphore_mem>>
      %dma_start3A = arith.constant 0 : i32
      %dma_start3A_15 = tpu.memref_slice %arg7[%mul3A_2, %dma_start3A] : memref<10112x128xf32, #tpu.memory_space<vmem_shared>> -> memref<632x128xf32, #tpu.memory_space<vmem_shared>>
      %dma_start3A_16 = arith.constant 0 : i32
      %dma_start3A_17 = tpu.memref_slice %arg5[%mul3A_0, %dma_start3A_16] : memref<10112x128xf32, #tpu.memory_space<hbm>> -> memref<632x128xf32, #tpu.memory_space<hbm>>
      tpu.enqueue_dma source(%dma_start3A_17 : memref<632x128xf32, #tpu.memory_space<hbm>>) target(%dma_start3A_15 : memref<632x128xf32, #tpu.memory_space<vmem_shared>>) target_semaphore(%run_scoped3A : memref<!tpu.dma_semaphore, #tpu.memory_space<semaphore_mem>>)
      %dma_wait3A = arith.constant 0 : i32
      %dma_wait3A_18 = tpu.memref_slice %arg7[%mul3A_2, %dma_wait3A] : memref<10112x128xf32, #tpu.memory_space<vmem_shared>> -> memref<632x128xf32, #tpu.memory_space<vmem_shared>>
      %dma_wait3A_19 = arith.constant 0 : i32
      %dma_wait3A_20 = tpu.memref_slice %arg5[%mul3A_0, %dma_wait3A_19] : memref<10112x128xf32, #tpu.memory_space<hbm>> -> memref<632x128xf32, #tpu.memory_space<hbm>>
      tpu.wait_dma2 semaphore(%run_scoped3A : memref<!tpu.dma_semaphore, #tpu.memory_space<semaphore_mem>>) src(%dma_wait3A_20 : memref<632x128xf32, #tpu.memory_space<hbm>>) dst(%dma_wait3A_18 : memref<632x128xf32, #tpu.memory_space<vmem_shared>>)
      tpu.yield
    }) : () -> ()
    %barrier3A = arith.constant 0 : index
    tpu.barrier barrier_id(%barrier3A)
    %eq3A = arith.constant 0 : i32
    %eq3A_3 = arith.cmpi eq, %arg0, %eq3A : i32
    %convert_element_type3A = arith.extui %eq3A_3 : i1 to i32
    %cond3A = arith.constant 0 : i32
    %cond3A_4 = arith.cmpi ne, %convert_element_type3A, %cond3A : i32
    scf.if %cond3A_4 {
      "tpu.region"() ({
        %run_scoped3A = tpu.sem_alloc : memref<!tpu.dma_semaphore, #tpu.memory_space<semaphore_mem>>
        %dma_start3A = arith.constant 0 : i32
        %dma_start3A_20 = arith.constant 0 : i32
        %dma_start3A_21 = tpu.memref_slice %arg8[%dma_start3A, %dma_start3A_20] : memref<100x128xi32, #tpu.memory_space<vmem>> -> memref<100x128xi32, #tpu.memory_space<vmem>>
        %dma_start3A_22 = arith.constant 0 : i32
        %dma_start3A_23 = arith.constant 0 : i32
        %dma_start3A_24 = tpu.memref_slice %arg2[%arg1, %dma_start3A_22, %dma_start3A_23] : memref<16x100x128xi32, #tpu.memory_space<hbm>> -> memref<1x100x128xi32, #tpu.memory_space<hbm>>
        %dma_start3A_25 = tpu.memref_squeeze %dma_start3A_24 : memref<1x100x128xi32, #tpu.memory_space<hbm>> -> memref<100x128xi32, #tpu.memory_space<hbm>>
        %dma_start3A_26 = arith.constant 0 : i32
        %dma_start3A_27 = arith.constant 0 : i32
        %dma_start3A_28 = tpu.memref_slice %arg8[%dma_start3A_26, %dma_start3A_27] : memref<100x128xi32, #tpu.memory_space<vmem>> -> memref<100x128xi32, #tpu.memory_space<vmem>>
        %dma_start3A_29 = arith.constant 0 : i32
        %dma_start3A_30 = arith.constant 0 : i32
        %dma_start3A_31 = tpu.memref_slice %arg2[%arg1, %dma_start3A_29, %dma_start3A_30] : memref<16x100x128xi32, #tpu.memory_space<hbm>> -> memref<1x100x128xi32, #tpu.memory_space<hbm>>
        %dma_start3A_32 = tpu.memref_squeeze %dma_start3A_31 : memref<1x100x128xi32, #tpu.memory_space<hbm>> -> memref<100x128xi32, #tpu.memory_space<hbm>>
        tpu.enqueue_dma source(%dma_start3A_32 : memref<100x128xi32, #tpu.memory_space<hbm>>) target(%dma_start3A_28 : memref<100x128xi32, #tpu.memory_space<vmem>>) target_semaphore(%run_scoped3A : memref<!tpu.dma_semaphore, #tpu.memory_space<semaphore_mem>>)
        %dma_wait3A = arith.constant 0 : i32
        %dma_wait3A_33 = arith.constant 0 : i32
        %dma_wait3A_34 = tpu.memref_slice %arg8[%dma_wait3A, %dma_wait3A_33] : memref<100x128xi32, #tpu.memory_space<vmem>> -> memref<100x128xi32, #tpu.memory_space<vmem>>
        %dma_wait3A_35 = arith.constant 0 : i32
        %dma_wait3A_36 = arith.constant 0 : i32
        %dma_wait3A_37 = tpu.memref_slice %arg2[%arg1, %dma_wait3A_35, %dma_wait3A_36] : memref<16x100x128xi32, #tpu.memory_space<hbm>> -> memref<1x100x128xi32, #tpu.memory_space<hbm>>
        %dma_wait3A_38 = tpu.memref_squeeze %dma_wait3A_37 : memref<1x100x128xi32, #tpu.memory_space<hbm>> -> memref<100x128xi32, #tpu.memory_space<hbm>>
        %dma_wait3A_39 = arith.constant 0 : i32
        %dma_wait3A_40 = arith.constant 0 : i32
        %dma_wait3A_41 = tpu.memref_slice %arg8[%dma_wait3A_39, %dma_wait3A_40] : memref<100x128xi32, #tpu.memory_space<vmem>> -> memref<100x128xi32, #tpu.memory_space<vmem>>
        %dma_wait3A_42 = arith.constant 0 : i32
        %dma_wait3A_43 = arith.constant 0 : i32
        %dma_wait3A_44 = tpu.memref_slice %arg2[%arg1, %dma_wait3A_42, %dma_wait3A_43] : memref<16x100x128xi32, #tpu.memory_space<hbm>> -> memref<1x100x128xi32, #tpu.memory_space<hbm>>
        %dma_wait3A_45 = tpu.memref_squeeze %dma_wait3A_44 : memref<1x100x128xi32, #tpu.memory_space<hbm>> -> memref<100x128xi32, #tpu.memory_space<hbm>>
        tpu.wait_dma2 semaphore(%run_scoped3A : memref<!tpu.dma_semaphore, #tpu.memory_space<semaphore_mem>>) src(%dma_wait3A_45 : memref<100x128xi32, #tpu.memory_space<hbm>>) dst(%dma_wait3A_41 : memref<100x128xi32, #tpu.memory_space<vmem>>)
        tpu.yield
      }) : () -> ()
      %scan3A = arith.constant 0 : i32
      %scan3A_15 = arith.constant 0 : i32
      %scan3A_16 = arith.constant 100 : i32
      %scan3A_17 = arith.addi %scan3A_15, %scan3A_16 : i32
      %scan3A_18 = arith.constant 1 : i32
      scf.for %scan3A_20 = %scan3A_15 to %scan3A_17 step %scan3A_18  : i32 {
        "tpu.region"() ({
          %run_scoped3A = tpu.sem_alloc : memref<!tpu.dma_semaphore, #tpu.memory_space<semaphore_mem>>
          %dma_start3A = arith.constant 0 : i32
          %dma_start3A_21 = tpu.memref_slice %arg8[%scan3A_20, %dma_start3A] : memref<100x128xi32, #tpu.memory_space<vmem>> -> memref<1x128xi32, #tpu.memory_space<vmem>>
          %dma_start3A_22 = tpu.memref_squeeze %dma_start3A_21 : memref<1x128xi32, #tpu.memory_space<vmem>> -> memref<128xi32, #tpu.memory_space<vmem>>
          %dma_start3A_23 = arith.constant 0 : i32
          %dma_start3A_24 = arith.constant 0 : i32
          %dma_start3A_25 = tpu.memref_slice %arg7[%dma_start3A_23, %dma_start3A_24] : memref<10112x128xf32, #tpu.memory_space<vmem_shared>> -> memref<10112x128xf32, #tpu.memory_space<vmem_shared>>
          tpu.enqueue_indirect_dma source(%arg9 : memref<128x128xf32, #tpu.memory_space<vmem>>) target(%dma_start3A_25 : memref<10112x128xf32, #tpu.memory_space<vmem_shared>>) offsets(%dma_start3A_22 : memref<128xi32, #tpu.memory_space<vmem>>) semaphore(%run_scoped3A : memref<!tpu.dma_semaphore, #tpu.memory_space<semaphore_mem>>) {add = true}
          %dma_wait3A = arith.constant 0 : i32
          %dma_wait3A_26 = tpu.memref_slice %arg8[%scan3A_20, %dma_wait3A] : memref<100x128xi32, #tpu.memory_space<vmem>> -> memref<1x128xi32, #tpu.memory_space<vmem>>
          %dma_wait3A_27 = tpu.memref_squeeze %dma_wait3A_26 : memref<1x128xi32, #tpu.memory_space<vmem>> -> memref<128xi32, #tpu.memory_space<vmem>>
          %dma_wait3A_28 = arith.constant 0 : i32
          %dma_wait3A_29 = arith.constant 0 : i32
          %dma_wait3A_30 = tpu.memref_slice %arg7[%dma_wait3A_28, %dma_wait3A_29] : memref<10112x128xf32, #tpu.memory_space<vmem_shared>> -> memref<10112x128xf32, #tpu.memory_space<vmem_shared>>
          tpu.wait_indirect_dma semaphore(%run_scoped3A : memref<!tpu.dma_semaphore, #tpu.memory_space<semaphore_mem>>) src(%arg9 : memref<128x128xf32, #tpu.memory_space<vmem>>) dst(%dma_wait3A_30 : memref<10112x128xf32, #tpu.memory_space<vmem_shared>>)
          tpu.yield
        }) : () -> ()
      }
      %scan3A_19 = arith.constant 100 : i32
    } else {
    }
    %eq3A_5 = arith.constant 1 : i32
    %eq3A_6 = arith.cmpi eq, %arg0, %eq3A_5 : i32
    %convert_element_type3A_7 = arith.extui %eq3A_6 : i1 to i32
    %cond3A_8 = arith.constant 0 : i32
    %cond3A_9 = arith.cmpi ne, %convert_element_type3A_7, %cond3A_8 : i32
    scf.if %cond3A_9 {
      "tpu.region"() ({
        %run_scoped3A = tpu.sem_alloc : memref<!tpu.dma_semaphore, #tpu.memory_space<semaphore_mem>>
        %dma_start3A = arith.constant 0 : i32
        %dma_start3A_20 = arith.constant 0 : i32
        %dma_start3A_21 = tpu.memref_slice %arg8[%dma_start3A, %dma_start3A_20] : memref<100x128xi32, #tpu.memory_space<vmem>> -> memref<58x128xi32, #tpu.memory_space<vmem>>
        %dma_start3A_22 = arith.constant 0 : i32
        %dma_start3A_23 = arith.constant 0 : i32
        %dma_start3A_24 = tpu.memref_slice %arg3[%arg1, %dma_start3A_22, %dma_start3A_23] : memref<16x58x128xi32, #tpu.memory_space<hbm>> -> memref<1x58x128xi32, #tpu.memory_space<hbm>>
        %dma_start3A_25 = tpu.memref_squeeze %dma_start3A_24 : memref<1x58x128xi32, #tpu.memory_space<hbm>> -> memref<58x128xi32, #tpu.memory_space<hbm>>
        %dma_start3A_26 = arith.constant 0 : i32
        %dma_start3A_27 = arith.constant 0 : i32
        %dma_start3A_28 = tpu.memref_slice %arg8[%dma_start3A_26, %dma_start3A_27] : memref<100x128xi32, #tpu.memory_space<vmem>> -> memref<58x128xi32, #tpu.memory_space<vmem>>
        %dma_start3A_29 = arith.constant 0 : i32
        %dma_start3A_30 = arith.constant 0 : i32
        %dma_start3A_31 = tpu.memref_slice %arg3[%arg1, %dma_start3A_29, %dma_start3A_30] : memref<16x58x128xi32, #tpu.memory_space<hbm>> -> memref<1x58x128xi32, #tpu.memory_space<hbm>>
        %dma_start3A_32 = tpu.memref_squeeze %dma_start3A_31 : memref<1x58x128xi32, #tpu.memory_space<hbm>> -> memref<58x128xi32, #tpu.memory_space<hbm>>
        tpu.enqueue_dma source(%dma_start3A_32 : memref<58x128xi32, #tpu.memory_space<hbm>>) target(%dma_start3A_28 : memref<58x128xi32, #tpu.memory_space<vmem>>) target_semaphore(%run_scoped3A : memref<!tpu.dma_semaphore, #tpu.memory_space<semaphore_mem>>)
        %dma_wait3A = arith.constant 0 : i32
        %dma_wait3A_33 = arith.constant 0 : i32
        %dma_wait3A_34 = tpu.memref_slice %arg8[%dma_wait3A, %dma_wait3A_33] : memref<100x128xi32, #tpu.memory_space<vmem>> -> memref<58x128xi32, #tpu.memory_space<vmem>>
        %dma_wait3A_35 = arith.constant 0 : i32
        %dma_wait3A_36 = arith.constant 0 : i32
        %dma_wait3A_37 = tpu.memref_slice %arg3[%arg1, %dma_wait3A_35, %dma_wait3A_36] : memref<16x58x128xi32, #tpu.memory_space<hbm>> -> memref<1x58x128xi32, #tpu.memory_space<hbm>>
        %dma_wait3A_38 = tpu.memref_squeeze %dma_wait3A_37 : memref<1x58x128xi32, #tpu.memory_space<hbm>> -> memref<58x128xi32, #tpu.memory_space<hbm>>
        %dma_wait3A_39 = arith.constant 0 : i32
        %dma_wait3A_40 = arith.constant 0 : i32
        %dma_wait3A_41 = tpu.memref_slice %arg8[%dma_wait3A_39, %dma_wait3A_40] : memref<100x128xi32, #tpu.memory_space<vmem>> -> memref<58x128xi32, #tpu.memory_space<vmem>>
        %dma_wait3A_42 = arith.constant 0 : i32
        %dma_wait3A_43 = arith.constant 0 : i32
        %dma_wait3A_44 = tpu.memref_slice %arg3[%arg1, %dma_wait3A_42, %dma_wait3A_43] : memref<16x58x128xi32, #tpu.memory_space<hbm>> -> memref<1x58x128xi32, #tpu.memory_space<hbm>>
        %dma_wait3A_45 = tpu.memref_squeeze %dma_wait3A_44 : memref<1x58x128xi32, #tpu.memory_space<hbm>> -> memref<58x128xi32, #tpu.memory_space<hbm>>
        tpu.wait_dma2 semaphore(%run_scoped3A : memref<!tpu.dma_semaphore, #tpu.memory_space<semaphore_mem>>) src(%dma_wait3A_45 : memref<58x128xi32, #tpu.memory_space<hbm>>) dst(%dma_wait3A_41 : memref<58x128xi32, #tpu.memory_space<vmem>>)
        tpu.yield
      }) : () -> ()
      %scan3A = arith.constant 0 : i32
      %scan3A_15 = arith.constant 0 : i32
      %scan3A_16 = arith.constant 58 : i32
      %scan3A_17 = arith.addi %scan3A_15, %scan3A_16 : i32
      %scan3A_18 = arith.constant 1 : i32
      scf.for %scan3A_20 = %scan3A_15 to %scan3A_17 step %scan3A_18  : i32 {
        "tpu.region"() ({
          %run_scoped3A = tpu.sem_alloc : memref<!tpu.dma_semaphore, #tpu.memory_space<semaphore_mem>>
          %dma_start3A = arith.constant 0 : i32
          %dma_start3A_21 = tpu.memref_slice %arg8[%scan3A_20, %dma_start3A] : memref<100x128xi32, #tpu.memory_space<vmem>> -> memref<1x128xi32, #tpu.memory_space<vmem>>
          %dma_start3A_22 = tpu.memref_squeeze %dma_start3A_21 : memref<1x128xi32, #tpu.memory_space<vmem>> -> memref<128xi32, #tpu.memory_space<vmem>>
          %dma_start3A_23 = arith.constant 0 : i32
          %dma_start3A_24 = arith.constant 0 : i32
          %dma_start3A_25 = tpu.memref_slice %arg7[%dma_start3A_23, %dma_start3A_24] : memref<10112x128xf32, #tpu.memory_space<vmem_shared>> -> memref<10112x128xf32, #tpu.memory_space<vmem_shared>>
          tpu.enqueue_indirect_dma source(%arg9 : memref<128x128xf32, #tpu.memory_space<vmem>>) target(%dma_start3A_25 : memref<10112x128xf32, #tpu.memory_space<vmem_shared>>) offsets(%dma_start3A_22 : memref<128xi32, #tpu.memory_space<vmem>>) semaphore(%run_scoped3A : memref<!tpu.dma_semaphore, #tpu.memory_space<semaphore_mem>>) {add = true}
          %dma_wait3A = arith.constant 0 : i32
          %dma_wait3A_26 = tpu.memref_slice %arg8[%scan3A_20, %dma_wait3A] : memref<100x128xi32, #tpu.memory_space<vmem>> -> memref<1x128xi32, #tpu.memory_space<vmem>>
          %dma_wait3A_27 = tpu.memref_squeeze %dma_wait3A_26 : memref<1x128xi32, #tpu.memory_space<vmem>> -> memref<128xi32, #tpu.memory_space<vmem>>
          %dma_wait3A_28 = arith.constant 0 : i32
          %dma_wait3A_29 = arith.constant 0 : i32
          %dma_wait3A_30 = tpu.memref_slice %arg7[%dma_wait3A_28, %dma_wait3A_29] : memref<10112x128xf32, #tpu.memory_space<vmem_shared>> -> memref<10112x128xf32, #tpu.memory_space<vmem_shared>>
          tpu.wait_indirect_dma semaphore(%run_scoped3A : memref<!tpu.dma_semaphore, #tpu.memory_space<semaphore_mem>>) src(%arg9 : memref<128x128xf32, #tpu.memory_space<vmem>>) dst(%dma_wait3A_30 : memref<10112x128xf32, #tpu.memory_space<vmem_shared>>)
          tpu.yield
        }) : () -> ()
      }
      %scan3A_19 = arith.constant 58 : i32
    } else {
    }
    %barrier3A_10 = arith.constant 0 : index
    tpu.barrier barrier_id(%barrier3A_10)
    %mul3A_11 = arith.constant 632 : i32
    %mul3A_12 = arith.muli %arg1, %mul3A_11 : i32
    %mul3A_13 = arith.constant 632 : i32
    %mul3A_14 = arith.muli %arg1, %mul3A_13 : i32
    "tpu.region"() ({
      %run_scoped3A = tpu.sem_alloc : memref<!tpu.dma_semaphore, #tpu.memory_space<semaphore_mem>>
      %dma_start3A = arith.constant 0 : i32
      %dma_start3A_15 = tpu.memref_slice %arg6[%arg0, %mul3A_14, %dma_start3A] : memref<2x10112x128xf32, #tpu.memory_space<hbm>> -> memref<1x632x128xf32, #tpu.memory_space<hbm>>
      %dma_start3A_16 = tpu.memref_squeeze %dma_start3A_15 : memref<1x632x128xf32, #tpu.memory_space<hbm>> -> memref<632x128xf32, #tpu.memory_space<hbm>>
      %dma_start3A_17 = arith.constant 0 : i32
      %dma_start3A_18 = tpu.memref_slice %arg7[%mul3A_12, %dma_start3A_17] : memref<10112x128xf32, #tpu.memory_space<vmem_shared>> -> memref<632x128xf32, #tpu.memory_space<vmem_shared>>
      tpu.enqueue_dma source(%dma_start3A_18 : memref<632x128xf32, #tpu.memory_space<vmem_shared>>) target(%dma_start3A_16 : memref<632x128xf32, #tpu.memory_space<hbm>>) target_semaphore(%run_scoped3A : memref<!tpu.dma_semaphore, #tpu.memory_space<semaphore_mem>>)
      %dma_wait3A = arith.constant 0 : i32
      %dma_wait3A_19 = tpu.memref_slice %arg6[%arg0, %mul3A_14, %dma_wait3A] : memref<2x10112x128xf32, #tpu.memory_space<hbm>> -> memref<1x632x128xf32, #tpu.memory_space<hbm>>
      %dma_wait3A_20 = tpu.memref_squeeze %dma_wait3A_19 : memref<1x632x128xf32, #tpu.memory_space<hbm>> -> memref<632x128xf32, #tpu.memory_space<hbm>>
      %dma_wait3A_21 = arith.constant 0 : i32
      %dma_wait3A_22 = tpu.memref_slice %arg7[%mul3A_12, %dma_wait3A_21] : memref<10112x128xf32, #tpu.memory_space<vmem_shared>> -> memref<632x128xf32, #tpu.memory_space<vmem_shared>>
      tpu.wait_dma2 semaphore(%run_scoped3A : memref<!tpu.dma_semaphore, #tpu.memory_space<semaphore_mem>>) src(%dma_wait3A_22 : memref<632x128xf32, #tpu.memory_space<vmem_shared>>) dst(%dma_wait3A_20 : memref<632x128xf32, #tpu.memory_space<hbm>>)
      tpu.yield
    }) : () -> ()
    return
  }
}

#map = affine_map<(d0, d1) -> (0, 0)>
#map1 = affine_map<(d0, d1) -> (0, 0, 0)>
module attributes {stable_mosaic.version = 14 : i64} {
  func.func @k(%arg0: i32, %arg1: i32, %arg2: memref<10000x128xf32, #tpu.memory_space<hbm>>, %arg3: memref<16x100x128xi32, #tpu.memory_space<hbm>>, %arg4: memref<16x100x128xi32, #tpu.memory_space<hbm>>, %arg5: memref<16x58x128xi32, #tpu.memory_space<hbm>>, %arg6: memref<16x58x128xi32, #tpu.memory_space<hbm>>, %arg7: memref<10112x128xf32, #tpu.memory_space<hbm>>, %arg8: memref<2x10112x128xf32, #tpu.memory_space<hbm>>, %arg9: memref<10112x128xf32, #tpu.memory_space<vmem_shared>>, %arg10: memref<100x128xi32, #tpu.memory_space<vmem>>, %arg11: memref<100x128xi32, #tpu.memory_space<vmem>>, %arg12: memref<128x128xf32, #tpu.memory_space<vmem>>, %arg13: memref<!tpu.dma_semaphore, #tpu.memory_space<semaphore_mem>>) attributes {dimension_semantics = [#tpu.dimension_semantics<core_parallel>, #tpu.dimension_semantics<subcore_parallel>], iteration_bounds = array<i64: 2, 16>, scalar_prefetch = 0 : i64, scratch_operands = 5 : i64, tpu.core_type = #tpu.core_type<sc_vector_subcore>, window_params = [{transform_indices = #map}, {transform_indices = #map1}, {transform_indices = #map1}, {transform_indices = #map1}, {transform_indices = #map1}, {transform_indices = #map}, {transform_indices = #map1}]} {
    %mul3A = arith.constant 632 : i32
    %mul3A_0 = arith.muli %arg1, %mul3A : i32
    %mul3A_1 = arith.constant 632 : i32
    %mul3A_2 = arith.muli %arg1, %mul3A_1 : i32
    "tpu.region"() ({
      %run_scoped3A = tpu.sem_alloc : memref<!tpu.dma_semaphore, #tpu.memory_space<semaphore_mem>>
      %dma_start3A = arith.constant 0 : i32
      %dma_start3A_15 = tpu.memref_slice %arg9[%mul3A_2, %dma_start3A] : memref<10112x128xf32, #tpu.memory_space<vmem_shared>> -> memref<632x128xf32, #tpu.memory_space<vmem_shared>>
      %dma_start3A_16 = arith.constant 0 : i32
      %dma_start3A_17 = tpu.memref_slice %arg7[%mul3A_0, %dma_start3A_16] : memref<10112x128xf32, #tpu.memory_space<hbm>> -> memref<632x128xf32, #tpu.memory_space<hbm>>
      tpu.enqueue_dma source(%dma_start3A_17 : memref<632x128xf32, #tpu.memory_space<hbm>>) target(%dma_start3A_15 : memref<632x128xf32, #tpu.memory_space<vmem_shared>>) target_semaphore(%run_scoped3A : memref<!tpu.dma_semaphore, #tpu.memory_space<semaphore_mem>>)
      %dma_wait3A = arith.constant 0 : i32
      %dma_wait3A_18 = tpu.memref_slice %arg9[%mul3A_2, %dma_wait3A] : memref<10112x128xf32, #tpu.memory_space<vmem_shared>> -> memref<632x128xf32, #tpu.memory_space<vmem_shared>>
      %dma_wait3A_19 = arith.constant 0 : i32
      %dma_wait3A_20 = tpu.memref_slice %arg7[%mul3A_0, %dma_wait3A_19] : memref<10112x128xf32, #tpu.memory_space<hbm>> -> memref<632x128xf32, #tpu.memory_space<hbm>>
      tpu.wait_dma2 semaphore(%run_scoped3A : memref<!tpu.dma_semaphore, #tpu.memory_space<semaphore_mem>>) src(%dma_wait3A_20 : memref<632x128xf32, #tpu.memory_space<hbm>>) dst(%dma_wait3A_18 : memref<632x128xf32, #tpu.memory_space<vmem_shared>>)
      tpu.yield
    }) : () -> ()
    %barrier3A = arith.constant 0 : index
    tpu.barrier barrier_id(%barrier3A)
    %eq3A = arith.constant 0 : i32
    %eq3A_3 = arith.cmpi eq, %arg0, %eq3A : i32
    %convert_element_type3A = arith.extui %eq3A_3 : i1 to i32
    %cond3A = arith.constant 0 : i32
    %cond3A_4 = arith.cmpi ne, %convert_element_type3A, %cond3A : i32
    scf.if %cond3A_4 {
      "tpu.region"() ({
        %run_scoped3A = tpu.sem_alloc : memref<!tpu.dma_semaphore, #tpu.memory_space<semaphore_mem>>
        %dma_start3A = arith.constant 0 : i32
        %dma_start3A_20 = arith.constant 0 : i32
        %dma_start3A_21 = tpu.memref_slice %arg10[%dma_start3A, %dma_start3A_20] : memref<100x128xi32, #tpu.memory_space<vmem>> -> memref<100x128xi32, #tpu.memory_space<vmem>>
        %dma_start3A_22 = arith.constant 0 : i32
        %dma_start3A_23 = arith.constant 0 : i32
        %dma_start3A_24 = tpu.memref_slice %arg3[%arg1, %dma_start3A_22, %dma_start3A_23] : memref<16x100x128xi32, #tpu.memory_space<hbm>> -> memref<1x100x128xi32, #tpu.memory_space<hbm>>
        %dma_start3A_25 = tpu.memref_squeeze %dma_start3A_24 : memref<1x100x128xi32, #tpu.memory_space<hbm>> -> memref<100x128xi32, #tpu.memory_space<hbm>>
        %dma_start3A_26 = arith.constant 0 : i32
        %dma_start3A_27 = arith.constant 0 : i32
        %dma_start3A_28 = tpu.memref_slice %arg10[%dma_start3A_26, %dma_start3A_27] : memref<100x128xi32, #tpu.memory_space<vmem>> -> memref<100x128xi32, #tpu.memory_space<vmem>>
        %dma_start3A_29 = arith.constant 0 : i32
        %dma_start3A_30 = arith.constant 0 : i32
        %dma_start3A_31 = tpu.memref_slice %arg3[%arg1, %dma_start3A_29, %dma_start3A_30] : memref<16x100x128xi32, #tpu.memory_space<hbm>> -> memref<1x100x128xi32, #tpu.memory_space<hbm>>
        %dma_start3A_32 = tpu.memref_squeeze %dma_start3A_31 : memref<1x100x128xi32, #tpu.memory_space<hbm>> -> memref<100x128xi32, #tpu.memory_space<hbm>>
        tpu.enqueue_dma source(%dma_start3A_32 : memref<100x128xi32, #tpu.memory_space<hbm>>) target(%dma_start3A_28 : memref<100x128xi32, #tpu.memory_space<vmem>>) target_semaphore(%run_scoped3A : memref<!tpu.dma_semaphore, #tpu.memory_space<semaphore_mem>>)
        %dma_wait3A = arith.constant 0 : i32
        %dma_wait3A_33 = arith.constant 0 : i32
        %dma_wait3A_34 = tpu.memref_slice %arg10[%dma_wait3A, %dma_wait3A_33] : memref<100x128xi32, #tpu.memory_space<vmem>> -> memref<100x128xi32, #tpu.memory_space<vmem>>
        %dma_wait3A_35 = arith.constant 0 : i32
        %dma_wait3A_36 = arith.constant 0 : i32
        %dma_wait3A_37 = tpu.memref_slice %arg3[%arg1, %dma_wait3A_35, %dma_wait3A_36] : memref<16x100x128xi32, #tpu.memory_space<hbm>> -> memref<1x100x128xi32, #tpu.memory_space<hbm>>
        %dma_wait3A_38 = tpu.memref_squeeze %dma_wait3A_37 : memref<1x100x128xi32, #tpu.memory_space<hbm>> -> memref<100x128xi32, #tpu.memory_space<hbm>>
        %dma_wait3A_39 = arith.constant 0 : i32
        %dma_wait3A_40 = arith.constant 0 : i32
        %dma_wait3A_41 = tpu.memref_slice %arg10[%dma_wait3A_39, %dma_wait3A_40] : memref<100x128xi32, #tpu.memory_space<vmem>> -> memref<100x128xi32, #tpu.memory_space<vmem>>
        %dma_wait3A_42 = arith.constant 0 : i32
        %dma_wait3A_43 = arith.constant 0 : i32
        %dma_wait3A_44 = tpu.memref_slice %arg3[%arg1, %dma_wait3A_42, %dma_wait3A_43] : memref<16x100x128xi32, #tpu.memory_space<hbm>> -> memref<1x100x128xi32, #tpu.memory_space<hbm>>
        %dma_wait3A_45 = tpu.memref_squeeze %dma_wait3A_44 : memref<1x100x128xi32, #tpu.memory_space<hbm>> -> memref<100x128xi32, #tpu.memory_space<hbm>>
        tpu.wait_dma2 semaphore(%run_scoped3A : memref<!tpu.dma_semaphore, #tpu.memory_space<semaphore_mem>>) src(%dma_wait3A_45 : memref<100x128xi32, #tpu.memory_space<hbm>>) dst(%dma_wait3A_41 : memref<100x128xi32, #tpu.memory_space<vmem>>)
        tpu.yield
      }) : () -> ()
      "tpu.region"() ({
        %run_scoped3A = tpu.sem_alloc : memref<!tpu.dma_semaphore, #tpu.memory_space<semaphore_mem>>
        %dma_start3A = arith.constant 0 : i32
        %dma_start3A_20 = arith.constant 0 : i32
        %dma_start3A_21 = tpu.memref_slice %arg11[%dma_start3A, %dma_start3A_20] : memref<100x128xi32, #tpu.memory_space<vmem>> -> memref<100x128xi32, #tpu.memory_space<vmem>>
        %dma_start3A_22 = arith.constant 0 : i32
        %dma_start3A_23 = arith.constant 0 : i32
        %dma_start3A_24 = tpu.memref_slice %arg4[%arg1, %dma_start3A_22, %dma_start3A_23] : memref<16x100x128xi32, #tpu.memory_space<hbm>> -> memref<1x100x128xi32, #tpu.memory_space<hbm>>
        %dma_start3A_25 = tpu.memref_squeeze %dma_start3A_24 : memref<1x100x128xi32, #tpu.memory_space<hbm>> -> memref<100x128xi32, #tpu.memory_space<hbm>>
        %dma_start3A_26 = arith.constant 0 : i32
        %dma_start3A_27 = arith.constant 0 : i32
        %dma_start3A_28 = tpu.memref_slice %arg11[%dma_start3A_26, %dma_start3A_27] : memref<100x128xi32, #tpu.memory_space<vmem>> -> memref<100x128xi32, #tpu.memory_space<vmem>>
        %dma_start3A_29 = arith.constant 0 : i32
        %dma_start3A_30 = arith.constant 0 : i32
        %dma_start3A_31 = tpu.memref_slice %arg4[%arg1, %dma_start3A_29, %dma_start3A_30] : memref<16x100x128xi32, #tpu.memory_space<hbm>> -> memref<1x100x128xi32, #tpu.memory_space<hbm>>
        %dma_start3A_32 = tpu.memref_squeeze %dma_start3A_31 : memref<1x100x128xi32, #tpu.memory_space<hbm>> -> memref<100x128xi32, #tpu.memory_space<hbm>>
        tpu.enqueue_dma source(%dma_start3A_32 : memref<100x128xi32, #tpu.memory_space<hbm>>) target(%dma_start3A_28 : memref<100x128xi32, #tpu.memory_space<vmem>>) target_semaphore(%run_scoped3A : memref<!tpu.dma_semaphore, #tpu.memory_space<semaphore_mem>>)
        %dma_wait3A = arith.constant 0 : i32
        %dma_wait3A_33 = arith.constant 0 : i32
        %dma_wait3A_34 = tpu.memref_slice %arg11[%dma_wait3A, %dma_wait3A_33] : memref<100x128xi32, #tpu.memory_space<vmem>> -> memref<100x128xi32, #tpu.memory_space<vmem>>
        %dma_wait3A_35 = arith.constant 0 : i32
        %dma_wait3A_36 = arith.constant 0 : i32
        %dma_wait3A_37 = tpu.memref_slice %arg4[%arg1, %dma_wait3A_35, %dma_wait3A_36] : memref<16x100x128xi32, #tpu.memory_space<hbm>> -> memref<1x100x128xi32, #tpu.memory_space<hbm>>
        %dma_wait3A_38 = tpu.memref_squeeze %dma_wait3A_37 : memref<1x100x128xi32, #tpu.memory_space<hbm>> -> memref<100x128xi32, #tpu.memory_space<hbm>>
        %dma_wait3A_39 = arith.constant 0 : i32
        %dma_wait3A_40 = arith.constant 0 : i32
        %dma_wait3A_41 = tpu.memref_slice %arg11[%dma_wait3A_39, %dma_wait3A_40] : memref<100x128xi32, #tpu.memory_space<vmem>> -> memref<100x128xi32, #tpu.memory_space<vmem>>
        %dma_wait3A_42 = arith.constant 0 : i32
        %dma_wait3A_43 = arith.constant 0 : i32
        %dma_wait3A_44 = tpu.memref_slice %arg4[%arg1, %dma_wait3A_42, %dma_wait3A_43] : memref<16x100x128xi32, #tpu.memory_space<hbm>> -> memref<1x100x128xi32, #tpu.memory_space<hbm>>
        %dma_wait3A_45 = tpu.memref_squeeze %dma_wait3A_44 : memref<1x100x128xi32, #tpu.memory_space<hbm>> -> memref<100x128xi32, #tpu.memory_space<hbm>>
        tpu.wait_dma2 semaphore(%run_scoped3A : memref<!tpu.dma_semaphore, #tpu.memory_space<semaphore_mem>>) src(%dma_wait3A_45 : memref<100x128xi32, #tpu.memory_space<hbm>>) dst(%dma_wait3A_41 : memref<100x128xi32, #tpu.memory_space<vmem>>)
        tpu.yield
      }) : () -> ()
      %scan3A = arith.constant 0 : i32
      %scan3A_15 = arith.constant 0 : i32
      %scan3A_16 = arith.constant 100 : i32
      %scan3A_17 = arith.addi %scan3A_15, %scan3A_16 : i32
      %scan3A_18 = arith.constant 1 : i32
      scf.for %scan3A_20 = %scan3A_15 to %scan3A_17 step %scan3A_18  : i32 {
        %dma_start3A = arith.constant 0 : i32
        %dma_start3A_21 = tpu.memref_slice %arg10[%scan3A_20, %dma_start3A] : memref<100x128xi32, #tpu.memory_space<vmem>> -> memref<1x128xi32, #tpu.memory_space<vmem>>
        %dma_start3A_22 = tpu.memref_squeeze %dma_start3A_21 : memref<1x128xi32, #tpu.memory_space<vmem>> -> memref<128xi32, #tpu.memory_space<vmem>>
        %dma_start3A_23 = arith.constant 0 : i32
        %dma_start3A_24 = arith.constant 0 : i32
        %dma_start3A_25 = tpu.memref_slice %arg2[%dma_start3A_23, %dma_start3A_24] : memref<10000x128xf32, #tpu.memory_space<hbm>> -> memref<10000x128xf32, #tpu.memory_space<hbm>>
        tpu.enqueue_indirect_dma source(%dma_start3A_25 : memref<10000x128xf32, #tpu.memory_space<hbm>>) target(%arg12 : memref<128x128xf32, #tpu.memory_space<vmem>>) offsets(%dma_start3A_22 : memref<128xi32, #tpu.memory_space<vmem>>) semaphore(%arg13 : memref<!tpu.dma_semaphore, #tpu.memory_space<semaphore_mem>>)
        %dma_wait3A = arith.constant 0 : i32
        %dma_wait3A_26 = tpu.memref_slice %arg10[%scan3A_20, %dma_wait3A] : memref<100x128xi32, #tpu.memory_space<vmem>> -> memref<1x128xi32, #tpu.memory_space<vmem>>
        %dma_wait3A_27 = tpu.memref_squeeze %dma_wait3A_26 : memref<1x128xi32, #tpu.memory_space<vmem>> -> memref<128xi32, #tpu.memory_space<vmem>>
        %dma_wait3A_28 = arith.constant 0 : i32
        %dma_wait3A_29 = arith.constant 0 : i32
        %dma_wait3A_30 = tpu.memref_slice %arg2[%dma_wait3A_28, %dma_wait3A_29] : memref<10000x128xf32, #tpu.memory_space<hbm>> -> memref<10000x128xf32, #tpu.memory_space<hbm>>
        tpu.wait_indirect_dma semaphore(%arg13 : memref<!tpu.dma_semaphore, #tpu.memory_space<semaphore_mem>>) src(%dma_wait3A_30 : memref<10000x128xf32, #tpu.memory_space<hbm>>) dst(%arg12 : memref<128x128xf32, #tpu.memory_space<vmem>>)
        "tpu.region"() ({
          %run_scoped3A = tpu.sem_alloc : memref<!tpu.dma_semaphore, #tpu.memory_space<semaphore_mem>>
          %dma_start3A_31 = arith.constant 0 : i32
          %dma_start3A_32 = tpu.memref_slice %arg11[%scan3A_20, %dma_start3A_31] : memref<100x128xi32, #tpu.memory_space<vmem>> -> memref<1x128xi32, #tpu.memory_space<vmem>>
          %dma_start3A_33 = tpu.memref_squeeze %dma_start3A_32 : memref<1x128xi32, #tpu.memory_space<vmem>> -> memref<128xi32, #tpu.memory_space<vmem>>
          %dma_start3A_34 = arith.constant 0 : i32
          %dma_start3A_35 = arith.constant 0 : i32
          %dma_start3A_36 = tpu.memref_slice %arg9[%dma_start3A_34, %dma_start3A_35] : memref<10112x128xf32, #tpu.memory_space<vmem_shared>> -> memref<10112x128xf32, #tpu.memory_space<vmem_shared>>
          tpu.enqueue_indirect_dma source(%arg12 : memref<128x128xf32, #tpu.memory_space<vmem>>) target(%dma_start3A_36 : memref<10112x128xf32, #tpu.memory_space<vmem_shared>>) offsets(%dma_start3A_33 : memref<128xi32, #tpu.memory_space<vmem>>) semaphore(%run_scoped3A : memref<!tpu.dma_semaphore, #tpu.memory_space<semaphore_mem>>) {add = true}
          %dma_wait3A_37 = arith.constant 0 : i32
          %dma_wait3A_38 = tpu.memref_slice %arg11[%scan3A_20, %dma_wait3A_37] : memref<100x128xi32, #tpu.memory_space<vmem>> -> memref<1x128xi32, #tpu.memory_space<vmem>>
          %dma_wait3A_39 = tpu.memref_squeeze %dma_wait3A_38 : memref<1x128xi32, #tpu.memory_space<vmem>> -> memref<128xi32, #tpu.memory_space<vmem>>
          %dma_wait3A_40 = arith.constant 0 : i32
          %dma_wait3A_41 = arith.constant 0 : i32
          %dma_wait3A_42 = tpu.memref_slice %arg9[%dma_wait3A_40, %dma_wait3A_41] : memref<10112x128xf32, #tpu.memory_space<vmem_shared>> -> memref<10112x128xf32, #tpu.memory_space<vmem_shared>>
          tpu.wait_indirect_dma semaphore(%run_scoped3A : memref<!tpu.dma_semaphore, #tpu.memory_space<semaphore_mem>>) src(%arg12 : memref<128x128xf32, #tpu.memory_space<vmem>>) dst(%dma_wait3A_42 : memref<10112x128xf32, #tpu.memory_space<vmem_shared>>)
          tpu.yield
        }) : () -> ()
      }
      %scan3A_19 = arith.constant 100 : i32
    } else {
    }
    %eq3A_5 = arith.constant 1 : i32
    %eq3A_6 = arith.cmpi eq, %arg0, %eq3A_5 : i32
    %convert_element_type3A_7 = arith.extui %eq3A_6 : i1 to i32
    %cond3A_8 = arith.constant 0 : i32
    %cond3A_9 = arith.cmpi ne, %convert_element_type3A_7, %cond3A_8 : i32
    scf.if %cond3A_9 {
      "tpu.region"() ({
        %run_scoped3A = tpu.sem_alloc : memref<!tpu.dma_semaphore, #tpu.memory_space<semaphore_mem>>
        %dma_start3A = arith.constant 0 : i32
        %dma_start3A_20 = arith.constant 0 : i32
        %dma_start3A_21 = tpu.memref_slice %arg10[%dma_start3A, %dma_start3A_20] : memref<100x128xi32, #tpu.memory_space<vmem>> -> memref<58x128xi32, #tpu.memory_space<vmem>>
        %dma_start3A_22 = arith.constant 0 : i32
        %dma_start3A_23 = arith.constant 0 : i32
        %dma_start3A_24 = tpu.memref_slice %arg5[%arg1, %dma_start3A_22, %dma_start3A_23] : memref<16x58x128xi32, #tpu.memory_space<hbm>> -> memref<1x58x128xi32, #tpu.memory_space<hbm>>
        %dma_start3A_25 = tpu.memref_squeeze %dma_start3A_24 : memref<1x58x128xi32, #tpu.memory_space<hbm>> -> memref<58x128xi32, #tpu.memory_space<hbm>>
        %dma_start3A_26 = arith.constant 0 : i32
        %dma_start3A_27 = arith.constant 0 : i32
        %dma_start3A_28 = tpu.memref_slice %arg10[%dma_start3A_26, %dma_start3A_27] : memref<100x128xi32, #tpu.memory_space<vmem>> -> memref<58x128xi32, #tpu.memory_space<vmem>>
        %dma_start3A_29 = arith.constant 0 : i32
        %dma_start3A_30 = arith.constant 0 : i32
        %dma_start3A_31 = tpu.memref_slice %arg5[%arg1, %dma_start3A_29, %dma_start3A_30] : memref<16x58x128xi32, #tpu.memory_space<hbm>> -> memref<1x58x128xi32, #tpu.memory_space<hbm>>
        %dma_start3A_32 = tpu.memref_squeeze %dma_start3A_31 : memref<1x58x128xi32, #tpu.memory_space<hbm>> -> memref<58x128xi32, #tpu.memory_space<hbm>>
        tpu.enqueue_dma source(%dma_start3A_32 : memref<58x128xi32, #tpu.memory_space<hbm>>) target(%dma_start3A_28 : memref<58x128xi32, #tpu.memory_space<vmem>>) target_semaphore(%run_scoped3A : memref<!tpu.dma_semaphore, #tpu.memory_space<semaphore_mem>>)
        %dma_wait3A = arith.constant 0 : i32
        %dma_wait3A_33 = arith.constant 0 : i32
        %dma_wait3A_34 = tpu.memref_slice %arg10[%dma_wait3A, %dma_wait3A_33] : memref<100x128xi32, #tpu.memory_space<vmem>> -> memref<58x128xi32, #tpu.memory_space<vmem>>
        %dma_wait3A_35 = arith.constant 0 : i32
        %dma_wait3A_36 = arith.constant 0 : i32
        %dma_wait3A_37 = tpu.memref_slice %arg5[%arg1, %dma_wait3A_35, %dma_wait3A_36] : memref<16x58x128xi32, #tpu.memory_space<hbm>> -> memref<1x58x128xi32, #tpu.memory_space<hbm>>
        %dma_wait3A_38 = tpu.memref_squeeze %dma_wait3A_37 : memref<1x58x128xi32, #tpu.memory_space<hbm>> -> memref<58x128xi32, #tpu.memory_space<hbm>>
        %dma_wait3A_39 = arith.constant 0 : i32
        %dma_wait3A_40 = arith.constant 0 : i32
        %dma_wait3A_41 = tpu.memref_slice %arg10[%dma_wait3A_39, %dma_wait3A_40] : memref<100x128xi32, #tpu.memory_space<vmem>> -> memref<58x128xi32, #tpu.memory_space<vmem>>
        %dma_wait3A_42 = arith.constant 0 : i32
        %dma_wait3A_43 = arith.constant 0 : i32
        %dma_wait3A_44 = tpu.memref_slice %arg5[%arg1, %dma_wait3A_42, %dma_wait3A_43] : memref<16x58x128xi32, #tpu.memory_space<hbm>> -> memref<1x58x128xi32, #tpu.memory_space<hbm>>
        %dma_wait3A_45 = tpu.memref_squeeze %dma_wait3A_44 : memref<1x58x128xi32, #tpu.memory_space<hbm>> -> memref<58x128xi32, #tpu.memory_space<hbm>>
        tpu.wait_dma2 semaphore(%run_scoped3A : memref<!tpu.dma_semaphore, #tpu.memory_space<semaphore_mem>>) src(%dma_wait3A_45 : memref<58x128xi32, #tpu.memory_space<hbm>>) dst(%dma_wait3A_41 : memref<58x128xi32, #tpu.memory_space<vmem>>)
        tpu.yield
      }) : () -> ()
      "tpu.region"() ({
        %run_scoped3A = tpu.sem_alloc : memref<!tpu.dma_semaphore, #tpu.memory_space<semaphore_mem>>
        %dma_start3A = arith.constant 0 : i32
        %dma_start3A_20 = arith.constant 0 : i32
        %dma_start3A_21 = tpu.memref_slice %arg11[%dma_start3A, %dma_start3A_20] : memref<100x128xi32, #tpu.memory_space<vmem>> -> memref<58x128xi32, #tpu.memory_space<vmem>>
        %dma_start3A_22 = arith.constant 0 : i32
        %dma_start3A_23 = arith.constant 0 : i32
        %dma_start3A_24 = tpu.memref_slice %arg6[%arg1, %dma_start3A_22, %dma_start3A_23] : memref<16x58x128xi32, #tpu.memory_space<hbm>> -> memref<1x58x128xi32, #tpu.memory_space<hbm>>
        %dma_start3A_25 = tpu.memref_squeeze %dma_start3A_24 : memref<1x58x128xi32, #tpu.memory_space<hbm>> -> memref<58x128xi32, #tpu.memory_space<hbm>>
        %dma_start3A_26 = arith.constant 0 : i32
        %dma_start3A_27 = arith.constant 0 : i32
        %dma_start3A_28 = tpu.memref_slice %arg11[%dma_start3A_26, %dma_start3A_27] : memref<100x128xi32, #tpu.memory_space<vmem>> -> memref<58x128xi32, #tpu.memory_space<vmem>>
        %dma_start3A_29 = arith.constant 0 : i32
        %dma_start3A_30 = arith.constant 0 : i32
        %dma_start3A_31 = tpu.memref_slice %arg6[%arg1, %dma_start3A_29, %dma_start3A_30] : memref<16x58x128xi32, #tpu.memory_space<hbm>> -> memref<1x58x128xi32, #tpu.memory_space<hbm>>
        %dma_start3A_32 = tpu.memref_squeeze %dma_start3A_31 : memref<1x58x128xi32, #tpu.memory_space<hbm>> -> memref<58x128xi32, #tpu.memory_space<hbm>>
        tpu.enqueue_dma source(%dma_start3A_32 : memref<58x128xi32, #tpu.memory_space<hbm>>) target(%dma_start3A_28 : memref<58x128xi32, #tpu.memory_space<vmem>>) target_semaphore(%run_scoped3A : memref<!tpu.dma_semaphore, #tpu.memory_space<semaphore_mem>>)
        %dma_wait3A = arith.constant 0 : i32
        %dma_wait3A_33 = arith.constant 0 : i32
        %dma_wait3A_34 = tpu.memref_slice %arg11[%dma_wait3A, %dma_wait3A_33] : memref<100x128xi32, #tpu.memory_space<vmem>> -> memref<58x128xi32, #tpu.memory_space<vmem>>
        %dma_wait3A_35 = arith.constant 0 : i32
        %dma_wait3A_36 = arith.constant 0 : i32
        %dma_wait3A_37 = tpu.memref_slice %arg6[%arg1, %dma_wait3A_35, %dma_wait3A_36] : memref<16x58x128xi32, #tpu.memory_space<hbm>> -> memref<1x58x128xi32, #tpu.memory_space<hbm>>
        %dma_wait3A_38 = tpu.memref_squeeze %dma_wait3A_37 : memref<1x58x128xi32, #tpu.memory_space<hbm>> -> memref<58x128xi32, #tpu.memory_space<hbm>>
        %dma_wait3A_39 = arith.constant 0 : i32
        %dma_wait3A_40 = arith.constant 0 : i32
        %dma_wait3A_41 = tpu.memref_slice %arg11[%dma_wait3A_39, %dma_wait3A_40] : memref<100x128xi32, #tpu.memory_space<vmem>> -> memref<58x128xi32, #tpu.memory_space<vmem>>
        %dma_wait3A_42 = arith.constant 0 : i32
        %dma_wait3A_43 = arith.constant 0 : i32
        %dma_wait3A_44 = tpu.memref_slice %arg6[%arg1, %dma_wait3A_42, %dma_wait3A_43] : memref<16x58x128xi32, #tpu.memory_space<hbm>> -> memref<1x58x128xi32, #tpu.memory_space<hbm>>
        %dma_wait3A_45 = tpu.memref_squeeze %dma_wait3A_44 : memref<1x58x128xi32, #tpu.memory_space<hbm>> -> memref<58x128xi32, #tpu.memory_space<hbm>>
        tpu.wait_dma2 semaphore(%run_scoped3A : memref<!tpu.dma_semaphore, #tpu.memory_space<semaphore_mem>>) src(%dma_wait3A_45 : memref<58x128xi32, #tpu.memory_space<hbm>>) dst(%dma_wait3A_41 : memref<58x128xi32, #tpu.memory_space<vmem>>)
        tpu.yield
      }) : () -> ()
      %scan3A = arith.constant 0 : i32
      %scan3A_15 = arith.constant 0 : i32
      %scan3A_16 = arith.constant 58 : i32
      %scan3A_17 = arith.addi %scan3A_15, %scan3A_16 : i32
      %scan3A_18 = arith.constant 1 : i32
      scf.for %scan3A_20 = %scan3A_15 to %scan3A_17 step %scan3A_18  : i32 {
        %dma_start3A = arith.constant 0 : i32
        %dma_start3A_21 = tpu.memref_slice %arg10[%scan3A_20, %dma_start3A] : memref<100x128xi32, #tpu.memory_space<vmem>> -> memref<1x128xi32, #tpu.memory_space<vmem>>
        %dma_start3A_22 = tpu.memref_squeeze %dma_start3A_21 : memref<1x128xi32, #tpu.memory_space<vmem>> -> memref<128xi32, #tpu.memory_space<vmem>>
        %dma_start3A_23 = arith.constant 0 : i32
        %dma_start3A_24 = arith.constant 0 : i32
        %dma_start3A_25 = tpu.memref_slice %arg2[%dma_start3A_23, %dma_start3A_24] : memref<10000x128xf32, #tpu.memory_space<hbm>> -> memref<10000x128xf32, #tpu.memory_space<hbm>>
        tpu.enqueue_indirect_dma source(%dma_start3A_25 : memref<10000x128xf32, #tpu.memory_space<hbm>>) target(%arg12 : memref<128x128xf32, #tpu.memory_space<vmem>>) offsets(%dma_start3A_22 : memref<128xi32, #tpu.memory_space<vmem>>) semaphore(%arg13 : memref<!tpu.dma_semaphore, #tpu.memory_space<semaphore_mem>>)
        %dma_wait3A = arith.constant 0 : i32
        %dma_wait3A_26 = tpu.memref_slice %arg10[%scan3A_20, %dma_wait3A] : memref<100x128xi32, #tpu.memory_space<vmem>> -> memref<1x128xi32, #tpu.memory_space<vmem>>
        %dma_wait3A_27 = tpu.memref_squeeze %dma_wait3A_26 : memref<1x128xi32, #tpu.memory_space<vmem>> -> memref<128xi32, #tpu.memory_space<vmem>>
        %dma_wait3A_28 = arith.constant 0 : i32
        %dma_wait3A_29 = arith.constant 0 : i32
        %dma_wait3A_30 = tpu.memref_slice %arg2[%dma_wait3A_28, %dma_wait3A_29] : memref<10000x128xf32, #tpu.memory_space<hbm>> -> memref<10000x128xf32, #tpu.memory_space<hbm>>
        tpu.wait_indirect_dma semaphore(%arg13 : memref<!tpu.dma_semaphore, #tpu.memory_space<semaphore_mem>>) src(%dma_wait3A_30 : memref<10000x128xf32, #tpu.memory_space<hbm>>) dst(%arg12 : memref<128x128xf32, #tpu.memory_space<vmem>>)
        "tpu.region"() ({
          %run_scoped3A = tpu.sem_alloc : memref<!tpu.dma_semaphore, #tpu.memory_space<semaphore_mem>>
          %dma_start3A_31 = arith.constant 0 : i32
          %dma_start3A_32 = tpu.memref_slice %arg11[%scan3A_20, %dma_start3A_31] : memref<100x128xi32, #tpu.memory_space<vmem>> -> memref<1x128xi32, #tpu.memory_space<vmem>>
          %dma_start3A_33 = tpu.memref_squeeze %dma_start3A_32 : memref<1x128xi32, #tpu.memory_space<vmem>> -> memref<128xi32, #tpu.memory_space<vmem>>
          %dma_start3A_34 = arith.constant 0 : i32
          %dma_start3A_35 = arith.constant 0 : i32
          %dma_start3A_36 = tpu.memref_slice %arg9[%dma_start3A_34, %dma_start3A_35] : memref<10112x128xf32, #tpu.memory_space<vmem_shared>> -> memref<10112x128xf32, #tpu.memory_space<vmem_shared>>
          tpu.enqueue_indirect_dma source(%arg12 : memref<128x128xf32, #tpu.memory_space<vmem>>) target(%dma_start3A_36 : memref<10112x128xf32, #tpu.memory_space<vmem_shared>>) offsets(%dma_start3A_33 : memref<128xi32, #tpu.memory_space<vmem>>) semaphore(%run_scoped3A : memref<!tpu.dma_semaphore, #tpu.memory_space<semaphore_mem>>) {add = true}
          %dma_wait3A_37 = arith.constant 0 : i32
          %dma_wait3A_38 = tpu.memref_slice %arg11[%scan3A_20, %dma_wait3A_37] : memref<100x128xi32, #tpu.memory_space<vmem>> -> memref<1x128xi32, #tpu.memory_space<vmem>>
          %dma_wait3A_39 = tpu.memref_squeeze %dma_wait3A_38 : memref<1x128xi32, #tpu.memory_space<vmem>> -> memref<128xi32, #tpu.memory_space<vmem>>
          %dma_wait3A_40 = arith.constant 0 : i32
          %dma_wait3A_41 = arith.constant 0 : i32
          %dma_wait3A_42 = tpu.memref_slice %arg9[%dma_wait3A_40, %dma_wait3A_41] : memref<10112x128xf32, #tpu.memory_space<vmem_shared>> -> memref<10112x128xf32, #tpu.memory_space<vmem_shared>>
          tpu.wait_indirect_dma semaphore(%run_scoped3A : memref<!tpu.dma_semaphore, #tpu.memory_space<semaphore_mem>>) src(%arg12 : memref<128x128xf32, #tpu.memory_space<vmem>>) dst(%dma_wait3A_42 : memref<10112x128xf32, #tpu.memory_space<vmem_shared>>)
          tpu.yield
        }) : () -> ()
      }
      %scan3A_19 = arith.constant 58 : i32
    } else {
    }
    %barrier3A_10 = arith.constant 0 : index
    tpu.barrier barrier_id(%barrier3A_10)
    %mul3A_11 = arith.constant 632 : i32
    %mul3A_12 = arith.muli %arg1, %mul3A_11 : i32
    %mul3A_13 = arith.constant 632 : i32
    %mul3A_14 = arith.muli %arg1, %mul3A_13 : i32
    "tpu.region"() ({
      %run_scoped3A = tpu.sem_alloc : memref<!tpu.dma_semaphore, #tpu.memory_space<semaphore_mem>>
      %dma_start3A = arith.constant 0 : i32
      %dma_start3A_15 = tpu.memref_slice %arg8[%arg0, %mul3A_14, %dma_start3A] : memref<2x10112x128xf32, #tpu.memory_space<hbm>> -> memref<1x632x128xf32, #tpu.memory_space<hbm>>
      %dma_start3A_16 = tpu.memref_squeeze %dma_start3A_15 : memref<1x632x128xf32, #tpu.memory_space<hbm>> -> memref<632x128xf32, #tpu.memory_space<hbm>>
      %dma_start3A_17 = arith.constant 0 : i32
      %dma_start3A_18 = tpu.memref_slice %arg9[%mul3A_12, %dma_start3A_17] : memref<10112x128xf32, #tpu.memory_space<vmem_shared>> -> memref<632x128xf32, #tpu.memory_space<vmem_shared>>
      tpu.enqueue_dma source(%dma_start3A_18 : memref<632x128xf32, #tpu.memory_space<vmem_shared>>) target(%dma_start3A_16 : memref<632x128xf32, #tpu.memory_space<hbm>>) target_semaphore(%run_scoped3A : memref<!tpu.dma_semaphore, #tpu.memory_space<semaphore_mem>>)
      %dma_wait3A = arith.constant 0 : i32
      %dma_wait3A_19 = tpu.memref_slice %arg8[%arg0, %mul3A_14, %dma_wait3A] : memref<2x10112x128xf32, #tpu.memory_space<hbm>> -> memref<1x632x128xf32, #tpu.memory_space<hbm>>
      %dma_wait3A_20 = tpu.memref_squeeze %dma_wait3A_19 : memref<1x632x128xf32, #tpu.memory_space<hbm>> -> memref<632x128xf32, #tpu.memory_space<hbm>>
      %dma_wait3A_21 = arith.constant 0 : i32
      %dma_wait3A_22 = tpu.memref_slice %arg9[%mul3A_12, %dma_wait3A_21] : memref<10112x128xf32, #tpu.memory_space<vmem_shared>> -> memref<632x128xf32, #tpu.memory_space<vmem_shared>>
      tpu.wait_dma2 semaphore(%run_scoped3A : memref<!tpu.dma_semaphore, #tpu.memory_space<semaphore_mem>>) src(%dma_wait3A_22 : memref<632x128xf32, #tpu.memory_space<vmem_shared>>) dst(%dma_wait3A_20 : memref<632x128xf32, #tpu.memory_space<hbm>>)
      tpu.yield
    }) : () -> ()
    return
  }
}

#map = affine_map<(d0, d1) -> (0, 0)>
#map1 = affine_map<(d0, d1) -> (0, 0, 0)>
module attributes {stable_mosaic.version = 14 : i64} {
  func.func @k(%arg0: i32, %arg1: i32, %arg2: memref<10000x128xf32, #tpu.memory_space<hbm>>, %arg3: memref<16x100x128xi32, #tpu.memory_space<hbm>>, %arg4: memref<16x100x128xi32, #tpu.memory_space<hbm>>, %arg5: memref<16x58x128xi32, #tpu.memory_space<hbm>>, %arg6: memref<16x58x128xi32, #tpu.memory_space<hbm>>, %arg7: memref<10112x128xf32, #tpu.memory_space<hbm>>, %arg8: memref<2x10112x128xf32, #tpu.memory_space<hbm>>, %arg9: memref<10112x128xf32, #tpu.memory_space<vmem_shared>>, %arg10: memref<100x128xi32, #tpu.memory_space<vmem>>, %arg11: memref<100x128xi32, #tpu.memory_space<vmem>>, %arg12: memref<128x128xf32, #tpu.memory_space<vmem>>, %arg13: memref<!tpu.dma_semaphore, #tpu.memory_space<semaphore_mem>>) attributes {dimension_semantics = [#tpu.dimension_semantics<core_parallel>, #tpu.dimension_semantics<subcore_parallel>], iteration_bounds = array<i64: 2, 16>, scalar_prefetch = 0 : i64, scratch_operands = 5 : i64, tpu.core_type = #tpu.core_type<sc_vector_subcore>, window_params = [{transform_indices = #map}, {transform_indices = #map1}, {transform_indices = #map1}, {transform_indices = #map1}, {transform_indices = #map1}, {transform_indices = #map}, {transform_indices = #map1}]} {
    %mul3A = arith.constant 632 : i32
    %mul3A_0 = arith.muli %arg1, %mul3A : i32
    %mul3A_1 = arith.constant 632 : i32
    %mul3A_2 = arith.muli %arg1, %mul3A_1 : i32
    "tpu.region"() ({
      %run_scoped3A = tpu.sem_alloc : memref<!tpu.dma_semaphore, #tpu.memory_space<semaphore_mem>>
      %dma_start3A = arith.constant 0 : i32
      %dma_start3A_15 = tpu.memref_slice %arg9[%mul3A_2, %dma_start3A] : memref<10112x128xf32, #tpu.memory_space<vmem_shared>> -> memref<632x128xf32, #tpu.memory_space<vmem_shared>>
      %dma_start3A_16 = arith.constant 0 : i32
      %dma_start3A_17 = tpu.memref_slice %arg7[%mul3A_0, %dma_start3A_16] : memref<10112x128xf32, #tpu.memory_space<hbm>> -> memref<632x128xf32, #tpu.memory_space<hbm>>
      tpu.enqueue_dma source(%dma_start3A_17 : memref<632x128xf32, #tpu.memory_space<hbm>>) target(%dma_start3A_15 : memref<632x128xf32, #tpu.memory_space<vmem_shared>>) target_semaphore(%run_scoped3A : memref<!tpu.dma_semaphore, #tpu.memory_space<semaphore_mem>>)
      %dma_wait3A = arith.constant 0 : i32
      %dma_wait3A_18 = tpu.memref_slice %arg9[%mul3A_2, %dma_wait3A] : memref<10112x128xf32, #tpu.memory_space<vmem_shared>> -> memref<632x128xf32, #tpu.memory_space<vmem_shared>>
      %dma_wait3A_19 = arith.constant 0 : i32
      %dma_wait3A_20 = tpu.memref_slice %arg7[%mul3A_0, %dma_wait3A_19] : memref<10112x128xf32, #tpu.memory_space<hbm>> -> memref<632x128xf32, #tpu.memory_space<hbm>>
      tpu.wait_dma2 semaphore(%run_scoped3A : memref<!tpu.dma_semaphore, #tpu.memory_space<semaphore_mem>>) src(%dma_wait3A_20 : memref<632x128xf32, #tpu.memory_space<hbm>>) dst(%dma_wait3A_18 : memref<632x128xf32, #tpu.memory_space<vmem_shared>>)
      tpu.yield
    }) : () -> ()
    %barrier3A = arith.constant 0 : index
    tpu.barrier barrier_id(%barrier3A)
    %eq3A = arith.constant 0 : i32
    %eq3A_3 = arith.cmpi eq, %arg0, %eq3A : i32
    %convert_element_type3A = arith.extui %eq3A_3 : i1 to i32
    %cond3A = arith.constant 0 : i32
    %cond3A_4 = arith.cmpi ne, %convert_element_type3A, %cond3A : i32
    scf.if %cond3A_4 {
      "tpu.region"() ({
        %run_scoped3A = tpu.sem_alloc : memref<!tpu.dma_semaphore, #tpu.memory_space<semaphore_mem>>
        %dma_start3A = arith.constant 0 : i32
        %dma_start3A_20 = arith.constant 0 : i32
        %dma_start3A_21 = tpu.memref_slice %arg10[%dma_start3A, %dma_start3A_20] : memref<100x128xi32, #tpu.memory_space<vmem>> -> memref<100x128xi32, #tpu.memory_space<vmem>>
        %dma_start3A_22 = arith.constant 0 : i32
        %dma_start3A_23 = arith.constant 0 : i32
        %dma_start3A_24 = tpu.memref_slice %arg3[%arg1, %dma_start3A_22, %dma_start3A_23] : memref<16x100x128xi32, #tpu.memory_space<hbm>> -> memref<1x100x128xi32, #tpu.memory_space<hbm>>
        %dma_start3A_25 = tpu.memref_squeeze %dma_start3A_24 : memref<1x100x128xi32, #tpu.memory_space<hbm>> -> memref<100x128xi32, #tpu.memory_space<hbm>>
        %dma_start3A_26 = arith.constant 0 : i32
        %dma_start3A_27 = arith.constant 0 : i32
        %dma_start3A_28 = tpu.memref_slice %arg10[%dma_start3A_26, %dma_start3A_27] : memref<100x128xi32, #tpu.memory_space<vmem>> -> memref<100x128xi32, #tpu.memory_space<vmem>>
        %dma_start3A_29 = arith.constant 0 : i32
        %dma_start3A_30 = arith.constant 0 : i32
        %dma_start3A_31 = tpu.memref_slice %arg3[%arg1, %dma_start3A_29, %dma_start3A_30] : memref<16x100x128xi32, #tpu.memory_space<hbm>> -> memref<1x100x128xi32, #tpu.memory_space<hbm>>
        %dma_start3A_32 = tpu.memref_squeeze %dma_start3A_31 : memref<1x100x128xi32, #tpu.memory_space<hbm>> -> memref<100x128xi32, #tpu.memory_space<hbm>>
        tpu.enqueue_dma source(%dma_start3A_32 : memref<100x128xi32, #tpu.memory_space<hbm>>) target(%dma_start3A_28 : memref<100x128xi32, #tpu.memory_space<vmem>>) target_semaphore(%run_scoped3A : memref<!tpu.dma_semaphore, #tpu.memory_space<semaphore_mem>>)
        %dma_wait3A = arith.constant 0 : i32
        %dma_wait3A_33 = arith.constant 0 : i32
        %dma_wait3A_34 = tpu.memref_slice %arg10[%dma_wait3A, %dma_wait3A_33] : memref<100x128xi32, #tpu.memory_space<vmem>> -> memref<100x128xi32, #tpu.memory_space<vmem>>
        %dma_wait3A_35 = arith.constant 0 : i32
        %dma_wait3A_36 = arith.constant 0 : i32
        %dma_wait3A_37 = tpu.memref_slice %arg3[%arg1, %dma_wait3A_35, %dma_wait3A_36] : memref<16x100x128xi32, #tpu.memory_space<hbm>> -> memref<1x100x128xi32, #tpu.memory_space<hbm>>
        %dma_wait3A_38 = tpu.memref_squeeze %dma_wait3A_37 : memref<1x100x128xi32, #tpu.memory_space<hbm>> -> memref<100x128xi32, #tpu.memory_space<hbm>>
        %dma_wait3A_39 = arith.constant 0 : i32
        %dma_wait3A_40 = arith.constant 0 : i32
        %dma_wait3A_41 = tpu.memref_slice %arg10[%dma_wait3A_39, %dma_wait3A_40] : memref<100x128xi32, #tpu.memory_space<vmem>> -> memref<100x128xi32, #tpu.memory_space<vmem>>
        %dma_wait3A_42 = arith.constant 0 : i32
        %dma_wait3A_43 = arith.constant 0 : i32
        %dma_wait3A_44 = tpu.memref_slice %arg3[%arg1, %dma_wait3A_42, %dma_wait3A_43] : memref<16x100x128xi32, #tpu.memory_space<hbm>> -> memref<1x100x128xi32, #tpu.memory_space<hbm>>
        %dma_wait3A_45 = tpu.memref_squeeze %dma_wait3A_44 : memref<1x100x128xi32, #tpu.memory_space<hbm>> -> memref<100x128xi32, #tpu.memory_space<hbm>>
        tpu.wait_dma2 semaphore(%run_scoped3A : memref<!tpu.dma_semaphore, #tpu.memory_space<semaphore_mem>>) src(%dma_wait3A_45 : memref<100x128xi32, #tpu.memory_space<hbm>>) dst(%dma_wait3A_41 : memref<100x128xi32, #tpu.memory_space<vmem>>)
        tpu.yield
      }) : () -> ()
      "tpu.region"() ({
        %run_scoped3A = tpu.sem_alloc : memref<!tpu.dma_semaphore, #tpu.memory_space<semaphore_mem>>
        %dma_start3A = arith.constant 0 : i32
        %dma_start3A_20 = arith.constant 0 : i32
        %dma_start3A_21 = tpu.memref_slice %arg11[%dma_start3A, %dma_start3A_20] : memref<100x128xi32, #tpu.memory_space<vmem>> -> memref<100x128xi32, #tpu.memory_space<vmem>>
        %dma_start3A_22 = arith.constant 0 : i32
        %dma_start3A_23 = arith.constant 0 : i32
        %dma_start3A_24 = tpu.memref_slice %arg4[%arg1, %dma_start3A_22, %dma_start3A_23] : memref<16x100x128xi32, #tpu.memory_space<hbm>> -> memref<1x100x128xi32, #tpu.memory_space<hbm>>
        %dma_start3A_25 = tpu.memref_squeeze %dma_start3A_24 : memref<1x100x128xi32, #tpu.memory_space<hbm>> -> memref<100x128xi32, #tpu.memory_space<hbm>>
        %dma_start3A_26 = arith.constant 0 : i32
        %dma_start3A_27 = arith.constant 0 : i32
        %dma_start3A_28 = tpu.memref_slice %arg11[%dma_start3A_26, %dma_start3A_27] : memref<100x128xi32, #tpu.memory_space<vmem>> -> memref<100x128xi32, #tpu.memory_space<vmem>>
        %dma_start3A_29 = arith.constant 0 : i32
        %dma_start3A_30 = arith.constant 0 : i32
        %dma_start3A_31 = tpu.memref_slice %arg4[%arg1, %dma_start3A_29, %dma_start3A_30] : memref<16x100x128xi32, #tpu.memory_space<hbm>> -> memref<1x100x128xi32, #tpu.memory_space<hbm>>
        %dma_start3A_32 = tpu.memref_squeeze %dma_start3A_31 : memref<1x100x128xi32, #tpu.memory_space<hbm>> -> memref<100x128xi32, #tpu.memory_space<hbm>>
        tpu.enqueue_dma source(%dma_start3A_32 : memref<100x128xi32, #tpu.memory_space<hbm>>) target(%dma_start3A_28 : memref<100x128xi32, #tpu.memory_space<vmem>>) target_semaphore(%run_scoped3A : memref<!tpu.dma_semaphore, #tpu.memory_space<semaphore_mem>>)
        %dma_wait3A = arith.constant 0 : i32
        %dma_wait3A_33 = arith.constant 0 : i32
        %dma_wait3A_34 = tpu.memref_slice %arg11[%dma_wait3A, %dma_wait3A_33] : memref<100x128xi32, #tpu.memory_space<vmem>> -> memref<100x128xi32, #tpu.memory_space<vmem>>
        %dma_wait3A_35 = arith.constant 0 : i32
        %dma_wait3A_36 = arith.constant 0 : i32
        %dma_wait3A_37 = tpu.memref_slice %arg4[%arg1, %dma_wait3A_35, %dma_wait3A_36] : memref<16x100x128xi32, #tpu.memory_space<hbm>> -> memref<1x100x128xi32, #tpu.memory_space<hbm>>
        %dma_wait3A_38 = tpu.memref_squeeze %dma_wait3A_37 : memref<1x100x128xi32, #tpu.memory_space<hbm>> -> memref<100x128xi32, #tpu.memory_space<hbm>>
        %dma_wait3A_39 = arith.constant 0 : i32
        %dma_wait3A_40 = arith.constant 0 : i32
        %dma_wait3A_41 = tpu.memref_slice %arg11[%dma_wait3A_39, %dma_wait3A_40] : memref<100x128xi32, #tpu.memory_space<vmem>> -> memref<100x128xi32, #tpu.memory_space<vmem>>
        %dma_wait3A_42 = arith.constant 0 : i32
        %dma_wait3A_43 = arith.constant 0 : i32
        %dma_wait3A_44 = tpu.memref_slice %arg4[%arg1, %dma_wait3A_42, %dma_wait3A_43] : memref<16x100x128xi32, #tpu.memory_space<hbm>> -> memref<1x100x128xi32, #tpu.memory_space<hbm>>
        %dma_wait3A_45 = tpu.memref_squeeze %dma_wait3A_44 : memref<1x100x128xi32, #tpu.memory_space<hbm>> -> memref<100x128xi32, #tpu.memory_space<hbm>>
        tpu.wait_dma2 semaphore(%run_scoped3A : memref<!tpu.dma_semaphore, #tpu.memory_space<semaphore_mem>>) src(%dma_wait3A_45 : memref<100x128xi32, #tpu.memory_space<hbm>>) dst(%dma_wait3A_41 : memref<100x128xi32, #tpu.memory_space<vmem>>)
        tpu.yield
      }) : () -> ()
      %scan3A = arith.constant 0 : i32
      %scan3A_15 = arith.constant 0 : i32
      %scan3A_16 = arith.constant 100 : i32
      %scan3A_17 = arith.addi %scan3A_15, %scan3A_16 : i32
      %scan3A_18 = arith.constant 1 : i32
      scf.for %scan3A_20 = %scan3A_15 to %scan3A_17 step %scan3A_18  : i32 {
        %dma_start3A = arith.constant 0 : i32
        %dma_start3A_21 = tpu.memref_slice %arg10[%scan3A_20, %dma_start3A] : memref<100x128xi32, #tpu.memory_space<vmem>> -> memref<1x128xi32, #tpu.memory_space<vmem>>
        %dma_start3A_22 = tpu.memref_squeeze %dma_start3A_21 : memref<1x128xi32, #tpu.memory_space<vmem>> -> memref<128xi32, #tpu.memory_space<vmem>>
        %dma_start3A_23 = arith.constant 0 : i32
        %dma_start3A_24 = arith.constant 0 : i32
        %dma_start3A_25 = tpu.memref_slice %arg2[%dma_start3A_23, %dma_start3A_24] : memref<10000x128xf32, #tpu.memory_space<hbm>> -> memref<10000x128xf32, #tpu.memory_space<hbm>>
        tpu.enqueue_indirect_dma source(%dma_start3A_25 : memref<10000x128xf32, #tpu.memory_space<hbm>>) target(%arg12 : memref<128x128xf32, #tpu.memory_space<vmem>>) offsets(%dma_start3A_22 : memref<128xi32, #tpu.memory_space<vmem>>) semaphore(%arg13 : memref<!tpu.dma_semaphore, #tpu.memory_space<semaphore_mem>>)
        %dma_wait3A = arith.constant 0 : i32
        %dma_wait3A_26 = tpu.memref_slice %arg10[%scan3A_20, %dma_wait3A] : memref<100x128xi32, #tpu.memory_space<vmem>> -> memref<1x128xi32, #tpu.memory_space<vmem>>
        %dma_wait3A_27 = tpu.memref_squeeze %dma_wait3A_26 : memref<1x128xi32, #tpu.memory_space<vmem>> -> memref<128xi32, #tpu.memory_space<vmem>>
        %dma_wait3A_28 = arith.constant 0 : i32
        %dma_wait3A_29 = arith.constant 0 : i32
        %dma_wait3A_30 = tpu.memref_slice %arg2[%dma_wait3A_28, %dma_wait3A_29] : memref<10000x128xf32, #tpu.memory_space<hbm>> -> memref<10000x128xf32, #tpu.memory_space<hbm>>
        tpu.wait_indirect_dma semaphore(%arg13 : memref<!tpu.dma_semaphore, #tpu.memory_space<semaphore_mem>>) src(%dma_wait3A_30 : memref<10000x128xf32, #tpu.memory_space<hbm>>) dst(%arg12 : memref<128x128xf32, #tpu.memory_space<vmem>>)
        "tpu.region"() ({
          %run_scoped3A = tpu.sem_alloc : memref<!tpu.dma_semaphore, #tpu.memory_space<semaphore_mem>>
          %dma_start3A_31 = arith.constant 0 : i32
          %dma_start3A_32 = tpu.memref_slice %arg11[%scan3A_20, %dma_start3A_31] : memref<100x128xi32, #tpu.memory_space<vmem>> -> memref<1x128xi32, #tpu.memory_space<vmem>>
          %dma_start3A_33 = tpu.memref_squeeze %dma_start3A_32 : memref<1x128xi32, #tpu.memory_space<vmem>> -> memref<128xi32, #tpu.memory_space<vmem>>
          %dma_start3A_34 = arith.constant 0 : i32
          %dma_start3A_35 = arith.constant 0 : i32
          %dma_start3A_36 = tpu.memref_slice %arg9[%dma_start3A_34, %dma_start3A_35] : memref<10112x128xf32, #tpu.memory_space<vmem_shared>> -> memref<10112x128xf32, #tpu.memory_space<vmem_shared>>
          tpu.enqueue_indirect_dma source(%arg12 : memref<128x128xf32, #tpu.memory_space<vmem>>) target(%dma_start3A_36 : memref<10112x128xf32, #tpu.memory_space<vmem_shared>>) offsets(%dma_start3A_33 : memref<128xi32, #tpu.memory_space<vmem>>) semaphore(%run_scoped3A : memref<!tpu.dma_semaphore, #tpu.memory_space<semaphore_mem>>) {add = true}
          %dma_wait3A_37 = arith.constant 0 : i32
          %dma_wait3A_38 = tpu.memref_slice %arg11[%scan3A_20, %dma_wait3A_37] : memref<100x128xi32, #tpu.memory_space<vmem>> -> memref<1x128xi32, #tpu.memory_space<vmem>>
          %dma_wait3A_39 = tpu.memref_squeeze %dma_wait3A_38 : memref<1x128xi32, #tpu.memory_space<vmem>> -> memref<128xi32, #tpu.memory_space<vmem>>
          %dma_wait3A_40 = arith.constant 0 : i32
          %dma_wait3A_41 = arith.constant 0 : i32
          %dma_wait3A_42 = tpu.memref_slice %arg9[%dma_wait3A_40, %dma_wait3A_41] : memref<10112x128xf32, #tpu.memory_space<vmem_shared>> -> memref<10112x128xf32, #tpu.memory_space<vmem_shared>>
          tpu.wait_indirect_dma semaphore(%run_scoped3A : memref<!tpu.dma_semaphore, #tpu.memory_space<semaphore_mem>>) src(%arg12 : memref<128x128xf32, #tpu.memory_space<vmem>>) dst(%dma_wait3A_42 : memref<10112x128xf32, #tpu.memory_space<vmem_shared>>)
          tpu.yield
        }) : () -> ()
      }
      %scan3A_19 = arith.constant 100 : i32
    } else {
    }
    %eq3A_5 = arith.constant 1 : i32
    %eq3A_6 = arith.cmpi eq, %arg0, %eq3A_5 : i32
    %convert_element_type3A_7 = arith.extui %eq3A_6 : i1 to i32
    %cond3A_8 = arith.constant 0 : i32
    %cond3A_9 = arith.cmpi ne, %convert_element_type3A_7, %cond3A_8 : i32
    scf.if %cond3A_9 {
      "tpu.region"() ({
        %run_scoped3A = tpu.sem_alloc : memref<!tpu.dma_semaphore, #tpu.memory_space<semaphore_mem>>
        %dma_start3A = arith.constant 0 : i32
        %dma_start3A_20 = arith.constant 0 : i32
        %dma_start3A_21 = tpu.memref_slice %arg10[%dma_start3A, %dma_start3A_20] : memref<100x128xi32, #tpu.memory_space<vmem>> -> memref<58x128xi32, #tpu.memory_space<vmem>>
        %dma_start3A_22 = arith.constant 0 : i32
        %dma_start3A_23 = arith.constant 0 : i32
        %dma_start3A_24 = tpu.memref_slice %arg5[%arg1, %dma_start3A_22, %dma_start3A_23] : memref<16x58x128xi32, #tpu.memory_space<hbm>> -> memref<1x58x128xi32, #tpu.memory_space<hbm>>
        %dma_start3A_25 = tpu.memref_squeeze %dma_start3A_24 : memref<1x58x128xi32, #tpu.memory_space<hbm>> -> memref<58x128xi32, #tpu.memory_space<hbm>>
        %dma_start3A_26 = arith.constant 0 : i32
        %dma_start3A_27 = arith.constant 0 : i32
        %dma_start3A_28 = tpu.memref_slice %arg10[%dma_start3A_26, %dma_start3A_27] : memref<100x128xi32, #tpu.memory_space<vmem>> -> memref<58x128xi32, #tpu.memory_space<vmem>>
        %dma_start3A_29 = arith.constant 0 : i32
        %dma_start3A_30 = arith.constant 0 : i32
        %dma_start3A_31 = tpu.memref_slice %arg5[%arg1, %dma_start3A_29, %dma_start3A_30] : memref<16x58x128xi32, #tpu.memory_space<hbm>> -> memref<1x58x128xi32, #tpu.memory_space<hbm>>
        %dma_start3A_32 = tpu.memref_squeeze %dma_start3A_31 : memref<1x58x128xi32, #tpu.memory_space<hbm>> -> memref<58x128xi32, #tpu.memory_space<hbm>>
        tpu.enqueue_dma source(%dma_start3A_32 : memref<58x128xi32, #tpu.memory_space<hbm>>) target(%dma_start3A_28 : memref<58x128xi32, #tpu.memory_space<vmem>>) target_semaphore(%run_scoped3A : memref<!tpu.dma_semaphore, #tpu.memory_space<semaphore_mem>>)
        %dma_wait3A = arith.constant 0 : i32
        %dma_wait3A_33 = arith.constant 0 : i32
        %dma_wait3A_34 = tpu.memref_slice %arg10[%dma_wait3A, %dma_wait3A_33] : memref<100x128xi32, #tpu.memory_space<vmem>> -> memref<58x128xi32, #tpu.memory_space<vmem>>
        %dma_wait3A_35 = arith.constant 0 : i32
        %dma_wait3A_36 = arith.constant 0 : i32
        %dma_wait3A_37 = tpu.memref_slice %arg5[%arg1, %dma_wait3A_35, %dma_wait3A_36] : memref<16x58x128xi32, #tpu.memory_space<hbm>> -> memref<1x58x128xi32, #tpu.memory_space<hbm>>
        %dma_wait3A_38 = tpu.memref_squeeze %dma_wait3A_37 : memref<1x58x128xi32, #tpu.memory_space<hbm>> -> memref<58x128xi32, #tpu.memory_space<hbm>>
        %dma_wait3A_39 = arith.constant 0 : i32
        %dma_wait3A_40 = arith.constant 0 : i32
        %dma_wait3A_41 = tpu.memref_slice %arg10[%dma_wait3A_39, %dma_wait3A_40] : memref<100x128xi32, #tpu.memory_space<vmem>> -> memref<58x128xi32, #tpu.memory_space<vmem>>
        %dma_wait3A_42 = arith.constant 0 : i32
        %dma_wait3A_43 = arith.constant 0 : i32
        %dma_wait3A_44 = tpu.memref_slice %arg5[%arg1, %dma_wait3A_42, %dma_wait3A_43] : memref<16x58x128xi32, #tpu.memory_space<hbm>> -> memref<1x58x128xi32, #tpu.memory_space<hbm>>
        %dma_wait3A_45 = tpu.memref_squeeze %dma_wait3A_44 : memref<1x58x128xi32, #tpu.memory_space<hbm>> -> memref<58x128xi32, #tpu.memory_space<hbm>>
        tpu.wait_dma2 semaphore(%run_scoped3A : memref<!tpu.dma_semaphore, #tpu.memory_space<semaphore_mem>>) src(%dma_wait3A_45 : memref<58x128xi32, #tpu.memory_space<hbm>>) dst(%dma_wait3A_41 : memref<58x128xi32, #tpu.memory_space<vmem>>)
        tpu.yield
      }) : () -> ()
      "tpu.region"() ({
        %run_scoped3A = tpu.sem_alloc : memref<!tpu.dma_semaphore, #tpu.memory_space<semaphore_mem>>
        %dma_start3A = arith.constant 0 : i32
        %dma_start3A_20 = arith.constant 0 : i32
        %dma_start3A_21 = tpu.memref_slice %arg11[%dma_start3A, %dma_start3A_20] : memref<100x128xi32, #tpu.memory_space<vmem>> -> memref<58x128xi32, #tpu.memory_space<vmem>>
        %dma_start3A_22 = arith.constant 0 : i32
        %dma_start3A_23 = arith.constant 0 : i32
        %dma_start3A_24 = tpu.memref_slice %arg6[%arg1, %dma_start3A_22, %dma_start3A_23] : memref<16x58x128xi32, #tpu.memory_space<hbm>> -> memref<1x58x128xi32, #tpu.memory_space<hbm>>
        %dma_start3A_25 = tpu.memref_squeeze %dma_start3A_24 : memref<1x58x128xi32, #tpu.memory_space<hbm>> -> memref<58x128xi32, #tpu.memory_space<hbm>>
        %dma_start3A_26 = arith.constant 0 : i32
        %dma_start3A_27 = arith.constant 0 : i32
        %dma_start3A_28 = tpu.memref_slice %arg11[%dma_start3A_26, %dma_start3A_27] : memref<100x128xi32, #tpu.memory_space<vmem>> -> memref<58x128xi32, #tpu.memory_space<vmem>>
        %dma_start3A_29 = arith.constant 0 : i32
        %dma_start3A_30 = arith.constant 0 : i32
        %dma_start3A_31 = tpu.memref_slice %arg6[%arg1, %dma_start3A_29, %dma_start3A_30] : memref<16x58x128xi32, #tpu.memory_space<hbm>> -> memref<1x58x128xi32, #tpu.memory_space<hbm>>
        %dma_start3A_32 = tpu.memref_squeeze %dma_start3A_31 : memref<1x58x128xi32, #tpu.memory_space<hbm>> -> memref<58x128xi32, #tpu.memory_space<hbm>>
        tpu.enqueue_dma source(%dma_start3A_32 : memref<58x128xi32, #tpu.memory_space<hbm>>) target(%dma_start3A_28 : memref<58x128xi32, #tpu.memory_space<vmem>>) target_semaphore(%run_scoped3A : memref<!tpu.dma_semaphore, #tpu.memory_space<semaphore_mem>>)
        %dma_wait3A = arith.constant 0 : i32
        %dma_wait3A_33 = arith.constant 0 : i32
        %dma_wait3A_34 = tpu.memref_slice %arg11[%dma_wait3A, %dma_wait3A_33] : memref<100x128xi32, #tpu.memory_space<vmem>> -> memref<58x128xi32, #tpu.memory_space<vmem>>
        %dma_wait3A_35 = arith.constant 0 : i32
        %dma_wait3A_36 = arith.constant 0 : i32
        %dma_wait3A_37 = tpu.memref_slice %arg6[%arg1, %dma_wait3A_35, %dma_wait3A_36] : memref<16x58x128xi32, #tpu.memory_space<hbm>> -> memref<1x58x128xi32, #tpu.memory_space<hbm>>
        %dma_wait3A_38 = tpu.memref_squeeze %dma_wait3A_37 : memref<1x58x128xi32, #tpu.memory_space<hbm>> -> memref<58x128xi32, #tpu.memory_space<hbm>>
        %dma_wait3A_39 = arith.constant 0 : i32
        %dma_wait3A_40 = arith.constant 0 : i32
        %dma_wait3A_41 = tpu.memref_slice %arg11[%dma_wait3A_39, %dma_wait3A_40] : memref<100x128xi32, #tpu.memory_space<vmem>> -> memref<58x128xi32, #tpu.memory_space<vmem>>
        %dma_wait3A_42 = arith.constant 0 : i32
        %dma_wait3A_43 = arith.constant 0 : i32
        %dma_wait3A_44 = tpu.memref_slice %arg6[%arg1, %dma_wait3A_42, %dma_wait3A_43] : memref<16x58x128xi32, #tpu.memory_space<hbm>> -> memref<1x58x128xi32, #tpu.memory_space<hbm>>
        %dma_wait3A_45 = tpu.memref_squeeze %dma_wait3A_44 : memref<1x58x128xi32, #tpu.memory_space<hbm>> -> memref<58x128xi32, #tpu.memory_space<hbm>>
        tpu.wait_dma2 semaphore(%run_scoped3A : memref<!tpu.dma_semaphore, #tpu.memory_space<semaphore_mem>>) src(%dma_wait3A_45 : memref<58x128xi32, #tpu.memory_space<hbm>>) dst(%dma_wait3A_41 : memref<58x128xi32, #tpu.memory_space<vmem>>)
        tpu.yield
      }) : () -> ()
      %scan3A = arith.constant 0 : i32
      %scan3A_15 = arith.constant 0 : i32
      %scan3A_16 = arith.constant 58 : i32
      %scan3A_17 = arith.addi %scan3A_15, %scan3A_16 : i32
      %scan3A_18 = arith.constant 1 : i32
      scf.for %scan3A_20 = %scan3A_15 to %scan3A_17 step %scan3A_18  : i32 {
        %dma_start3A = arith.constant 0 : i32
        %dma_start3A_21 = tpu.memref_slice %arg10[%scan3A_20, %dma_start3A] : memref<100x128xi32, #tpu.memory_space<vmem>> -> memref<1x128xi32, #tpu.memory_space<vmem>>
        %dma_start3A_22 = tpu.memref_squeeze %dma_start3A_21 : memref<1x128xi32, #tpu.memory_space<vmem>> -> memref<128xi32, #tpu.memory_space<vmem>>
        %dma_start3A_23 = arith.constant 0 : i32
        %dma_start3A_24 = arith.constant 0 : i32
        %dma_start3A_25 = tpu.memref_slice %arg2[%dma_start3A_23, %dma_start3A_24] : memref<10000x128xf32, #tpu.memory_space<hbm>> -> memref<10000x128xf32, #tpu.memory_space<hbm>>
        tpu.enqueue_indirect_dma source(%dma_start3A_25 : memref<10000x128xf32, #tpu.memory_space<hbm>>) target(%arg12 : memref<128x128xf32, #tpu.memory_space<vmem>>) offsets(%dma_start3A_22 : memref<128xi32, #tpu.memory_space<vmem>>) semaphore(%arg13 : memref<!tpu.dma_semaphore, #tpu.memory_space<semaphore_mem>>)
        %dma_wait3A = arith.constant 0 : i32
        %dma_wait3A_26 = tpu.memref_slice %arg10[%scan3A_20, %dma_wait3A] : memref<100x128xi32, #tpu.memory_space<vmem>> -> memref<1x128xi32, #tpu.memory_space<vmem>>
        %dma_wait3A_27 = tpu.memref_squeeze %dma_wait3A_26 : memref<1x128xi32, #tpu.memory_space<vmem>> -> memref<128xi32, #tpu.memory_space<vmem>>
        %dma_wait3A_28 = arith.constant 0 : i32
        %dma_wait3A_29 = arith.constant 0 : i32
        %dma_wait3A_30 = tpu.memref_slice %arg2[%dma_wait3A_28, %dma_wait3A_29] : memref<10000x128xf32, #tpu.memory_space<hbm>> -> memref<10000x128xf32, #tpu.memory_space<hbm>>
        tpu.wait_indirect_dma semaphore(%arg13 : memref<!tpu.dma_semaphore, #tpu.memory_space<semaphore_mem>>) src(%dma_wait3A_30 : memref<10000x128xf32, #tpu.memory_space<hbm>>) dst(%arg12 : memref<128x128xf32, #tpu.memory_space<vmem>>)
        "tpu.region"() ({
          %run_scoped3A = tpu.sem_alloc : memref<!tpu.dma_semaphore, #tpu.memory_space<semaphore_mem>>
          %dma_start3A_31 = arith.constant 0 : i32
          %dma_start3A_32 = tpu.memref_slice %arg11[%scan3A_20, %dma_start3A_31] : memref<100x128xi32, #tpu.memory_space<vmem>> -> memref<1x128xi32, #tpu.memory_space<vmem>>
          %dma_start3A_33 = tpu.memref_squeeze %dma_start3A_32 : memref<1x128xi32, #tpu.memory_space<vmem>> -> memref<128xi32, #tpu.memory_space<vmem>>
          %dma_start3A_34 = arith.constant 0 : i32
          %dma_start3A_35 = arith.constant 0 : i32
          %dma_start3A_36 = tpu.memref_slice %arg9[%dma_start3A_34, %dma_start3A_35] : memref<10112x128xf32, #tpu.memory_space<vmem_shared>> -> memref<10112x128xf32, #tpu.memory_space<vmem_shared>>
          tpu.enqueue_indirect_dma source(%arg12 : memref<128x128xf32, #tpu.memory_space<vmem>>) target(%dma_start3A_36 : memref<10112x128xf32, #tpu.memory_space<vmem_shared>>) offsets(%dma_start3A_33 : memref<128xi32, #tpu.memory_space<vmem>>) semaphore(%run_scoped3A : memref<!tpu.dma_semaphore, #tpu.memory_space<semaphore_mem>>) {add = true}
          %dma_wait3A_37 = arith.constant 0 : i32
          %dma_wait3A_38 = tpu.memref_slice %arg11[%scan3A_20, %dma_wait3A_37] : memref<100x128xi32, #tpu.memory_space<vmem>> -> memref<1x128xi32, #tpu.memory_space<vmem>>
          %dma_wait3A_39 = tpu.memref_squeeze %dma_wait3A_38 : memref<1x128xi32, #tpu.memory_space<vmem>> -> memref<128xi32, #tpu.memory_space<vmem>>
          %dma_wait3A_40 = arith.constant 0 : i32
          %dma_wait3A_41 = arith.constant 0 : i32
          %dma_wait3A_42 = tpu.memref_slice %arg9[%dma_wait3A_40, %dma_wait3A_41] : memref<10112x128xf32, #tpu.memory_space<vmem_shared>> -> memref<10112x128xf32, #tpu.memory_space<vmem_shared>>
          tpu.wait_indirect_dma semaphore(%run_scoped3A : memref<!tpu.dma_semaphore, #tpu.memory_space<semaphore_mem>>) src(%arg12 : memref<128x128xf32, #tpu.memory_space<vmem>>) dst(%dma_wait3A_42 : memref<10112x128xf32, #tpu.memory_space<vmem_shared>>)
          tpu.yield
        }) : () -> ()
      }
      %scan3A_19 = arith.constant 58 : i32
    } else {
    }
    %barrier3A_10 = arith.constant 0 : index
    tpu.barrier barrier_id(%barrier3A_10)
    %mul3A_11 = arith.constant 632 : i32
    %mul3A_12 = arith.muli %arg1, %mul3A_11 : i32
    %mul3A_13 = arith.constant 632 : i32
    %mul3A_14 = arith.muli %arg1, %mul3A_13 : i32
    "tpu.region"() ({
      %run_scoped3A = tpu.sem_alloc : memref<!tpu.dma_semaphore, #tpu.memory_space<semaphore_mem>>
      %dma_start3A = arith.constant 0 : i32
      %dma_start3A_15 = tpu.memref_slice %arg8[%arg0, %mul3A_14, %dma_start3A] : memref<2x10112x128xf32, #tpu.memory_space<hbm>> -> memref<1x632x128xf32, #tpu.memory_space<hbm>>
      %dma_start3A_16 = tpu.memref_squeeze %dma_start3A_15 : memref<1x632x128xf32, #tpu.memory_space<hbm>> -> memref<632x128xf32, #tpu.memory_space<hbm>>
      %dma_start3A_17 = arith.constant 0 : i32
      %dma_start3A_18 = tpu.memref_slice %arg9[%mul3A_12, %dma_start3A_17] : memref<10112x128xf32, #tpu.memory_space<vmem_shared>> -> memref<632x128xf32, #tpu.memory_space<vmem_shared>>
      tpu.enqueue_dma source(%dma_start3A_18 : memref<632x128xf32, #tpu.memory_space<vmem_shared>>) target(%dma_start3A_16 : memref<632x128xf32, #tpu.memory_space<hbm>>) target_semaphore(%run_scoped3A : memref<!tpu.dma_semaphore, #tpu.memory_space<semaphore_mem>>)
      %dma_wait3A = arith.constant 0 : i32
      %dma_wait3A_19 = tpu.memref_slice %arg8[%arg0, %mul3A_14, %dma_wait3A] : memref<2x10112x128xf32, #tpu.memory_space<hbm>> -> memref<1x632x128xf32, #tpu.memory_space<hbm>>
      %dma_wait3A_20 = tpu.memref_squeeze %dma_wait3A_19 : memref<1x632x128xf32, #tpu.memory_space<hbm>> -> memref<632x128xf32, #tpu.memory_space<hbm>>
      %dma_wait3A_21 = arith.constant 0 : i32
      %dma_wait3A_22 = tpu.memref_slice %arg9[%mul3A_12, %dma_wait3A_21] : memref<10112x128xf32, #tpu.memory_space<vmem_shared>> -> memref<632x128xf32, #tpu.memory_space<vmem_shared>>
      tpu.wait_dma2 semaphore(%run_scoped3A : memref<!tpu.dma_semaphore, #tpu.memory_space<semaphore_mem>>) src(%dma_wait3A_22 : memref<632x128xf32, #tpu.memory_space<vmem_shared>>) dst(%dma_wait3A_20 : memref<632x128xf32, #tpu.memory_space<hbm>>)
      tpu.yield
    }) : () -> ()
    return
  }
}

#map = affine_map<(d0, d1) -> (0, 0)>
#map1 = affine_map<(d0, d1) -> (0, 0, 0)>
module attributes {stable_mosaic.version = 14 : i64} {
  func.func @k(%arg0: i32, %arg1: i32, %arg2: memref<10000x128xf32, #tpu.memory_space<hbm>>, %arg3: memref<16x100x128xi32, #tpu.memory_space<hbm>>, %arg4: memref<16x100x128xi32, #tpu.memory_space<hbm>>, %arg5: memref<16x58x128xi32, #tpu.memory_space<hbm>>, %arg6: memref<16x58x128xi32, #tpu.memory_space<hbm>>, %arg7: memref<10112x128xf32, #tpu.memory_space<hbm>>, %arg8: memref<2x10112x128xf32, #tpu.memory_space<hbm>>, %arg9: memref<10112x128xf32, #tpu.memory_space<vmem_shared>>, %arg10: memref<100x128xi32, #tpu.memory_space<vmem>>, %arg11: memref<100x128xi32, #tpu.memory_space<vmem>>, %arg12: memref<128x128xf32, #tpu.memory_space<vmem>>, %arg13: memref<!tpu.dma_semaphore, #tpu.memory_space<semaphore_mem>>) attributes {dimension_semantics = [#tpu.dimension_semantics<core_parallel>, #tpu.dimension_semantics<subcore_parallel>], iteration_bounds = array<i64: 2, 16>, scalar_prefetch = 0 : i64, scratch_operands = 5 : i64, tpu.core_type = #tpu.core_type<sc_vector_subcore>, window_params = [{transform_indices = #map}, {transform_indices = #map1}, {transform_indices = #map1}, {transform_indices = #map1}, {transform_indices = #map1}, {transform_indices = #map}, {transform_indices = #map1}]} {
    %mul3A = arith.constant 632 : i32
    %mul3A_0 = arith.muli %arg1, %mul3A : i32
    %mul3A_1 = arith.constant 632 : i32
    %mul3A_2 = arith.muli %arg1, %mul3A_1 : i32
    "tpu.region"() ({
      %run_scoped3A = tpu.sem_alloc : memref<!tpu.dma_semaphore, #tpu.memory_space<semaphore_mem>>
      %dma_start3A = arith.constant 0 : i32
      %dma_start3A_15 = tpu.memref_slice %arg9[%mul3A_2, %dma_start3A] : memref<10112x128xf32, #tpu.memory_space<vmem_shared>> -> memref<632x128xf32, #tpu.memory_space<vmem_shared>>
      %dma_start3A_16 = arith.constant 0 : i32
      %dma_start3A_17 = tpu.memref_slice %arg7[%mul3A_0, %dma_start3A_16] : memref<10112x128xf32, #tpu.memory_space<hbm>> -> memref<632x128xf32, #tpu.memory_space<hbm>>
      tpu.enqueue_dma source(%dma_start3A_17 : memref<632x128xf32, #tpu.memory_space<hbm>>) target(%dma_start3A_15 : memref<632x128xf32, #tpu.memory_space<vmem_shared>>) target_semaphore(%run_scoped3A : memref<!tpu.dma_semaphore, #tpu.memory_space<semaphore_mem>>)
      %dma_wait3A = arith.constant 0 : i32
      %dma_wait3A_18 = tpu.memref_slice %arg9[%mul3A_2, %dma_wait3A] : memref<10112x128xf32, #tpu.memory_space<vmem_shared>> -> memref<632x128xf32, #tpu.memory_space<vmem_shared>>
      %dma_wait3A_19 = arith.constant 0 : i32
      %dma_wait3A_20 = tpu.memref_slice %arg7[%mul3A_0, %dma_wait3A_19] : memref<10112x128xf32, #tpu.memory_space<hbm>> -> memref<632x128xf32, #tpu.memory_space<hbm>>
      tpu.wait_dma2 semaphore(%run_scoped3A : memref<!tpu.dma_semaphore, #tpu.memory_space<semaphore_mem>>) src(%dma_wait3A_20 : memref<632x128xf32, #tpu.memory_space<hbm>>) dst(%dma_wait3A_18 : memref<632x128xf32, #tpu.memory_space<vmem_shared>>)
      tpu.yield
    }) : () -> ()
    %barrier3A = arith.constant 0 : index
    tpu.barrier barrier_id(%barrier3A)
    %eq3A = arith.constant 0 : i32
    %eq3A_3 = arith.cmpi eq, %arg0, %eq3A : i32
    %convert_element_type3A = arith.extui %eq3A_3 : i1 to i32
    %cond3A = arith.constant 0 : i32
    %cond3A_4 = arith.cmpi ne, %convert_element_type3A, %cond3A : i32
    scf.if %cond3A_4 {
      "tpu.region"() ({
        %run_scoped3A = tpu.sem_alloc : memref<!tpu.dma_semaphore, #tpu.memory_space<semaphore_mem>>
        %dma_start3A = arith.constant 0 : i32
        %dma_start3A_20 = arith.constant 0 : i32
        %dma_start3A_21 = tpu.memref_slice %arg10[%dma_start3A, %dma_start3A_20] : memref<100x128xi32, #tpu.memory_space<vmem>> -> memref<100x128xi32, #tpu.memory_space<vmem>>
        %dma_start3A_22 = arith.constant 0 : i32
        %dma_start3A_23 = arith.constant 0 : i32
        %dma_start3A_24 = tpu.memref_slice %arg3[%arg1, %dma_start3A_22, %dma_start3A_23] : memref<16x100x128xi32, #tpu.memory_space<hbm>> -> memref<1x100x128xi32, #tpu.memory_space<hbm>>
        %dma_start3A_25 = tpu.memref_squeeze %dma_start3A_24 : memref<1x100x128xi32, #tpu.memory_space<hbm>> -> memref<100x128xi32, #tpu.memory_space<hbm>>
        %dma_start3A_26 = arith.constant 0 : i32
        %dma_start3A_27 = arith.constant 0 : i32
        %dma_start3A_28 = tpu.memref_slice %arg10[%dma_start3A_26, %dma_start3A_27] : memref<100x128xi32, #tpu.memory_space<vmem>> -> memref<100x128xi32, #tpu.memory_space<vmem>>
        %dma_start3A_29 = arith.constant 0 : i32
        %dma_start3A_30 = arith.constant 0 : i32
        %dma_start3A_31 = tpu.memref_slice %arg3[%arg1, %dma_start3A_29, %dma_start3A_30] : memref<16x100x128xi32, #tpu.memory_space<hbm>> -> memref<1x100x128xi32, #tpu.memory_space<hbm>>
        %dma_start3A_32 = tpu.memref_squeeze %dma_start3A_31 : memref<1x100x128xi32, #tpu.memory_space<hbm>> -> memref<100x128xi32, #tpu.memory_space<hbm>>
        tpu.enqueue_dma source(%dma_start3A_32 : memref<100x128xi32, #tpu.memory_space<hbm>>) target(%dma_start3A_28 : memref<100x128xi32, #tpu.memory_space<vmem>>) target_semaphore(%run_scoped3A : memref<!tpu.dma_semaphore, #tpu.memory_space<semaphore_mem>>)
        %dma_wait3A = arith.constant 0 : i32
        %dma_wait3A_33 = arith.constant 0 : i32
        %dma_wait3A_34 = tpu.memref_slice %arg10[%dma_wait3A, %dma_wait3A_33] : memref<100x128xi32, #tpu.memory_space<vmem>> -> memref<100x128xi32, #tpu.memory_space<vmem>>
        %dma_wait3A_35 = arith.constant 0 : i32
        %dma_wait3A_36 = arith.constant 0 : i32
        %dma_wait3A_37 = tpu.memref_slice %arg3[%arg1, %dma_wait3A_35, %dma_wait3A_36] : memref<16x100x128xi32, #tpu.memory_space<hbm>> -> memref<1x100x128xi32, #tpu.memory_space<hbm>>
        %dma_wait3A_38 = tpu.memref_squeeze %dma_wait3A_37 : memref<1x100x128xi32, #tpu.memory_space<hbm>> -> memref<100x128xi32, #tpu.memory_space<hbm>>
        %dma_wait3A_39 = arith.constant 0 : i32
        %dma_wait3A_40 = arith.constant 0 : i32
        %dma_wait3A_41 = tpu.memref_slice %arg10[%dma_wait3A_39, %dma_wait3A_40] : memref<100x128xi32, #tpu.memory_space<vmem>> -> memref<100x128xi32, #tpu.memory_space<vmem>>
        %dma_wait3A_42 = arith.constant 0 : i32
        %dma_wait3A_43 = arith.constant 0 : i32
        %dma_wait3A_44 = tpu.memref_slice %arg3[%arg1, %dma_wait3A_42, %dma_wait3A_43] : memref<16x100x128xi32, #tpu.memory_space<hbm>> -> memref<1x100x128xi32, #tpu.memory_space<hbm>>
        %dma_wait3A_45 = tpu.memref_squeeze %dma_wait3A_44 : memref<1x100x128xi32, #tpu.memory_space<hbm>> -> memref<100x128xi32, #tpu.memory_space<hbm>>
        tpu.wait_dma2 semaphore(%run_scoped3A : memref<!tpu.dma_semaphore, #tpu.memory_space<semaphore_mem>>) src(%dma_wait3A_45 : memref<100x128xi32, #tpu.memory_space<hbm>>) dst(%dma_wait3A_41 : memref<100x128xi32, #tpu.memory_space<vmem>>)
        tpu.yield
      }) : () -> ()
      "tpu.region"() ({
        %run_scoped3A = tpu.sem_alloc : memref<!tpu.dma_semaphore, #tpu.memory_space<semaphore_mem>>
        %dma_start3A = arith.constant 0 : i32
        %dma_start3A_20 = arith.constant 0 : i32
        %dma_start3A_21 = tpu.memref_slice %arg11[%dma_start3A, %dma_start3A_20] : memref<100x128xi32, #tpu.memory_space<vmem>> -> memref<100x128xi32, #tpu.memory_space<vmem>>
        %dma_start3A_22 = arith.constant 0 : i32
        %dma_start3A_23 = arith.constant 0 : i32
        %dma_start3A_24 = tpu.memref_slice %arg4[%arg1, %dma_start3A_22, %dma_start3A_23] : memref<16x100x128xi32, #tpu.memory_space<hbm>> -> memref<1x100x128xi32, #tpu.memory_space<hbm>>
        %dma_start3A_25 = tpu.memref_squeeze %dma_start3A_24 : memref<1x100x128xi32, #tpu.memory_space<hbm>> -> memref<100x128xi32, #tpu.memory_space<hbm>>
        %dma_start3A_26 = arith.constant 0 : i32
        %dma_start3A_27 = arith.constant 0 : i32
        %dma_start3A_28 = tpu.memref_slice %arg11[%dma_start3A_26, %dma_start3A_27] : memref<100x128xi32, #tpu.memory_space<vmem>> -> memref<100x128xi32, #tpu.memory_space<vmem>>
        %dma_start3A_29 = arith.constant 0 : i32
        %dma_start3A_30 = arith.constant 0 : i32
        %dma_start3A_31 = tpu.memref_slice %arg4[%arg1, %dma_start3A_29, %dma_start3A_30] : memref<16x100x128xi32, #tpu.memory_space<hbm>> -> memref<1x100x128xi32, #tpu.memory_space<hbm>>
        %dma_start3A_32 = tpu.memref_squeeze %dma_start3A_31 : memref<1x100x128xi32, #tpu.memory_space<hbm>> -> memref<100x128xi32, #tpu.memory_space<hbm>>
        tpu.enqueue_dma source(%dma_start3A_32 : memref<100x128xi32, #tpu.memory_space<hbm>>) target(%dma_start3A_28 : memref<100x128xi32, #tpu.memory_space<vmem>>) target_semaphore(%run_scoped3A : memref<!tpu.dma_semaphore, #tpu.memory_space<semaphore_mem>>)
        %dma_wait3A = arith.constant 0 : i32
        %dma_wait3A_33 = arith.constant 0 : i32
        %dma_wait3A_34 = tpu.memref_slice %arg11[%dma_wait3A, %dma_wait3A_33] : memref<100x128xi32, #tpu.memory_space<vmem>> -> memref<100x128xi32, #tpu.memory_space<vmem>>
        %dma_wait3A_35 = arith.constant 0 : i32
        %dma_wait3A_36 = arith.constant 0 : i32
        %dma_wait3A_37 = tpu.memref_slice %arg4[%arg1, %dma_wait3A_35, %dma_wait3A_36] : memref<16x100x128xi32, #tpu.memory_space<hbm>> -> memref<1x100x128xi32, #tpu.memory_space<hbm>>
        %dma_wait3A_38 = tpu.memref_squeeze %dma_wait3A_37 : memref<1x100x128xi32, #tpu.memory_space<hbm>> -> memref<100x128xi32, #tpu.memory_space<hbm>>
        %dma_wait3A_39 = arith.constant 0 : i32
        %dma_wait3A_40 = arith.constant 0 : i32
        %dma_wait3A_41 = tpu.memref_slice %arg11[%dma_wait3A_39, %dma_wait3A_40] : memref<100x128xi32, #tpu.memory_space<vmem>> -> memref<100x128xi32, #tpu.memory_space<vmem>>
        %dma_wait3A_42 = arith.constant 0 : i32
        %dma_wait3A_43 = arith.constant 0 : i32
        %dma_wait3A_44 = tpu.memref_slice %arg4[%arg1, %dma_wait3A_42, %dma_wait3A_43] : memref<16x100x128xi32, #tpu.memory_space<hbm>> -> memref<1x100x128xi32, #tpu.memory_space<hbm>>
        %dma_wait3A_45 = tpu.memref_squeeze %dma_wait3A_44 : memref<1x100x128xi32, #tpu.memory_space<hbm>> -> memref<100x128xi32, #tpu.memory_space<hbm>>
        tpu.wait_dma2 semaphore(%run_scoped3A : memref<!tpu.dma_semaphore, #tpu.memory_space<semaphore_mem>>) src(%dma_wait3A_45 : memref<100x128xi32, #tpu.memory_space<hbm>>) dst(%dma_wait3A_41 : memref<100x128xi32, #tpu.memory_space<vmem>>)
        tpu.yield
      }) : () -> ()
      %scan3A = arith.constant 0 : i32
      %scan3A_15 = arith.constant 0 : i32
      %scan3A_16 = arith.constant 100 : i32
      %scan3A_17 = arith.addi %scan3A_15, %scan3A_16 : i32
      %scan3A_18 = arith.constant 1 : i32
      scf.for %scan3A_20 = %scan3A_15 to %scan3A_17 step %scan3A_18  : i32 {
        %dma_start3A = arith.constant 0 : i32
        %dma_start3A_21 = tpu.memref_slice %arg10[%scan3A_20, %dma_start3A] : memref<100x128xi32, #tpu.memory_space<vmem>> -> memref<1x128xi32, #tpu.memory_space<vmem>>
        %dma_start3A_22 = tpu.memref_squeeze %dma_start3A_21 : memref<1x128xi32, #tpu.memory_space<vmem>> -> memref<128xi32, #tpu.memory_space<vmem>>
        %dma_start3A_23 = arith.constant 0 : i32
        %dma_start3A_24 = arith.constant 0 : i32
        %dma_start3A_25 = tpu.memref_slice %arg2[%dma_start3A_23, %dma_start3A_24] : memref<10000x128xf32, #tpu.memory_space<hbm>> -> memref<10000x128xf32, #tpu.memory_space<hbm>>
        tpu.enqueue_indirect_dma source(%dma_start3A_25 : memref<10000x128xf32, #tpu.memory_space<hbm>>) target(%arg12 : memref<128x128xf32, #tpu.memory_space<vmem>>) offsets(%dma_start3A_22 : memref<128xi32, #tpu.memory_space<vmem>>) semaphore(%arg13 : memref<!tpu.dma_semaphore, #tpu.memory_space<semaphore_mem>>)
        %dma_wait3A = arith.constant 0 : i32
        %dma_wait3A_26 = tpu.memref_slice %arg10[%scan3A_20, %dma_wait3A] : memref<100x128xi32, #tpu.memory_space<vmem>> -> memref<1x128xi32, #tpu.memory_space<vmem>>
        %dma_wait3A_27 = tpu.memref_squeeze %dma_wait3A_26 : memref<1x128xi32, #tpu.memory_space<vmem>> -> memref<128xi32, #tpu.memory_space<vmem>>
        %dma_wait3A_28 = arith.constant 0 : i32
        %dma_wait3A_29 = arith.constant 0 : i32
        %dma_wait3A_30 = tpu.memref_slice %arg2[%dma_wait3A_28, %dma_wait3A_29] : memref<10000x128xf32, #tpu.memory_space<hbm>> -> memref<10000x128xf32, #tpu.memory_space<hbm>>
        tpu.wait_indirect_dma semaphore(%arg13 : memref<!tpu.dma_semaphore, #tpu.memory_space<semaphore_mem>>) src(%dma_wait3A_30 : memref<10000x128xf32, #tpu.memory_space<hbm>>) dst(%arg12 : memref<128x128xf32, #tpu.memory_space<vmem>>)
        "tpu.region"() ({
          %run_scoped3A = tpu.sem_alloc : memref<!tpu.dma_semaphore, #tpu.memory_space<semaphore_mem>>
          %dma_start3A_31 = arith.constant 0 : i32
          %dma_start3A_32 = tpu.memref_slice %arg11[%scan3A_20, %dma_start3A_31] : memref<100x128xi32, #tpu.memory_space<vmem>> -> memref<1x128xi32, #tpu.memory_space<vmem>>
          %dma_start3A_33 = tpu.memref_squeeze %dma_start3A_32 : memref<1x128xi32, #tpu.memory_space<vmem>> -> memref<128xi32, #tpu.memory_space<vmem>>
          %dma_start3A_34 = arith.constant 0 : i32
          %dma_start3A_35 = arith.constant 0 : i32
          %dma_start3A_36 = tpu.memref_slice %arg9[%dma_start3A_34, %dma_start3A_35] : memref<10112x128xf32, #tpu.memory_space<vmem_shared>> -> memref<10112x128xf32, #tpu.memory_space<vmem_shared>>
          tpu.enqueue_indirect_dma source(%arg12 : memref<128x128xf32, #tpu.memory_space<vmem>>) target(%dma_start3A_36 : memref<10112x128xf32, #tpu.memory_space<vmem_shared>>) offsets(%dma_start3A_33 : memref<128xi32, #tpu.memory_space<vmem>>) semaphore(%run_scoped3A : memref<!tpu.dma_semaphore, #tpu.memory_space<semaphore_mem>>) {add = true}
          %dma_wait3A_37 = arith.constant 0 : i32
          %dma_wait3A_38 = tpu.memref_slice %arg11[%scan3A_20, %dma_wait3A_37] : memref<100x128xi32, #tpu.memory_space<vmem>> -> memref<1x128xi32, #tpu.memory_space<vmem>>
          %dma_wait3A_39 = tpu.memref_squeeze %dma_wait3A_38 : memref<1x128xi32, #tpu.memory_space<vmem>> -> memref<128xi32, #tpu.memory_space<vmem>>
          %dma_wait3A_40 = arith.constant 0 : i32
          %dma_wait3A_41 = arith.constant 0 : i32
          %dma_wait3A_42 = tpu.memref_slice %arg9[%dma_wait3A_40, %dma_wait3A_41] : memref<10112x128xf32, #tpu.memory_space<vmem_shared>> -> memref<10112x128xf32, #tpu.memory_space<vmem_shared>>
          tpu.wait_indirect_dma semaphore(%run_scoped3A : memref<!tpu.dma_semaphore, #tpu.memory_space<semaphore_mem>>) src(%arg12 : memref<128x128xf32, #tpu.memory_space<vmem>>) dst(%dma_wait3A_42 : memref<10112x128xf32, #tpu.memory_space<vmem_shared>>)
          tpu.yield
        }) : () -> ()
      }
      %scan3A_19 = arith.constant 100 : i32
    } else {
    }
    %eq3A_5 = arith.constant 1 : i32
    %eq3A_6 = arith.cmpi eq, %arg0, %eq3A_5 : i32
    %convert_element_type3A_7 = arith.extui %eq3A_6 : i1 to i32
    %cond3A_8 = arith.constant 0 : i32
    %cond3A_9 = arith.cmpi ne, %convert_element_type3A_7, %cond3A_8 : i32
    scf.if %cond3A_9 {
      "tpu.region"() ({
        %run_scoped3A = tpu.sem_alloc : memref<!tpu.dma_semaphore, #tpu.memory_space<semaphore_mem>>
        %dma_start3A = arith.constant 0 : i32
        %dma_start3A_20 = arith.constant 0 : i32
        %dma_start3A_21 = tpu.memref_slice %arg10[%dma_start3A, %dma_start3A_20] : memref<100x128xi32, #tpu.memory_space<vmem>> -> memref<58x128xi32, #tpu.memory_space<vmem>>
        %dma_start3A_22 = arith.constant 0 : i32
        %dma_start3A_23 = arith.constant 0 : i32
        %dma_start3A_24 = tpu.memref_slice %arg5[%arg1, %dma_start3A_22, %dma_start3A_23] : memref<16x58x128xi32, #tpu.memory_space<hbm>> -> memref<1x58x128xi32, #tpu.memory_space<hbm>>
        %dma_start3A_25 = tpu.memref_squeeze %dma_start3A_24 : memref<1x58x128xi32, #tpu.memory_space<hbm>> -> memref<58x128xi32, #tpu.memory_space<hbm>>
        %dma_start3A_26 = arith.constant 0 : i32
        %dma_start3A_27 = arith.constant 0 : i32
        %dma_start3A_28 = tpu.memref_slice %arg10[%dma_start3A_26, %dma_start3A_27] : memref<100x128xi32, #tpu.memory_space<vmem>> -> memref<58x128xi32, #tpu.memory_space<vmem>>
        %dma_start3A_29 = arith.constant 0 : i32
        %dma_start3A_30 = arith.constant 0 : i32
        %dma_start3A_31 = tpu.memref_slice %arg5[%arg1, %dma_start3A_29, %dma_start3A_30] : memref<16x58x128xi32, #tpu.memory_space<hbm>> -> memref<1x58x128xi32, #tpu.memory_space<hbm>>
        %dma_start3A_32 = tpu.memref_squeeze %dma_start3A_31 : memref<1x58x128xi32, #tpu.memory_space<hbm>> -> memref<58x128xi32, #tpu.memory_space<hbm>>
        tpu.enqueue_dma source(%dma_start3A_32 : memref<58x128xi32, #tpu.memory_space<hbm>>) target(%dma_start3A_28 : memref<58x128xi32, #tpu.memory_space<vmem>>) target_semaphore(%run_scoped3A : memref<!tpu.dma_semaphore, #tpu.memory_space<semaphore_mem>>)
        %dma_wait3A = arith.constant 0 : i32
        %dma_wait3A_33 = arith.constant 0 : i32
        %dma_wait3A_34 = tpu.memref_slice %arg10[%dma_wait3A, %dma_wait3A_33] : memref<100x128xi32, #tpu.memory_space<vmem>> -> memref<58x128xi32, #tpu.memory_space<vmem>>
        %dma_wait3A_35 = arith.constant 0 : i32
        %dma_wait3A_36 = arith.constant 0 : i32
        %dma_wait3A_37 = tpu.memref_slice %arg5[%arg1, %dma_wait3A_35, %dma_wait3A_36] : memref<16x58x128xi32, #tpu.memory_space<hbm>> -> memref<1x58x128xi32, #tpu.memory_space<hbm>>
        %dma_wait3A_38 = tpu.memref_squeeze %dma_wait3A_37 : memref<1x58x128xi32, #tpu.memory_space<hbm>> -> memref<58x128xi32, #tpu.memory_space<hbm>>
        %dma_wait3A_39 = arith.constant 0 : i32
        %dma_wait3A_40 = arith.constant 0 : i32
        %dma_wait3A_41 = tpu.memref_slice %arg10[%dma_wait3A_39, %dma_wait3A_40] : memref<100x128xi32, #tpu.memory_space<vmem>> -> memref<58x128xi32, #tpu.memory_space<vmem>>
        %dma_wait3A_42 = arith.constant 0 : i32
        %dma_wait3A_43 = arith.constant 0 : i32
        %dma_wait3A_44 = tpu.memref_slice %arg5[%arg1, %dma_wait3A_42, %dma_wait3A_43] : memref<16x58x128xi32, #tpu.memory_space<hbm>> -> memref<1x58x128xi32, #tpu.memory_space<hbm>>
        %dma_wait3A_45 = tpu.memref_squeeze %dma_wait3A_44 : memref<1x58x128xi32, #tpu.memory_space<hbm>> -> memref<58x128xi32, #tpu.memory_space<hbm>>
        tpu.wait_dma2 semaphore(%run_scoped3A : memref<!tpu.dma_semaphore, #tpu.memory_space<semaphore_mem>>) src(%dma_wait3A_45 : memref<58x128xi32, #tpu.memory_space<hbm>>) dst(%dma_wait3A_41 : memref<58x128xi32, #tpu.memory_space<vmem>>)
        tpu.yield
      }) : () -> ()
      "tpu.region"() ({
        %run_scoped3A = tpu.sem_alloc : memref<!tpu.dma_semaphore, #tpu.memory_space<semaphore_mem>>
        %dma_start3A = arith.constant 0 : i32
        %dma_start3A_20 = arith.constant 0 : i32
        %dma_start3A_21 = tpu.memref_slice %arg11[%dma_start3A, %dma_start3A_20] : memref<100x128xi32, #tpu.memory_space<vmem>> -> memref<58x128xi32, #tpu.memory_space<vmem>>
        %dma_start3A_22 = arith.constant 0 : i32
        %dma_start3A_23 = arith.constant 0 : i32
        %dma_start3A_24 = tpu.memref_slice %arg6[%arg1, %dma_start3A_22, %dma_start3A_23] : memref<16x58x128xi32, #tpu.memory_space<hbm>> -> memref<1x58x128xi32, #tpu.memory_space<hbm>>
        %dma_start3A_25 = tpu.memref_squeeze %dma_start3A_24 : memref<1x58x128xi32, #tpu.memory_space<hbm>> -> memref<58x128xi32, #tpu.memory_space<hbm>>
        %dma_start3A_26 = arith.constant 0 : i32
        %dma_start3A_27 = arith.constant 0 : i32
        %dma_start3A_28 = tpu.memref_slice %arg11[%dma_start3A_26, %dma_start3A_27] : memref<100x128xi32, #tpu.memory_space<vmem>> -> memref<58x128xi32, #tpu.memory_space<vmem>>
        %dma_start3A_29 = arith.constant 0 : i32
        %dma_start3A_30 = arith.constant 0 : i32
        %dma_start3A_31 = tpu.memref_slice %arg6[%arg1, %dma_start3A_29, %dma_start3A_30] : memref<16x58x128xi32, #tpu.memory_space<hbm>> -> memref<1x58x128xi32, #tpu.memory_space<hbm>>
        %dma_start3A_32 = tpu.memref_squeeze %dma_start3A_31 : memref<1x58x128xi32, #tpu.memory_space<hbm>> -> memref<58x128xi32, #tpu.memory_space<hbm>>
        tpu.enqueue_dma source(%dma_start3A_32 : memref<58x128xi32, #tpu.memory_space<hbm>>) target(%dma_start3A_28 : memref<58x128xi32, #tpu.memory_space<vmem>>) target_semaphore(%run_scoped3A : memref<!tpu.dma_semaphore, #tpu.memory_space<semaphore_mem>>)
        %dma_wait3A = arith.constant 0 : i32
        %dma_wait3A_33 = arith.constant 0 : i32
        %dma_wait3A_34 = tpu.memref_slice %arg11[%dma_wait3A, %dma_wait3A_33] : memref<100x128xi32, #tpu.memory_space<vmem>> -> memref<58x128xi32, #tpu.memory_space<vmem>>
        %dma_wait3A_35 = arith.constant 0 : i32
        %dma_wait3A_36 = arith.constant 0 : i32
        %dma_wait3A_37 = tpu.memref_slice %arg6[%arg1, %dma_wait3A_35, %dma_wait3A_36] : memref<16x58x128xi32, #tpu.memory_space<hbm>> -> memref<1x58x128xi32, #tpu.memory_space<hbm>>
        %dma_wait3A_38 = tpu.memref_squeeze %dma_wait3A_37 : memref<1x58x128xi32, #tpu.memory_space<hbm>> -> memref<58x128xi32, #tpu.memory_space<hbm>>
        %dma_wait3A_39 = arith.constant 0 : i32
        %dma_wait3A_40 = arith.constant 0 : i32
        %dma_wait3A_41 = tpu.memref_slice %arg11[%dma_wait3A_39, %dma_wait3A_40] : memref<100x128xi32, #tpu.memory_space<vmem>> -> memref<58x128xi32, #tpu.memory_space<vmem>>
        %dma_wait3A_42 = arith.constant 0 : i32
        %dma_wait3A_43 = arith.constant 0 : i32
        %dma_wait3A_44 = tpu.memref_slice %arg6[%arg1, %dma_wait3A_42, %dma_wait3A_43] : memref<16x58x128xi32, #tpu.memory_space<hbm>> -> memref<1x58x128xi32, #tpu.memory_space<hbm>>
        %dma_wait3A_45 = tpu.memref_squeeze %dma_wait3A_44 : memref<1x58x128xi32, #tpu.memory_space<hbm>> -> memref<58x128xi32, #tpu.memory_space<hbm>>
        tpu.wait_dma2 semaphore(%run_scoped3A : memref<!tpu.dma_semaphore, #tpu.memory_space<semaphore_mem>>) src(%dma_wait3A_45 : memref<58x128xi32, #tpu.memory_space<hbm>>) dst(%dma_wait3A_41 : memref<58x128xi32, #tpu.memory_space<vmem>>)
        tpu.yield
      }) : () -> ()
      %scan3A = arith.constant 0 : i32
      %scan3A_15 = arith.constant 0 : i32
      %scan3A_16 = arith.constant 58 : i32
      %scan3A_17 = arith.addi %scan3A_15, %scan3A_16 : i32
      %scan3A_18 = arith.constant 1 : i32
      scf.for %scan3A_20 = %scan3A_15 to %scan3A_17 step %scan3A_18  : i32 {
        %dma_start3A = arith.constant 0 : i32
        %dma_start3A_21 = tpu.memref_slice %arg10[%scan3A_20, %dma_start3A] : memref<100x128xi32, #tpu.memory_space<vmem>> -> memref<1x128xi32, #tpu.memory_space<vmem>>
        %dma_start3A_22 = tpu.memref_squeeze %dma_start3A_21 : memref<1x128xi32, #tpu.memory_space<vmem>> -> memref<128xi32, #tpu.memory_space<vmem>>
        %dma_start3A_23 = arith.constant 0 : i32
        %dma_start3A_24 = arith.constant 0 : i32
        %dma_start3A_25 = tpu.memref_slice %arg2[%dma_start3A_23, %dma_start3A_24] : memref<10000x128xf32, #tpu.memory_space<hbm>> -> memref<10000x128xf32, #tpu.memory_space<hbm>>
        tpu.enqueue_indirect_dma source(%dma_start3A_25 : memref<10000x128xf32, #tpu.memory_space<hbm>>) target(%arg12 : memref<128x128xf32, #tpu.memory_space<vmem>>) offsets(%dma_start3A_22 : memref<128xi32, #tpu.memory_space<vmem>>) semaphore(%arg13 : memref<!tpu.dma_semaphore, #tpu.memory_space<semaphore_mem>>)
        %dma_wait3A = arith.constant 0 : i32
        %dma_wait3A_26 = tpu.memref_slice %arg10[%scan3A_20, %dma_wait3A] : memref<100x128xi32, #tpu.memory_space<vmem>> -> memref<1x128xi32, #tpu.memory_space<vmem>>
        %dma_wait3A_27 = tpu.memref_squeeze %dma_wait3A_26 : memref<1x128xi32, #tpu.memory_space<vmem>> -> memref<128xi32, #tpu.memory_space<vmem>>
        %dma_wait3A_28 = arith.constant 0 : i32
        %dma_wait3A_29 = arith.constant 0 : i32
        %dma_wait3A_30 = tpu.memref_slice %arg2[%dma_wait3A_28, %dma_wait3A_29] : memref<10000x128xf32, #tpu.memory_space<hbm>> -> memref<10000x128xf32, #tpu.memory_space<hbm>>
        tpu.wait_indirect_dma semaphore(%arg13 : memref<!tpu.dma_semaphore, #tpu.memory_space<semaphore_mem>>) src(%dma_wait3A_30 : memref<10000x128xf32, #tpu.memory_space<hbm>>) dst(%arg12 : memref<128x128xf32, #tpu.memory_space<vmem>>)
        "tpu.region"() ({
          %run_scoped3A = tpu.sem_alloc : memref<!tpu.dma_semaphore, #tpu.memory_space<semaphore_mem>>
          %dma_start3A_31 = arith.constant 0 : i32
          %dma_start3A_32 = tpu.memref_slice %arg11[%scan3A_20, %dma_start3A_31] : memref<100x128xi32, #tpu.memory_space<vmem>> -> memref<1x128xi32, #tpu.memory_space<vmem>>
          %dma_start3A_33 = tpu.memref_squeeze %dma_start3A_32 : memref<1x128xi32, #tpu.memory_space<vmem>> -> memref<128xi32, #tpu.memory_space<vmem>>
          %dma_start3A_34 = arith.constant 0 : i32
          %dma_start3A_35 = arith.constant 0 : i32
          %dma_start3A_36 = tpu.memref_slice %arg9[%dma_start3A_34, %dma_start3A_35] : memref<10112x128xf32, #tpu.memory_space<vmem_shared>> -> memref<10112x128xf32, #tpu.memory_space<vmem_shared>>
          tpu.enqueue_indirect_dma source(%arg12 : memref<128x128xf32, #tpu.memory_space<vmem>>) target(%dma_start3A_36 : memref<10112x128xf32, #tpu.memory_space<vmem_shared>>) offsets(%dma_start3A_33 : memref<128xi32, #tpu.memory_space<vmem>>) semaphore(%run_scoped3A : memref<!tpu.dma_semaphore, #tpu.memory_space<semaphore_mem>>) {add = true}
          %dma_wait3A_37 = arith.constant 0 : i32
          %dma_wait3A_38 = tpu.memref_slice %arg11[%scan3A_20, %dma_wait3A_37] : memref<100x128xi32, #tpu.memory_space<vmem>> -> memref<1x128xi32, #tpu.memory_space<vmem>>
          %dma_wait3A_39 = tpu.memref_squeeze %dma_wait3A_38 : memref<1x128xi32, #tpu.memory_space<vmem>> -> memref<128xi32, #tpu.memory_space<vmem>>
          %dma_wait3A_40 = arith.constant 0 : i32
          %dma_wait3A_41 = arith.constant 0 : i32
          %dma_wait3A_42 = tpu.memref_slice %arg9[%dma_wait3A_40, %dma_wait3A_41] : memref<10112x128xf32, #tpu.memory_space<vmem_shared>> -> memref<10112x128xf32, #tpu.memory_space<vmem_shared>>
          tpu.wait_indirect_dma semaphore(%run_scoped3A : memref<!tpu.dma_semaphore, #tpu.memory_space<semaphore_mem>>) src(%arg12 : memref<128x128xf32, #tpu.memory_space<vmem>>) dst(%dma_wait3A_42 : memref<10112x128xf32, #tpu.memory_space<vmem_shared>>)
          tpu.yield
        }) : () -> ()
      }
      %scan3A_19 = arith.constant 58 : i32
    } else {
    }
    %barrier3A_10 = arith.constant 0 : index
    tpu.barrier barrier_id(%barrier3A_10)
    %mul3A_11 = arith.constant 632 : i32
    %mul3A_12 = arith.muli %arg1, %mul3A_11 : i32
    %mul3A_13 = arith.constant 632 : i32
    %mul3A_14 = arith.muli %arg1, %mul3A_13 : i32
    "tpu.region"() ({
      %run_scoped3A = tpu.sem_alloc : memref<!tpu.dma_semaphore, #tpu.memory_space<semaphore_mem>>
      %dma_start3A = arith.constant 0 : i32
      %dma_start3A_15 = tpu.memref_slice %arg8[%arg0, %mul3A_14, %dma_start3A] : memref<2x10112x128xf32, #tpu.memory_space<hbm>> -> memref<1x632x128xf32, #tpu.memory_space<hbm>>
      %dma_start3A_16 = tpu.memref_squeeze %dma_start3A_15 : memref<1x632x128xf32, #tpu.memory_space<hbm>> -> memref<632x128xf32, #tpu.memory_space<hbm>>
      %dma_start3A_17 = arith.constant 0 : i32
      %dma_start3A_18 = tpu.memref_slice %arg9[%mul3A_12, %dma_start3A_17] : memref<10112x128xf32, #tpu.memory_space<vmem_shared>> -> memref<632x128xf32, #tpu.memory_space<vmem_shared>>
      tpu.enqueue_dma source(%dma_start3A_18 : memref<632x128xf32, #tpu.memory_space<vmem_shared>>) target(%dma_start3A_16 : memref<632x128xf32, #tpu.memory_space<hbm>>) target_semaphore(%run_scoped3A : memref<!tpu.dma_semaphore, #tpu.memory_space<semaphore_mem>>)
      %dma_wait3A = arith.constant 0 : i32
      %dma_wait3A_19 = tpu.memref_slice %arg8[%arg0, %mul3A_14, %dma_wait3A] : memref<2x10112x128xf32, #tpu.memory_space<hbm>> -> memref<1x632x128xf32, #tpu.memory_space<hbm>>
      %dma_wait3A_20 = tpu.memref_squeeze %dma_wait3A_19 : memref<1x632x128xf32, #tpu.memory_space<hbm>> -> memref<632x128xf32, #tpu.memory_space<hbm>>
      %dma_wait3A_21 = arith.constant 0 : i32
      %dma_wait3A_22 = tpu.memref_slice %arg9[%mul3A_12, %dma_wait3A_21] : memref<10112x128xf32, #tpu.memory_space<vmem_shared>> -> memref<632x128xf32, #tpu.memory_space<vmem_shared>>
      tpu.wait_dma2 semaphore(%run_scoped3A : memref<!tpu.dma_semaphore, #tpu.memory_space<semaphore_mem>>) src(%dma_wait3A_22 : memref<632x128xf32, #tpu.memory_space<vmem_shared>>) dst(%dma_wait3A_20 : memref<632x128xf32, #tpu.memory_space<hbm>>)
      tpu.yield
    }) : () -> ()
    return
  }
}

module attributes {stable_mosaic.version = 14 : i64} {
  func.func @body(%arg0: i32, %arg1: memref<1000x128xf32, #tpu.memory_space<vmem>>, %arg2: memref<128x128xf32, #tpu.memory_space<vmem>>, %arg3: memref<1000x128xf32, #tpu.memory_space<vmem>>, %arg4: memref<1000x128xf32, #tpu.memory_space<vmem>>, %arg5: memref<1000x128xf32, #tpu.memory_space<vmem>>, %arg6: memref<1000x128xf32, #tpu.memory_space<vmem>>) attributes {dimension_semantics = [#tpu.dimension_semantics<arbitrary>], iteration_bounds = array<i64: 10>, scalar_prefetch = 0 : i64, scratch_operands = 0 : i64, tpu.core_type = #tpu.core_type<tc>, window_params = [{transform_indices = @transform_0, window_bounds = array<i64: 1000, 128>}, {pipeline_mode = #tpu.pipeline_mode<synchronous>, transform_indices = @transform_1, window_bounds = array<i64: 128, 128>}, {transform_indices = @transform_2, window_bounds = array<i64: 1000, 128>}, {transform_indices = @transform_3, window_bounds = array<i64: 1000, 128>}, {transform_indices = @transform_4, window_bounds = array<i64: 1000, 128>}, {transform_indices = @transform_5, window_bounds = array<i64: 1000, 128>}]} {
    %get3A = arith.constant 0 : index
    %get3A_0 = arith.constant 0 : index
    %get3A_1 = vector.load %arg3[%get3A, %get3A_0] : memref<1000x128xf32, #tpu.memory_space<vmem>>, vector<1000x1xf32>
    %add3A = arith.constant 1.000000e+00 : f32
    %add3A_2 = vector.broadcast %add3A : f32 to vector<1000x1xf32>
    %add3A_3 = arith.addf %add3A_2, %get3A_1 : vector<1000x1xf32>
    %get3A_4 = arith.constant 0 : index
    %get3A_5 = arith.constant 0 : index
    %get3A_6 = vector.load %arg4[%get3A_4, %get3A_5] : memref<1000x128xf32, #tpu.memory_space<vmem>>, vector<1000x1xf32>
    %add3A_7 = arith.addf %add3A_3, %get3A_6 : vector<1000x1xf32>
    %rsqrt3A = math.rsqrt %add3A_7 : vector<1000x1xf32>
    %broadcast_in_dim3A = vector.shape_cast %rsqrt3A : vector<1000x1xf32> to vector<1000x1xf32>
    %broadcast_in_dim3A_8 = vector.broadcast %broadcast_in_dim3A : vector<1000x1xf32> to vector<1000x128xf32>
    %swap3A = arith.constant 0 : index
    %swap3A_9 = arith.constant 0 : index
    %swap3A_10 = vector.load %arg5[%swap3A, %swap3A_9] : memref<1000x128xf32, #tpu.memory_space<vmem>>, vector<1000x128xf32>
    tpu.vector_store %arg5[%swap3A, %swap3A_9], %broadcast_in_dim3A_8 {strides = array<i32>} : memref<1000x128xf32, #tpu.memory_space<vmem>>, vector<1000x128xf32>,
    %get3A_11 = arith.constant 0 : index
    %get3A_12 = arith.constant 0 : index
    %get3A_13 = vector.load %arg1[%get3A_11, %get3A_12] : memref<1000x128xf32, #tpu.memory_space<vmem>>, vector<1000x128xf32>
    %get3A_14 = arith.constant 0 : index
    %get3A_15 = arith.constant 0 : index
    %get3A_16 = vector.load %arg2[%get3A_14, %get3A_15] : memref<128x128xf32, #tpu.memory_space<vmem>>, vector<128x128xf32>
    %dot_general3A = arith.constant dense<0.000000e+00> : vector<1000x128xf32>
    %dot_general3A_17 = tpu.matmul %get3A_13, %get3A_16, %dot_general3A {dimension_numbers = #tpu.dot_dimension_numbers<[1], [0], [0], [1], [0, 0, 1, 1], [], []>, transpose_lhs_hint = false} : vector<1000x128xf32>, vector<128x128xf32>, vector<1000x128xf32> -> vector<1000x128xf32>
    %mul3A = arith.mulf %broadcast_in_dim3A_8, %dot_general3A_17 : vector<1000x128xf32>
    %swap3A_18 = arith.constant 0 : index
    %swap3A_19 = arith.constant 0 : index
    %swap3A_20 = vector.load %arg6[%swap3A_18, %swap3A_19] : memref<1000x128xf32, #tpu.memory_space<vmem>>, vector<1000x128xf32>
    tpu.vector_store %arg6[%swap3A_18, %swap3A_19], %mul3A {strides = array<i32>} : memref<1000x128xf32, #tpu.memory_space<vmem>>, vector<1000x128xf32>,
    return
  }
  func.func @transform_0(%arg0: i32) -> (i32, i32) {
    %c0_i32 = arith.constant 0 : i32
    %c0_i32_0 = arith.constant 0 : i32
    return %arg0, %c0_i32 : i32, i32
  }
  func.func @transform_1(%arg0: i32) -> (i32, i32) {
    %c0_i32 = arith.constant 0 : i32
    %c0_i32_0 = arith.constant 0 : i32
    %c0_i32_1 = arith.constant 0 : i32
    return %c0_i32, %c0_i32_0 : i32, i32
  }
  func.func @transform_2(%arg0: i32) -> (i32, i32) {
    %c0_i32 = arith.constant 0 : i32
    %c0_i32_0 = arith.constant 0 : i32
    return %arg0, %c0_i32 : i32, i32
  }
  func.func @transform_3(%arg0: i32) -> (i32, i32) {
    %c0_i32 = arith.constant 0 : i32
    %c0_i32_0 = arith.constant 0 : i32
    return %arg0, %c0_i32 : i32, i32
  }
  func.func @transform_4(%arg0: i32) -> (i32, i32) {
    %c0_i32 = arith.constant 0 : i32
    %c0_i32_0 = arith.constant 0 : i32
    return %arg0, %c0_i32 : i32, i32
  }
  func.func @transform_5(%arg0: i32) -> (i32, i32) {
    %c0_i32 = arith.constant 0 : i32
    %c0_i32_0 = arith.constant 0 : i32
    return %arg0, %c0_i32 : i32, i32
  }
}

module attributes {stable_mosaic.version = 14 : i64} {
  func.func @body(%arg0: i32, %arg1: memref<1000x128xf32, #tpu.memory_space<vmem>>, %arg2: memref<1000x128xf32, #tpu.memory_space<vmem>>, %arg3: memref<1000x128xf32, #tpu.memory_space<vmem>>, %arg4: memref<1000x128xf32, #tpu.memory_space<vmem>>, %arg5: memref<1x128xf32, #tpu.memory_space<vmem>>, %arg6: memref<128x128xf32, #tpu.memory_space<vmem>>, %arg7: memref<1000x128xf32, #tpu.memory_space<vmem>>, %arg8: memref<1000x128xf32, #tpu.memory_space<vmem>>) attributes {dimension_semantics = [#tpu.dimension_semantics<arbitrary>], iteration_bounds = array<i64: 10>, scalar_prefetch = 0 : i64, scratch_operands = 0 : i64, tpu.core_type = #tpu.core_type<tc>, window_params = [{transform_indices = @transform_0, window_bounds = array<i64: 1000, 128>}, {transform_indices = @transform_1, window_bounds = array<i64: 1000, 128>}, {transform_indices = @transform_2, window_bounds = array<i64: 1000, 128>}, {transform_indices = @transform_3, window_bounds = array<i64: 1000, 128>}, {pipeline_mode = #tpu.pipeline_mode<synchronous>, transform_indices = @transform_4, window_bounds = array<i64: 1, 128>}, {pipeline_mode = #tpu.pipeline_mode<synchronous>, transform_indices = @transform_5, window_bounds = array<i64: 128, 128>}, {transform_indices = @transform_6, window_bounds = array<i64: 1000, 128>}, {transform_indices = @transform_7, window_bounds = array<i64: 1000, 128>}]} {
    %get3A = arith.constant 0 : index
    %get3A_0 = arith.constant 0 : index
    %get3A_1 = vector.load %arg4[%get3A, %get3A_0] : memref<1000x128xf32, #tpu.memory_space<vmem>>, vector<1000x128xf32>
    %get3A_2 = arith.constant 0 : index
    %get3A_3 = arith.constant 0 : index
    %get3A_4 = vector.load %arg1[%get3A_2, %get3A_3] : memref<1000x128xf32, #tpu.memory_space<vmem>>, vector<1000x128xf32>
    %get3A_5 = arith.constant 0 : index
    %get3A_6 = arith.constant 0 : index
    %get3A_7 = vector.load %arg2[%get3A_5, %get3A_6] : memref<1000x128xf32, #tpu.memory_space<vmem>>, vector<1000x128xf32>
    %add3A = arith.addf %get3A_4, %get3A_7 : vector<1000x128xf32>
    %get3A_8 = arith.constant 0 : index
    %get3A_9 = arith.constant 0 : index
    %get3A_10 = vector.load %arg3[%get3A_8, %get3A_9] : memref<1000x128xf32, #tpu.memory_space<vmem>>, vector<1000x128xf32>
    %add3A_11 = arith.addf %add3A, %get3A_10 : vector<1000x128xf32>
    %mul3A = arith.mulf %get3A_1, %add3A_11 : vector<1000x128xf32>
    %get3A_12 = arith.constant 0 : index
    %get3A_13 = arith.constant 0 : index
    %get3A_14 = vector.load %arg5[%get3A_12, %get3A_13] : memref<1x128xf32, #tpu.memory_space<vmem>>, vector<1x128xf32>
    %add3A_15 = vector.broadcast %get3A_14 : vector<1x128xf32> to vector<1000x128xf32>
    %add3A_16 = arith.addf %mul3A, %add3A_15 : vector<1000x128xf32>
    %max3A = arith.constant 0.000000e+00 : f32
    %max3A_17 = vector.broadcast %max3A : f32 to vector<1000x128xf32>
    %max3A_18 = arith.maximumf %add3A_16, %max3A_17 : vector<1000x128xf32>
    %swap3A = arith.constant 0 : index
    %swap3A_19 = arith.constant 0 : index
    %swap3A_20 = vector.load %arg7[%swap3A, %swap3A_19] : memref<1000x128xf32, #tpu.memory_space<vmem>>, vector<1000x128xf32>
    tpu.vector_store %arg7[%swap3A, %swap3A_19], %max3A_18 {strides = array<i32>} : memref<1000x128xf32, #tpu.memory_space<vmem>>, vector<1000x128xf32>,
    %get3A_21 = arith.constant 0 : index
    %get3A_22 = arith.constant 0 : index
    %get3A_23 = vector.load %arg6[%get3A_21, %get3A_22] : memref<128x128xf32, #tpu.memory_space<vmem>>, vector<128x128xf32>
    %dot_general3A = arith.constant dense<0.000000e+00> : vector<1000x128xf32>
    %dot_general3A_24 = tpu.matmul %max3A_18, %get3A_23, %dot_general3A {dimension_numbers = #tpu.dot_dimension_numbers<[1], [0], [0], [1], [0, 0, 1, 1], [], []>, transpose_lhs_hint = false} : vector<1000x128xf32>, vector<128x128xf32>, vector<1000x128xf32> -> vector<1000x128xf32>
    %mul3A_25 = arith.mulf %get3A_1, %dot_general3A_24 : vector<1000x128xf32>
    %swap3A_26 = arith.constant 0 : index
    %swap3A_27 = arith.constant 0 : index
    %swap3A_28 = vector.load %arg8[%swap3A_26, %swap3A_27] : memref<1000x128xf32, #tpu.memory_space<vmem>>, vector<1000x128xf32>
    tpu.vector_store %arg8[%swap3A_26, %swap3A_27], %mul3A_25 {strides = array<i32>} : memref<1000x128xf32, #tpu.memory_space<vmem>>, vector<1000x128xf32>,
    return
  }
  func.func @transform_0(%arg0: i32) -> (i32, i32) {
    %c0_i32 = arith.constant 0 : i32
    %c0_i32_0 = arith.constant 0 : i32
    return %arg0, %c0_i32 : i32, i32
  }
  func.func @transform_1(%arg0: i32) -> (i32, i32) {
    %c0_i32 = arith.constant 0 : i32
    %c0_i32_0 = arith.constant 0 : i32
    return %arg0, %c0_i32 : i32, i32
  }
  func.func @transform_2(%arg0: i32) -> (i32, i32) {
    %c0_i32 = arith.constant 0 : i32
    %c0_i32_0 = arith.constant 0 : i32
    return %arg0, %c0_i32 : i32, i32
  }
  func.func @transform_3(%arg0: i32) -> (i32, i32) {
    %c0_i32 = arith.constant 0 : i32
    %c0_i32_0 = arith.constant 0 : i32
    return %arg0, %c0_i32 : i32, i32
  }
  func.func @transform_4(%arg0: i32) -> (i32, i32) {
    %c0_i32 = arith.constant 0 : i32
    %c0_i32_0 = arith.constant 0 : i32
    %c0_i32_1 = arith.constant 0 : i32
    return %c0_i32, %c0_i32_0 : i32, i32
  }
  func.func @transform_5(%arg0: i32) -> (i32, i32) {
    %c0_i32 = arith.constant 0 : i32
    %c0_i32_0 = arith.constant 0 : i32
    %c0_i32_1 = arith.constant 0 : i32
    return %c0_i32, %c0_i32_0 : i32, i32
  }
  func.func @transform_6(%arg0: i32) -> (i32, i32) {
    %c0_i32 = arith.constant 0 : i32
    %c0_i32_0 = arith.constant 0 : i32
    return %arg0, %c0_i32 : i32, i32
  }
  func.func @transform_7(%arg0: i32) -> (i32, i32) {
    %c0_i32 = arith.constant 0 : i32
    %c0_i32_0 = arith.constant 0 : i32
    return %arg0, %c0_i32 : i32, i32
  }
}

module attributes {stable_mosaic.version = 14 : i64} {
  func.func @body(%arg0: i32, %arg1: memref<1000x128xf32, #tpu.memory_space<vmem>>, %arg2: memref<1000x128xf32, #tpu.memory_space<vmem>>, %arg3: memref<1000x128xf32, #tpu.memory_space<vmem>>, %arg4: memref<1000x128xf32, #tpu.memory_space<vmem>>, %arg5: memref<1x128xf32, #tpu.memory_space<vmem>>, %arg6: memref<128x64xf32, #tpu.memory_space<vmem>>, %arg7: memref<1000x128xf32, #tpu.memory_space<vmem>>, %arg8: memref<1000x64xf32, #tpu.memory_space<vmem>>, %arg9: memref<1000x64xf32, #tpu.memory_space<vmem>>, %arg10: memref<1000x64xf32, #tpu.memory_space<vmem>>) attributes {dimension_semantics = [#tpu.dimension_semantics<arbitrary>], iteration_bounds = array<i64: 10>, scalar_prefetch = 0 : i64, scratch_operands = 0 : i64, tpu.core_type = #tpu.core_type<tc>, window_params = [{transform_indices = @transform_0, window_bounds = array<i64: 1000, 128>}, {transform_indices = @transform_1, window_bounds = array<i64: 1000, 128>}, {transform_indices = @transform_2, window_bounds = array<i64: 1000, 128>}, {transform_indices = @transform_3, window_bounds = array<i64: 1000, 128>}, {pipeline_mode = #tpu.pipeline_mode<synchronous>, transform_indices = @transform_4, window_bounds = array<i64: 1, 128>}, {pipeline_mode = #tpu.pipeline_mode<synchronous>, transform_indices = @transform_5, window_bounds = array<i64: 128, 64>}, {transform_indices = @transform_6, window_bounds = array<i64: 1000, 128>}, {transform_indices = @transform_7, window_bounds = array<i64: 1000, 64>}, {transform_indices = @transform_8, window_bounds = array<i64: 1000, 64>}, {transform_indices = @transform_9, window_bounds = array<i64: 1000, 64>}]} {
    %get3A = arith.constant 0 : index
    %get3A_0 = arith.constant 0 : index
    %get3A_1 = vector.load %arg4[%get3A, %get3A_0] : memref<1000x128xf32, #tpu.memory_space<vmem>>, vector<1000x128xf32>
    %get3A_2 = arith.constant 0 : index
    %get3A_3 = arith.constant 0 : index
    %get3A_4 = vector.load %arg1[%get3A_2, %get3A_3] : memref<1000x128xf32, #tpu.memory_space<vmem>>, vector<1000x128xf32>
    %get3A_5 = arith.constant 0 : index
    %get3A_6 = arith.constant 0 : index
    %get3A_7 = vector.load %arg2[%get3A_5, %get3A_6] : memref<1000x128xf32, #tpu.memory_space<vmem>>, vector<1000x128xf32>
    %add3A = arith.addf %get3A_4, %get3A_7 : vector<1000x128xf32>
    %get3A_8 = arith.constant 0 : index
    %get3A_9 = arith.constant 0 : index
    %get3A_10 = vector.load %arg3[%get3A_8, %get3A_9] : memref<1000x128xf32, #tpu.memory_space<vmem>>, vector<1000x128xf32>
    %add3A_11 = arith.addf %add3A, %get3A_10 : vector<1000x128xf32>
    %mul3A = arith.mulf %get3A_1, %add3A_11 : vector<1000x128xf32>
    %get3A_12 = arith.constant 0 : index
    %get3A_13 = arith.constant 0 : index
    %get3A_14 = vector.load %arg5[%get3A_12, %get3A_13] : memref<1x128xf32, #tpu.memory_space<vmem>>, vector<1x128xf32>
    %add3A_15 = vector.broadcast %get3A_14 : vector<1x128xf32> to vector<1000x128xf32>
    %add3A_16 = arith.addf %mul3A, %add3A_15 : vector<1000x128xf32>
    %max3A = arith.constant 0.000000e+00 : f32
    %max3A_17 = vector.broadcast %max3A : f32 to vector<1000x128xf32>
    %max3A_18 = arith.maximumf %add3A_16, %max3A_17 : vector<1000x128xf32>
    %swap3A = arith.constant 0 : index
    %swap3A_19 = arith.constant 0 : index
    %swap3A_20 = vector.load %arg7[%swap3A, %swap3A_19] : memref<1000x128xf32, #tpu.memory_space<vmem>>, vector<1000x128xf32>
    tpu.vector_store %arg7[%swap3A, %swap3A_19], %max3A_18 {strides = array<i32>} : memref<1000x128xf32, #tpu.memory_space<vmem>>, vector<1000x128xf32>,
    %get3A_21 = arith.constant 0 : index
    %get3A_22 = arith.constant 0 : index
    %get3A_23 = vector.load %arg6[%get3A_21, %get3A_22] : memref<128x64xf32, #tpu.memory_space<vmem>>, vector<128x64xf32>
    %dot_general3A = arith.constant dense<0.000000e+00> : vector<1000x64xf32>
    %dot_general3A_24 = tpu.matmul %max3A_18, %get3A_23, %dot_general3A {dimension_numbers = #tpu.dot_dimension_numbers<[1], [0], [0], [1], [0, 0, 1, 1], [], []>, transpose_lhs_hint = false} : vector<1000x128xf32>, vector<128x64xf32>, vector<1000x64xf32> -> vector<1000x64xf32>
    %max3A_25 = arith.constant 0.000000e+00 : f32
    %max3A_26 = vector.broadcast %max3A_25 : f32 to vector<1000x64xf32>
    %max3A_27 = arith.maximumf %dot_general3A_24, %max3A_26 : vector<1000x64xf32>
    %reduce_max3A = arith.constant dense<0xFF800000> : vector<1000xf32>
    %reduce_max3A_28 = vector.multi_reduction <maximumf>, %max3A_27, %reduce_max3A [1] : vector<1000x64xf32> to vector<1000xf32>
    %broadcast_in_dim3A = vector.shape_cast %reduce_max3A_28 : vector<1000xf32> to vector<1000x1xf32>
    %sub3A = vector.broadcast %broadcast_in_dim3A : vector<1000x1xf32> to vector<1000x64xf32>
    %sub3A_29 = arith.subf %max3A_27, %sub3A : vector<1000x64xf32>
    %exp3A = math.exp %sub3A_29 : vector<1000x64xf32>
    %reduce_sum3A = arith.constant dense<0.000000e+00> : vector<1000xf32>
    %reduce_sum3A_30 = vector.multi_reduction <add>, %exp3A, %reduce_sum3A [1] : vector<1000x64xf32> to vector<1000xf32>
    %broadcast_in_dim3A_31 = vector.shape_cast %reduce_sum3A_30 : vector<1000xf32> to vector<1000x1xf32>
    %log3A = math.log %broadcast_in_dim3A_31 : vector<1000x1xf32>
    %add3A_32 = arith.addf %broadcast_in_dim3A, %log3A : vector<1000x1xf32>
    %sub3A_33 = vector.broadcast %add3A_32 : vector<1000x1xf32> to vector<1000x64xf32>
    %sub3A_34 = arith.subf %max3A_27, %sub3A_33 : vector<1000x64xf32>
    %swap3A_35 = arith.constant 0 : index
    %swap3A_36 = arith.constant 0 : index
    %swap3A_37 = vector.load %arg8[%swap3A_35, %swap3A_36] : memref<1000x64xf32, #tpu.memory_space<vmem>>, vector<1000x64xf32>
    tpu.vector_store %arg8[%swap3A_35, %swap3A_36], %max3A_27 {strides = array<i32>} : memref<1000x64xf32, #tpu.memory_space<vmem>>, vector<1000x64xf32>,
    %swap3A_38 = arith.constant 0 : index
    %swap3A_39 = arith.constant 0 : index
    %swap3A_40 = vector.load %arg9[%swap3A_38, %swap3A_39] : memref<1000x64xf32, #tpu.memory_space<vmem>>, vector<1000x64xf32>
    tpu.vector_store %arg9[%swap3A_38, %swap3A_39], %sub3A_34 {strides = array<i32>} : memref<1000x64xf32, #tpu.memory_space<vmem>>, vector<1000x64xf32>,
    %exp3A_41 = math.exp %sub3A_34 : vector<1000x64xf32>
    %swap3A_42 = arith.constant 0 : index
    %swap3A_43 = arith.constant 0 : index
    %swap3A_44 = vector.load %arg10[%swap3A_42, %swap3A_43] : memref<1000x64xf32, #tpu.memory_space<vmem>>, vector<1000x64xf32>
    tpu.vector_store %arg10[%swap3A_42, %swap3A_43], %exp3A_41 {strides = array<i32>} : memref<1000x64xf32, #tpu.memory_space<vmem>>, vector<1000x64xf32>,
    return
  }
  func.func @transform_0(%arg0: i32) -> (i32, i32) {
    %c0_i32 = arith.constant 0 : i32
    %c0_i32_0 = arith.constant 0 : i32
    return %arg0, %c0_i32 : i32, i32
  }
  func.func @transform_1(%arg0: i32) -> (i32, i32) {
    %c0_i32 = arith.constant 0 : i32
    %c0_i32_0 = arith.constant 0 : i32
    return %arg0, %c0_i32 : i32, i32
  }
  func.func @transform_2(%arg0: i32) -> (i32, i32) {
    %c0_i32 = arith.constant 0 : i32
    %c0_i32_0 = arith.constant 0 : i32
    return %arg0, %c0_i32 : i32, i32
  }
  func.func @transform_3(%arg0: i32) -> (i32, i32) {
    %c0_i32 = arith.constant 0 : i32
    %c0_i32_0 = arith.constant 0 : i32
    return %arg0, %c0_i32 : i32, i32
  }
  func.func @transform_4(%arg0: i32) -> (i32, i32) {
    %c0_i32 = arith.constant 0 : i32
    %c0_i32_0 = arith.constant 0 : i32
    %c0_i32_1 = arith.constant 0 : i32
    return %c0_i32, %c0_i32_0 : i32, i32
  }
  func.func @transform_5(%arg0: i32) -> (i32, i32) {
    %c0_i32 = arith.constant 0 : i32
    %c0_i32_0 = arith.constant 0 : i32
    %c0_i32_1 = arith.constant 0 : i32
    return %c0_i32, %c0_i32_0 : i32, i32
  }
  func.func @transform_6(%arg0: i32) -> (i32, i32) {
    %c0_i32 = arith.constant 0 : i32
    %c0_i32_0 = arith.constant 0 : i32
    return %arg0, %c0_i32 : i32, i32
  }
  func.func @transform_7(%arg0: i32) -> (i32, i32) {
    %c0_i32 = arith.constant 0 : i32
    %c0_i32_0 = arith.constant 0 : i32
    return %arg0, %c0_i32 : i32, i32
  }
  func.func @transform_8(%arg0: i32) -> (i32, i32) {
    %c0_i32 = arith.constant 0 : i32
    %c0_i32_0 = arith.constant 0 : i32
    return %arg0, %c0_i32 : i32, i32
  }
  func.func @transform_9(%arg0: i32) -> (i32, i32) {
    %c0_i32 = arith.constant 0 : i32
    %c0_i32_0 = arith.constant 0 : i32
    return %arg0, %c0_i32 : i32, i32
  }
}

</mosaic_0001>

<sc_bundles>
// kernel: kernel.10.cloned.1.call-start
scs
__scs_entry_jumppad:
0x0: {  	(pc) =	sbr.rel $0x88, $3  }
0x1: {  	(tag) =	ssettag $0x0;
	lr =	simm.s32 $0x1  }
0x2: {  	[smem:$0x3F98] =	sst lr;
	_ =	strace $0xD0000000  }
0x3: {  	_ = 	snop  }
0x4: {  	_ = 	snop  }
0x5: {  	_ = 	snop  }
0x6: {  	_ = 	snop  }
0x7: {  	_ = 	snop  }
__scs_overlays_trampoline_lowered:
0x8: {  	[smem:$0x3FA7] =	sst s0  }
0x9: {  	[smem:$0x3FA8] =	sst s1  }
0xa: {  	[smem:$0x3FA9] =	sst s2  }
0xb: {  	[smem:$0x3FAA] =	sst s3  }
0xc: {  	[smem:$0x3FAB] =	sst s4  }
0xd: {  	[smem:$0x3FAC] =	sst s5  }
0xe: {  	[smem:$0x3FAD] =	sst s6  }
0xf: {  	[smem:$0x3FAE] =	sst s7  }
0x10: {  	[smem:$0x3FAF] =	sst s8  }
0x11: {  	[smem:$0x3FB0] =	sst s9;
	s0 =	simm.s32 @!p0 $0x0  }
0x12: {  	s1 =	sld [smem:$0x3F96];
	s0 =	simm.s32 @p0 $0x1  }
0x13: {  	[smem:$0x3FB1] =	sst s0;
	s0 =	simm.s32 @!p1 $0x0  }
0x14: {  	s2 =	sld [smem:$0x3F95];
	s0 =	simm.s32 @p1 $0x1  }
0x15: {  	[smem:$0x3FB2] =	sst s0;
	s0 =	simm.s32 @!p2 $0x0  }
0x16: {  	s3 =	sld [smem:$0x3FDB];
	s0 =	simm.s32 @p2 $0x1  }
0x17: {  	s4 =	simm.s32 $0x1BF5;
	[smem:$0x3FB4] =	sst s0  }
0x18: {  	s0 =	sld [smem:$0x3F97];
	_ =	swait.ge [sflag:s4], $0x0  }
0x19: {  	s7 =	sld [smem:$0x3F98]  }
0x1a: {  	s8 =	sadd.s32 $0xFFFFE003, lr  }
0x1b: {  	s9 =	sadd.s32 $0xFFFFFEF7, lr;
	s5 =	simm.s32 $0xFFFFFFFF;
	p2 =	slt.u32 s8, $0xFFFFF086  }
0x1c: {  	p1 =	slt.u32 s9, $0xF7A;
	s5 =	simm.s32 @!p2 $0x0  }
0x1d: {  	s5 =	simm.s32 @p1 $0x1;
	p0 =	seq.s32 s7, s2  }
0x1e: {  	s7 =	smul.u32 @!p0 $0xF7A, s2;
	p2 =	seq.s32 @!p0 s5, $0x0  }
0x1f: {  	s9 =	smul.u32 $0xF7A, s1;
	s8 =	simm.s32 @!p0 $0x1BF5;
	p2 =	por !p2, p0  }
0x20: {  	[sflag:s8] =	ssyncset.s32 @!p0 $0xFFFFF086;
	s6 =	sadd.s32 @!p0 s3, s7;
	s7 =	simm.s32 @!p0 $0x108  }
0x21: {  	s3 =	sadd.s32 s3, s9;
	s6 =	sadd.s32 @!p0 $0x88, s6;
	s7 =	simm.s32 @p2 $0x1082  }
0x22: {  	[simem:s7], [sflag:s8] =	dma.local @!p0 [hbm:s6], $0xF7A  }
0x23: {  	s9 =	sor.u32 $0xD0000000, s2;
	s6 =	simm.s32 $0x108;
	_ =	swait.ge @!p0 [sflag:s8], $0x0  }
0x24: {  	s3 =	sadd.s32 $0x88, s3;
	s6 =	simm.s32 @!p1 $0x1082;
	[sflag:s4] =	ssyncset.s32 $0xFFFFF086  }
0x25: {  	[simem:s6], [sflag:s4] =	dma.local [hbm:s3], $0xF7A  }
0x26: {  	[smem:$0x3F98] =	sst s1;
	(tag) =	ssettag s2;
	_ =	strace s9  }
0x27: {  	s1 =	sld [smem:$0x3FA8]  }
0x28: {  	s2 =	sld [smem:$0x3FA9]  }
0x29: {  	s4 =	sld [smem:$0x3FAB]  }
0x2a: {  	p0 =	seq.s32 s5, $0x0;
	s5 =	sld [smem:$0x3FAC]  }
0x2b: {  	s6 =	sld [smem:$0x3FAD]  }
0x2c: {  	s7 =	sld [smem:$0x3FAE]  }
0x2d: {  	s3 =	simm.s32 $0x108;
	s8 =	sld [smem:$0x3FAF]  }
0x2e: {  	s3 =	simm.s32 @!p0 $0x1082;
	s9 =	sld [smem:$0x3FB0]  }
0x2f: {  	lr =	sadd.s32 s0, s3;
	s0 =	sld [smem:$0x3FA7]  }
0x30: {  	s3 =	sld [smem:$0x3FAA]  }
0x31: {  	[smem:$0x3FB3] =	sst s10  }
0x32: {  	s10 =	sld [smem:$0x3FB1];
	_ =	sdelay $0x3  }
0x33: {  	p0 =	seq.s32 s10, $0x1;
	s10 =	sld [smem:$0x3FB3];
	_ =	sdelay $0x3  }
0x34: {  	[smem:$0x3FB3] =	sst s10  }
0x35: {  	s10 =	sld [smem:$0x3FB2];
	_ =	sdelay $0x3  }
0x36: {  	p1 =	seq.s32 s10, $0x1;
	s10 =	sld [smem:$0x3FB3];
	_ =	sdelay $0x3  }
0x37: {  	[smem:$0x3FB3] =	sst s10  }
0x38: {  	s10 =	sld [smem:$0x3FB4]  }
0x39: {  	_ = 	snop;
	(pc) =	sbr.ind lr, $3  }
0x3a: {  	_ = 	snop  }
0x3b: {  	_ = 	snop  }
0x3c: {  	p2 =	seq.s32 s10, $0x1;
	s10 =	sld [smem:$0x3FB3]  }
0x3d: {  	_ =	shalt  }
0x3e: {  	_ =	shalt  }
0x3f: {  	_ =	shalt  }
0x40: {  	_ =	shalt  }
0x41: {  	_ =	shalt  }
0x42: {  	_ =	shalt  }
0x43: {  	_ =	shalt  }
0x44: {  	_ =	shalt  }
0x45: {  	_ =	shalt  }
0x46: {  	_ =	shalt  }
0x47: {  	_ =	shalt  }
0x48: {  	_ =	shalt  }
0x49: {  	_ =	shalt  }
0x4a: {  	_ =	shalt  }
0x4b: {  	_ =	shalt  }
0x4c: {  	_ =	shalt  }
0x4d: {  	_ =	shalt  }
0x4e: {  	_ =	shalt  }
0x4f: {  	_ =	shalt  }
0x50: {  	_ =	shalt  }
0x51: {  	_ =	shalt  }
0x52: {  	_ =	shalt  }
0x53: {  	_ =	shalt  }
0x54: {  	_ =	shalt  }
0x55: {  	_ =	shalt  }
0x56: {  	_ =	shalt  }
0x57: {  	_ =	shalt  }
0x58: {  	_ =	shalt  }
0x59: {  	_ =	shalt  }
0x5a: {  	_ =	shalt  }
0x5b: {  	_ =	shalt  }
0x5c: {  	_ =	shalt  }
0x5d: {  	_ =	shalt  }
0x5e: {  	_ =	shalt  }
0x5f: {  	_ =	shalt  }
0x60: {  	_ =	shalt  }
0x61: {  	_ =	shalt  }
0x62: {  	_ =	shalt  }
0x63: {  	_ =	shalt  }
0x64: {  	_ =	shalt  }
0x65: {  	_ =	shalt  }
0x66: {  	_ =	shalt  }
0x67: {  	_ =	shalt  }
0x68: {  	_ =	shalt  }
0x69: {  	_ =	shalt  }
0x6a: {  	_ =	shalt  }
0x6b: {  	_ =	shalt  }
0x6c: {  	_ =	shalt  }
0x6d: {  	_ =	shalt  }
0x6e: {  	_ =	shalt  }
0x6f: {  	_ =	shalt  }
0x70: {  	_ =	shalt  }
0x71: {  	_ =	shalt  }
0x72: {  	_ =	shalt  }
0x73: {  	_ =	shalt  }
0x74: {  	_ =	shalt  }
0x75: {  	_ =	shalt  }
0x76: {  	_ =	shalt  }
0x77: {  	_ =	shalt  }
0x78: {  	_ =	shalt  }
0x79: {  	_ =	shalt  }
0x7a: {  	_ =	shalt  }
0x7b: {  	_ =	shalt  }
0x7c: {  	_ =	shalt  }
0x7d: {  	_ =	shalt  }
0x7e: {  	_ =	shalt  }
0x7f: {  	_ =	shalt  }
0x80: {  	_ =	shalt  }
0x81: {  	_ =	shalt  }
0x82: {  	_ =	shalt  }
0x83: {  	_ =	shalt  }
0x84: {  	_ =	shalt  }
0x85: {  	_ =	shalt  }
0x86: {  	_ =	shalt  }
0x87: {  	_ =	shalt  }
.Lfunc_end0:
.L_simem_size_0:
called_computation_lowered:
.L_overlay_start_0:
0x88: {  	s2 =	sld [smem:$0x3FD9]  }
0x89: {  	s3 =	sld [smem:$0x3FFE];
	_ =	sdelay $0x1  }
0x8a: {  	s1 =	srdreg.scid  }
0x8b: {  	s0 =	sand.u32 $0x1, s1  }
0x8c: {  	s14 =	sshll.u32 s0, $0xA;
	s2 =	sadd.s32 s3, s2  }
0x8d: {  	s2 =	sadd.s32 s2, s14  }
0x8e: {  	[smem:$0x3FBF] =	sst s2  }
0x8f: {  	_ = 	snop  }
0x90: {  	s2 =	sld [smem:$0x3FD0];
	_ =	sdelay $0x2  }
0x91: {  	s15 =	simm.s32 $0xA;
	s4 =	simm.s32 $0x10  }
0x92: {  	[smem:s4], [sflag:s15] =	dma.local [hbm:s2], $0x1  }
0x93: {  	_ =	swait.eq [sflag:s15], $0x1  }
0x94: {  	s16 =	sld [smem:$0x13];
	[sflag:s15] =	ssyncset.done $0x0  }
0x95: {  	s17 =	sld [smem:$0x14];
	[sflag:s15] =	ssyncadd.s32 $0xFFFFFFFF  }
0x96: {  	s18 =	sld [smem:$0x16];
	(tm) =	ssettm $0x1  }
0x97: {  	s5 =	sld [smem:$0x3FFB];
	_ =	sdelay $0x3  }
0x98: {  	_ =	strace s5  }
0x99: {  	s5 =	sld [smem:$0x3FFC];
	_ =	sdelay $0x3  }
0x9a: {  	_ =	strace s5  }
0x9b: {  	s5 =	sld [smem:$0x3FFD];
	_ =	sdelay $0x3  }
0x9c: {  	_ =	strace s5  }
0x9d: {  	_ =	strace $0x8FFFFFFF  }
0x9e: {  	s19 =	sld [smem:$0x3FDB];
	_ =	sdelay $0x1  }
0x9f: {  	s6 =	simm.s32 $_scs_section_size  }
0xa0: {  	s7 =	simm.s32 $_size__tile_overlayer_lowered;
	s8 =	simm.s32 $_tile_overlayer_lowered  }
0xa1: {  	s22 =	simm.s32 $0x1BFF;
	s21 =	sshll.u32 s8, $0x1;
	s5 =	sadd.s32 s6, s19  }
0xa2: {  	s9 =	simm.s32 $0x0;
	s20 =	sshll.u32 s7, $0x1;
	s7 =	sadd.s32 s21, s5  }
0xa3: {  	[timem:s9], [sflag:s22] =	dma.local [hbm:s7], s20  }
0xa4: {  	_ =	swait.ge [sflag:s22], s20  }
0xa5: {  	s6 =	ssub.s32 $0x0, s20;
	[sflag:s22] =	ssyncset.done $0x0  }
0xa6: {  	[sflag:s22] =	ssyncadd.s32 s6;
	_ =	sdelay $0x1  }
0xa7: {  	s23 =	simm.s32 $0x1B8B  }
0xa8: {  	_ =	swait.ge [sflag:s23], $0x1  }
0xa9: {  	[sflag:s23] =	ssyncset.done $0x0  }
0xaa: {  	s25 =	simm.s32 $0x1B8E;
	s24 =	sld [smem:$0x3FFE];
	[sflag:s23] =	ssyncadd.s32 $0xFFFFFFFF  }
0xab: {  	s26 =	simm.s32 $execute0_lowered;
	[smem:$0x3FD2] =	sst s25  }
0xac: {  	s7 =	sshll.u32 s26, $0x1;
	_ =	strace $0x80000046;
	[dreg:$0x1] =	wrdreg $0xFFFFFFFF  }
0xad: {  	s28 =	simm.s32 $_size_execute0_lowered;
	s5 =	sadd.s32 s5, s7;
	[dreg:$0x0] =	wrdreg $0x0  }
0xae: {  	s7 =	sshll.u32 s28, $0x1;
	[dreg:$0x2] =	wrdreg s5  }
0xaf: {  	[dreg:$0x3] =	wrdreg s7  }
0xb0: {  	[dreg:$0x4] =	wrdreg $0xC0  }
0xb1: {  	_ =	task [dreg:s9], $0x5FFFF  }
0xb2: {  	[dreg:$0x1] =	wrdreg $0xFFFFFFFF  }
0xb3: {  	[dreg:$0x0] =	wrdreg $0x60  }
0xb4: {  	[dreg:$0x2] =	wrdreg s18  }
0xb5: {  	[dreg:$0x3] =	wrdreg s17  }
0xb6: {  	[dreg:$0x4] =	wrdreg s16  }
0xb7: {  	[dreg:$0x5] =	wrdreg s24  }
0xb8: {  	[dreg:$0x6] =	wrdreg $0x0  }
0xb9: {  	[dreg:$0x7] =	wrdreg $0x9  }
0xba: {  	_ =	task.clear_ibuf [dreg:s9], $0x8FFFF;
	_ =	strace $0x90000046  }
0xbb: {  	s29 =	simm.s32 $0x9;
	_ =	strace $0x80000048  }
0xbc: {  	_ =	swait.ge [sflag:s29], $0x1  }
0xbd: {  	[sflag:s29] =	ssyncadd.s32 $0xFFFFFFFF  }
0xbe: {  	_ =	strace $0x90000048  }
0xbf: {  	_ =	sfence  }
0xc0: {  	s30 =	sld [smem:$0x0];
	_ =	sdelay $0x2  }
0xc1: {  	s31 =	sshll.u32 s1, $0xD;
	s1 =	sshrl.u32 s1, $0x2  }
0xc2: {  	s3 =	sand.u32 $0x4000, s31;
	s1 =	sadd.s32 s1, s30  }
0xc3: {  	s0 =	sor.u32 s3, s0;
	s1 =	sshll.u32 s1, $0x11  }
0xc4: {  	s0 =	sor.u32 s1, s0  }
0xc5: {  	s0 =	sadd.s32 $0x8F2B, s0  }
0xc6: {  	[sflag:s0] =	ssyncadd.remote.s32 $0x1  }
0xc7: {  	_ =	sfence.sel $0xFFFF  }
0xc8: {  	[dreg:$0x0] =	wrdreg $0xFFFFFFFF;
	(pc) =	sbr.abs _section_cstart, $3  }
0xc9: {  	[dreg:$0x1] =	wrdreg $0xFFFFFFFF  }
0xca: {  	_ =	task.clear_ibuf [dreg:s9], $0x2FFFF;
	_ =	strace $0x9FFFFFFF  }
0xcb: {  	(tm) =	ssettm $0x7FFFFFFF  }
tec
execute0_lowered:
.L_overlay_start_1:
0x0: {  	(tag) =	ssettag $0x1  }
0x1: {  	s6 =	rddreg [dreg:$0x0]  }
0x2: {  	s7 =	rddreg [dreg:$0x1]  }
0x3: {  	s2 =	rddreg [dreg:$0x2]  }
0x4: {  	s5 =	rddreg [dreg:$0x3]  }
0x5: {  	s3 =	rddreg [dreg:$0x4]  }
0x6: {  	s0 =	rddreg [dreg:$0x5]  }
0x7: {  	s1 =	stileid.u32;
	s8 =	srdreg.scid;
	s4 =	simm.s32 $0x0  }
0x8: {  	s14 =	simm.s32 $0x13C00;
	s15 =	simm.s32 $0x80;
	s9 =	smul.u32 $0x13C00, s1  }
0x9: {  	s16 =	simm.s32 $0x0;
	s8 =	sand.u32 $0x1, s8;
	s26 =	smul.u32 $0x4F000, s1  }
0xa: {  	[smem:$0x7FF] =	sst s4;
	s29 =	smul.u32 $0x680, s1;
	s30 =	sshll.u32 s1, $0xA  }
0xb: {  	s31 =	sshll.u32 s1, $0x6;
	s10 =	smul.u32 $0x13C000, s8;
	_ =	strace $0x80000047  }
0xc: {  	s12 =	ssub.s32 $0x2, s8;
	p0 =	seq.s32 s8, $0x1;
	s7 =	sadd.s32 s7, s30  }
0xd: {  	s11 =	sshrl.u32 s9, $0x3;
	s28 =	sshrl.u32 s12, $0x1;
	s6 =	sadd.s32 s6, s29  }
.Ltmp0:
0xe: {  	s9 =	sadd.s32 s9, s10;
	s11 =	sadd.s32 s11, s5;
	(pc) =	sbr.rel .LBB2_1-.Ltmp0, $4  }
0xf: {  	s10 =	sshrl.u32 s26, $0x2;
	s12 =	ssub.s32 s12, s28;
	s9 =	sshrl.u32 s9, $0x3  }
0x10: {  	s13 =	sadd.s32 s10, s3;
	s10 =	simm.s32 $0x17000;
	s9 =	sadd.s32 s9, s5  }
0x11: {  	s5 =	sadd.s32 $0x4600, s11;
	s11 =	simm.s32 $0x1;
	s13 =	sshrl.u32 s13, $0x3  }
0x12: {  	s8 =	sadd.s32 $0x2BE00, s9;
	s9 =	smax.u32 s12, $0x1;
	s12 =	sor.u32 $0x1C01, s31  }
.LBB2_7:
0x13: {  	[sflag:s11] =	ssyncset.done $0x0  }
0x14: {  	[sflag:s11] =	ssyncadd.s32 $0xFFFFC000  }
.LBB2_8:
0x15: {  	s16 =	sadd.s32 $0x1, s16  }
0x16: {  	p1 =	sne.s32 s16, s9  }
.Ltmp1:
0x17: {  	[bflag:$0x0] =	sbarrier.arrive $0xFFFF;
	(pc) =	sbr.rel @!p1 .LBB2_9-.Ltmp1, $4  }
0x18: {  	[hbm:s8], [sflag:s12] =	dma.local [spmem:s13], $0x2780  }
0x19: {  	_ =	swait.ge [sflag:s11], $0x2780  }
0x1a: {  	[sflag:s11] =	ssyncset.done $0x0  }
0x1b: {  	[sflag:s11] =	ssyncadd.s32 $0xFFFFD880  }
.LBB2_1:
0x1c: {  	[tilespmem:s10], [sflag:$0x1] =	stream.linear.gather [hbm4b:s2+s4], $0x4000, $0x38;
	[tilespmem:$0x1B000] =	vst v63  }
0x1d: {  	_ =	swait.ge [sflag:s11], $0x4000  }
0x1e: {  	[sflag:s11] =	ssyncset.done $0x0  }
0x1f: {  	[sflag:s11] =	ssyncadd.s32 $0xFFFFC000  }
0x20: {  	[spmem:s13], [sflag:s12] =	dma.local [hbm:s5], $0x2780  }
.Ltmp2:
0x21: {  	_ =	swait.ge [sflag:s11], $0x2780;
	(pc) =	sbr.rel @!p0 .LBB2_2-.Ltmp2, $4  }
0x22: {  	[sflag:s11] =	ssyncset.done $0x0  }
0x23: {  	[sflag:s11] =	ssyncadd.s32 $0xFFFFD880  }
0x24: {  	[bflag:$0x0] =	sbarrier.arrive $0xFFFF  }
0x25: {  	s17 =	simm.s32 $0x0  }
0x26: {  	[tilespmem:s14], [sflag:$0x1] =	stream.linear.gather [hbm4b:s7+s17], $0x1D00, $0x38;
	[tilespmem:$0x1B000] =	vst v63  }
0x27: {  	_ =	swait.ge [sflag:s11], $0x1D00  }
0x28: {  	[sflag:s11] =	ssyncset.done $0x0  }
0x29: {  	s31 =	simm.s32 $0x13C00;
	[sflag:s11] =	ssyncadd.s32 $0xFFFFE300  }
0x2a: {  	[spmem:s3] =	stream.indirect.scatter.add.f32 [tilespmem:s10], [sflag:$0x1], $0x80, s31, s15, $0xb8;
	[tilespmem:$0x1B000] =	vst v63  }
0x2b: {  	s17 =	simm.s32 $0x200;
	_ =	swait.ge [sflag:s11], $0x4000  }
.LBB2_6:
0x2c: {  	s18 =	sshra.s32 s17, $0x2;
	[sflag:s11] =	ssyncset.done $0x0;
	p1 =	sne.s32 s17, $0x7200  }
.Ltmp3:
0x2d: {  	s18 =	sadd.s32 $0x13C00, s18;
	[sflag:s11] =	ssyncadd.s32 $0xFFFFC000;
	(pc) =	sbr.rel @p1 .LBB2_6-.Ltmp3, $3  }
0x2e: {  	[spmem:s3] =	stream.indirect.scatter.add.f32 [tilespmem:s10], [sflag:$0x1], $0x80, s18, s15, $0xb8;
	[tilespmem:$0x1B000] =	vst v63  }
0x2f: {  	s17 =	sadd.s32 $0x200, s17;
	_ =	sdelay $0x1  }
0x30: {  	_ =	swait.ge [sflag:s11], $0x4000  }
.Ltmp4:
0x31: {  	_ = 	snop;
	(pc) =	sbr.rel .LBB2_7-.Ltmp4, $1  }
0x32: {  	_ =	sdelay $0x3  }
.LBB2_2:
0x33: {  	[tilespmem:s14], [sflag:$0x1] =	stream.linear.gather [hbm4b:s6+s17], $0x3200, $0x38;
	[tilespmem:$0x1B000] =	vst v63  }
0x34: {  	_ =	swait.ge [sflag:s11], $0x3200  }
0x35: {  	[sflag:s11] =	ssyncset.done $0x0  }
0x36: {  	s31 =	simm.s32 $0x13C00;
	[sflag:s11] =	ssyncadd.s32 $0xFFFFCE00  }
0x37: {  	[spmem:s3] =	stream.indirect.scatter.add.f32 [tilespmem:s10], [sflag:$0x1], $0x80, s31, s15, $0xb8;
	[tilespmem:$0x1B000] =	vst v63  }
0x38: {  	s17 =	simm.s32 $0x200;
	_ =	swait.ge [sflag:s11], $0x4000  }
.LBB2_3:
0x39: {  	s18 =	sshra.s32 s17, $0x2;
	[sflag:s11] =	ssyncset.done $0x0;
	p1 =	seq.s32 s17, $0xC600  }
.Ltmp5:
0x3a: {  	s18 =	sadd.s32 $0x13C00, s18;
	[sflag:s11] =	ssyncadd.s32 $0xFFFFC000;
	(pc) =	sbr.rel @!p1 .LBB2_3-.Ltmp5, $3  }
0x3b: {  	[spmem:s3] =	stream.indirect.scatter.add.f32 [tilespmem:s10], [sflag:$0x1], $0x80, s18, s15, $0xb8;
	[tilespmem:$0x1B000] =	vst v63  }
0x3c: {  	s17 =	sadd.s32 $0x200, s17;
	_ =	sdelay $0x1  }
0x3d: {  	_ =	swait.ge [sflag:s11], $0x4000  }
.Ltmp6:
0x3e: {  	(pc) =	sbr.rel .LBB2_8-.Ltmp6, $3  }
0x3f: {  	_ =	sdelay $0x1  }
0x40: {  	[sflag:s11] =	ssyncset.done $0x0  }
0x41: {  	[sflag:s11] =	ssyncadd.s32 $0xFFFFC000  }
.LBB2_9:
0x42: {  	_ =	sfence.sel $0x180000  }
0x43: {  	[bflag:$0x0] =	sbarrier.arrive $0xFFFF  }
0x44: {  	p0 =	sne.s32 s1, $0x0;
	_ =	strace $0x90000047  }
0x45: {  	s0 =	sadd.s32 @!p0 $0x100000, s0;
	[bflag:$0x2] =	sbarrier.arrive $0xFFFF  }
0x46: {  	[sflag:s0] =	ssyncadd.tile.s32 @!p0 $0x1;
	_ =	shalt  }
.Lfunc_end2:
_tile_overlayer_lowered:
.L_overlay_start_2:
0x47: {  	(tag) =	ssettag $0x2  }
0x48: {  	s0 =	rddreg [dreg:$0x0];
	s2 =	stileid.u32  }
0x49: {  	s1 =	rddreg [dreg:$0x1];
	p0 =	sne.s32 s2, $0x0  }
0x4a: {  	s3 =	rddreg [dreg:$0x2];
	[bflag:$0x3] =	sbarrier.arrive $0xFFFF;
	s2 =	simm.s32 @!p0 $0x1C01  }
0x4b: {  	[timem:s3], [sflag:s2] =	dma.local @!p0 [hbm:s0], s1  }
0x4c: {  	s0 =	simm.s32 @!p0 $0x1  }
0x4d: {  	_ =	swait.ge @!p0 [sflag:s0], s1  }
0x4e: {  	s1 =	ssub.s32 @!p0 $0x0, s1;
	[sflag:s0] =	ssyncset.done @!p0 $0x0  }
0x4f: {  	[sflag:s0] =	ssyncadd.s32 @!p0 s1  }
0x50: {  	[bflag:$0x3] =	sbarrier.arrive $0xFFFF  }
0x51: {  	_ =	shalt  }

// kernel: kernel.13.cloned.1.call-start
scs
__scs_entry_jumppad:
0x0: {  	(pc) =	sbr.rel $0x88, $3  }
0x1: {  	(tag) =	ssettag $0x0;
	lr =	simm.s32 $0x1  }
0x2: {  	[smem:$0x3F98] =	sst lr;
	_ =	strace $0xD0000000  }
0x3: {  	_ = 	snop  }
0x4: {  	_ = 	snop  }
0x5: {  	_ = 	snop  }
0x6: {  	_ = 	snop  }
0x7: {  	_ = 	snop  }
__scs_overlays_trampoline_lowered:
0x8: {  	[smem:$0x3FA7] =	sst s0  }
0x9: {  	[smem:$0x3FA8] =	sst s1  }
0xa: {  	[smem:$0x3FA9] =	sst s2  }
0xb: {  	[smem:$0x3FAA] =	sst s3  }
0xc: {  	[smem:$0x3FAB] =	sst s4  }
0xd: {  	[smem:$0x3FAC] =	sst s5  }
0xe: {  	[smem:$0x3FAD] =	sst s6  }
0xf: {  	[smem:$0x3FAE] =	sst s7  }
0x10: {  	[smem:$0x3FAF] =	sst s8  }
0x11: {  	[smem:$0x3FB0] =	sst s9;
	s0 =	simm.s32 @!p0 $0x0  }
0x12: {  	s1 =	sld [smem:$0x3F96];
	s0 =	simm.s32 @p0 $0x1  }
0x13: {  	[smem:$0x3FB1] =	sst s0;
	s0 =	simm.s32 @!p1 $0x0  }
0x14: {  	s2 =	sld [smem:$0x3F95];
	s0 =	simm.s32 @p1 $0x1  }
0x15: {  	[smem:$0x3FB2] =	sst s0;
	s0 =	simm.s32 @!p2 $0x0  }
0x16: {  	s3 =	sld [smem:$0x3FDB];
	s0 =	simm.s32 @p2 $0x1  }
0x17: {  	s4 =	simm.s32 $0x1BF5;
	[smem:$0x3FB4] =	sst s0  }
0x18: {  	s0 =	sld [smem:$0x3F97];
	_ =	swait.ge [sflag:s4], $0x0  }
0x19: {  	s7 =	sld [smem:$0x3F98]  }
0x1a: {  	s8 =	sadd.s32 $0xFFFFE003, lr  }
0x1b: {  	s9 =	sadd.s32 $0xFFFFFEF7, lr;
	s5 =	simm.s32 $0xFFFFFFFF;
	p2 =	slt.u32 s8, $0xFFFFF086  }
0x1c: {  	p1 =	slt.u32 s9, $0xF7A;
	s5 =	simm.s32 @!p2 $0x0  }
0x1d: {  	s5 =	simm.s32 @p1 $0x1;
	p0 =	seq.s32 s7, s2  }
0x1e: {  	s7 =	smul.u32 @!p0 $0xF7A, s2;
	p2 =	seq.s32 @!p0 s5, $0x0  }
0x1f: {  	s9 =	smul.u32 $0xF7A, s1;
	s8 =	simm.s32 @!p0 $0x1BF5;
	p2 =	por !p2, p0  }
0x20: {  	[sflag:s8] =	ssyncset.s32 @!p0 $0xFFFFF086;
	s6 =	sadd.s32 @!p0 s3, s7;
	s7 =	simm.s32 @!p0 $0x108  }
0x21: {  	s3 =	sadd.s32 s3, s9;
	s6 =	sadd.s32 @!p0 $0x88, s6;
	s7 =	simm.s32 @p2 $0x1082  }
0x22: {  	[simem:s7], [sflag:s8] =	dma.local @!p0 [hbm:s6], $0xF7A  }
0x23: {  	s9 =	sor.u32 $0xD0000000, s2;
	s6 =	simm.s32 $0x108;
	_ =	swait.ge @!p0 [sflag:s8], $0x0  }
0x24: {  	s3 =	sadd.s32 $0x88, s3;
	s6 =	simm.s32 @!p1 $0x1082;
	[sflag:s4] =	ssyncset.s32 $0xFFFFF086  }
0x25: {  	[simem:s6], [sflag:s4] =	dma.local [hbm:s3], $0xF7A  }
0x26: {  	[smem:$0x3F98] =	sst s1;
	(tag) =	ssettag s2;
	_ =	strace s9  }
0x27: {  	s1 =	sld [smem:$0x3FA8]  }
0x28: {  	s2 =	sld [smem:$0x3FA9]  }
0x29: {  	s4 =	sld [smem:$0x3FAB]  }
0x2a: {  	p0 =	seq.s32 s5, $0x0;
	s5 =	sld [smem:$0x3FAC]  }
0x2b: {  	s6 =	sld [smem:$0x3FAD]  }
0x2c: {  	s7 =	sld [smem:$0x3FAE]  }
0x2d: {  	s3 =	simm.s32 $0x108;
	s8 =	sld [smem:$0x3FAF]  }
0x2e: {  	s3 =	simm.s32 @!p0 $0x1082;
	s9 =	sld [smem:$0x3FB0]  }
0x2f: {  	lr =	sadd.s32 s0, s3;
	s0 =	sld [smem:$0x3FA7]  }
0x30: {  	s3 =	sld [smem:$0x3FAA]  }
0x31: {  	[smem:$0x3FB3] =	sst s10  }
0x32: {  	s10 =	sld [smem:$0x3FB1];
	_ =	sdelay $0x3  }
0x33: {  	p0 =	seq.s32 s10, $0x1;
	s10 =	sld [smem:$0x3FB3];
	_ =	sdelay $0x3  }
0x34: {  	[smem:$0x3FB3] =	sst s10  }
0x35: {  	s10 =	sld [smem:$0x3FB2];
	_ =	sdelay $0x3  }
0x36: {  	p1 =	seq.s32 s10, $0x1;
	s10 =	sld [smem:$0x3FB3];
	_ =	sdelay $0x3  }
0x37: {  	[smem:$0x3FB3] =	sst s10  }
0x38: {  	s10 =	sld [smem:$0x3FB4]  }
0x39: {  	_ = 	snop;
	(pc) =	sbr.ind lr, $3  }
0x3a: {  	_ = 	snop  }
0x3b: {  	_ = 	snop  }
0x3c: {  	p2 =	seq.s32 s10, $0x1;
	s10 =	sld [smem:$0x3FB3]  }
0x3d: {  	_ =	shalt  }
0x3e: {  	_ =	shalt  }
0x3f: {  	_ =	shalt  }
0x40: {  	_ =	shalt  }
0x41: {  	_ =	shalt  }
0x42: {  	_ =	shalt  }
0x43: {  	_ =	shalt  }
0x44: {  	_ =	shalt  }
0x45: {  	_ =	shalt  }
0x46: {  	_ =	shalt  }
0x47: {  	_ =	shalt  }
0x48: {  	_ =	shalt  }
0x49: {  	_ =	shalt  }
0x4a: {  	_ =	shalt  }
0x4b: {  	_ =	shalt  }
0x4c: {  	_ =	shalt  }
0x4d: {  	_ =	shalt  }
0x4e: {  	_ =	shalt  }
0x4f: {  	_ =	shalt  }
0x50: {  	_ =	shalt  }
0x51: {  	_ =	shalt  }
0x52: {  	_ =	shalt  }
0x53: {  	_ =	shalt  }
0x54: {  	_ =	shalt  }
0x55: {  	_ =	shalt  }
0x56: {  	_ =	shalt  }
0x57: {  	_ =	shalt  }
0x58: {  	_ =	shalt  }
0x59: {  	_ =	shalt  }
0x5a: {  	_ =	shalt  }
0x5b: {  	_ =	shalt  }
0x5c: {  	_ =	shalt  }
0x5d: {  	_ =	shalt  }
0x5e: {  	_ =	shalt  }
0x5f: {  	_ =	shalt  }
0x60: {  	_ =	shalt  }
0x61: {  	_ =	shalt  }
0x62: {  	_ =	shalt  }
0x63: {  	_ =	shalt  }
0x64: {  	_ =	shalt  }
0x65: {  	_ =	shalt  }
0x66: {  	_ =	shalt  }
0x67: {  	_ =	shalt  }
0x68: {  	_ =	shalt  }
0x69: {  	_ =	shalt  }
0x6a: {  	_ =	shalt  }
0x6b: {  	_ =	shalt  }
0x6c: {  	_ =	shalt  }
0x6d: {  	_ =	shalt  }
0x6e: {  	_ =	shalt  }
0x6f: {  	_ =	shalt  }
0x70: {  	_ =	shalt  }
0x71: {  	_ =	shalt  }
0x72: {  	_ =	shalt  }
0x73: {  	_ =	shalt  }
0x74: {  	_ =	shalt  }
0x75: {  	_ =	shalt  }
0x76: {  	_ =	shalt  }
0x77: {  	_ =	shalt  }
0x78: {  	_ =	shalt  }
0x79: {  	_ =	shalt  }
0x7a: {  	_ =	shalt  }
0x7b: {  	_ =	shalt  }
0x7c: {  	_ =	shalt  }
0x7d: {  	_ =	shalt  }
0x7e: {  	_ =	shalt  }
0x7f: {  	_ =	shalt  }
0x80: {  	_ =	shalt  }
0x81: {  	_ =	shalt  }
0x82: {  	_ =	shalt  }
0x83: {  	_ =	shalt  }
0x84: {  	_ =	shalt  }
0x85: {  	_ =	shalt  }
0x86: {  	_ =	shalt  }
0x87: {  	_ =	shalt  }
.Lfunc_end0:
.L_simem_size_0:
called_computation.1_lowered:
.L_overlay_start_0:
0x88: {  	s2 =	sld [smem:$0x3FD9]  }
0x89: {  	s3 =	sld [smem:$0x3FFE];
	_ =	sdelay $0x1  }
0x8a: {  	s1 =	srdreg.scid  }
0x8b: {  	s0 =	sand.u32 $0x1, s1  }
0x8c: {  	s14 =	sshll.u32 s0, $0xA;
	s2 =	sadd.s32 s3, s2  }
0x8d: {  	s2 =	sadd.s32 s2, s14  }
0x8e: {  	[smem:$0x3FBF] =	sst s2  }
0x8f: {  	_ = 	snop  }
0x90: {  	s2 =	sld [smem:$0x3FD0];
	_ =	sdelay $0x2  }
0x91: {  	s15 =	simm.s32 $0xA;
	s4 =	simm.s32 $0x10  }
0x92: {  	[smem:s4], [sflag:s15] =	dma.local [hbm:s2], $0x1  }
0x93: {  	_ =	swait.eq [sflag:s15], $0x1  }
0x94: {  	s16 =	sld [smem:$0x12]  }
0x95: {  	s17 =	sld [smem:$0x13]  }
0x96: {  	s5 =	sld [smem:$0x14];
	[sflag:s15] =	ssyncset.done $0x0  }
0x97: {  	s6 =	sld [smem:$0x15];
	[sflag:s15] =	ssyncadd.s32 $0xFFFFFFFF  }
0x98: {  	s18 =	sld [smem:$0x16];
	(tm) =	ssettm $0x1  }
0x99: {  	s7 =	sld [smem:$0x3FFB];
	_ =	sdelay $0x3  }
0x9a: {  	_ =	strace s7  }
0x9b: {  	s7 =	sld [smem:$0x3FFC];
	_ =	sdelay $0x3  }
0x9c: {  	_ =	strace s7  }
0x9d: {  	s7 =	sld [smem:$0x3FFD];
	_ =	sdelay $0x3  }
0x9e: {  	_ =	strace s7  }
0x9f: {  	_ =	strace $0x8FFFFFFF  }
0xa0: {  	s19 =	sld [smem:$0x3FDB];
	_ =	sdelay $0x1  }
0xa1: {  	s8 =	simm.s32 $_scs_section_size  }
0xa2: {  	s9 =	simm.s32 $_size__tile_overlayer_lowered;
	s10 =	simm.s32 $_tile_overlayer_lowered  }
0xa3: {  	s22 =	simm.s32 $0x1BFF;
	s21 =	sshll.u32 s10, $0x1;
	s7 =	sadd.s32 s8, s19  }
0xa4: {  	s11 =	simm.s32 $0x0;
	s20 =	sshll.u32 s9, $0x1;
	s9 =	sadd.s32 s21, s7  }
0xa5: {  	[timem:s11], [sflag:s22] =	dma.local [hbm:s9], s20  }
0xa6: {  	_ =	swait.ge [sflag:s22], s20  }
0xa7: {  	s8 =	ssub.s32 $0x0, s20;
	[sflag:s22] =	ssyncset.done $0x0  }
0xa8: {  	[sflag:s22] =	ssyncadd.s32 s8;
	_ =	sdelay $0x1  }
0xa9: {  	s23 =	simm.s32 $0x1B8B  }
0xaa: {  	_ =	swait.ge [sflag:s23], $0x1  }
0xab: {  	[sflag:s23] =	ssyncset.done $0x0  }
0xac: {  	s25 =	simm.s32 $0x1B8E;
	s24 =	sld [smem:$0x3FFE];
	[sflag:s23] =	ssyncadd.s32 $0xFFFFFFFF  }
0xad: {  	s26 =	simm.s32 $execute0_lowered;
	[smem:$0x3FD2] =	sst s25  }
0xae: {  	s9 =	sshll.u32 s26, $0x1;
	_ =	strace $0x80000049;
	[dreg:$0x1] =	wrdreg $0xFFFFFFFF  }
0xaf: {  	s28 =	simm.s32 $_size_execute0_lowered;
	s7 =	sadd.s32 s7, s9;
	[dreg:$0x0] =	wrdreg $0x0  }
0xb0: {  	s9 =	sshll.u32 s28, $0x1;
	[dreg:$0x2] =	wrdreg s7  }
0xb1: {  	[dreg:$0x3] =	wrdreg s9  }
0xb2: {  	[dreg:$0x4] =	wrdreg $0xC0  }
0xb3: {  	_ =	task [dreg:s11], $0x5FFFF  }
0xb4: {  	[dreg:$0x1] =	wrdreg $0xFFFFFFFF  }
0xb5: {  	[dreg:$0x0] =	wrdreg $0x60  }
0xb6: {  	[dreg:$0x2] =	wrdreg s17  }
0xb7: {  	[dreg:$0x3] =	wrdreg s6  }
0xb8: {  	[dreg:$0x4] =	wrdreg s18  }
0xb9: {  	[dreg:$0x5] =	wrdreg s16  }
0xba: {  	[dreg:$0x6] =	wrdreg s5  }
0xbb: {  	[dreg:$0x7] =	wrdreg s24  }
0xbc: {  	[dreg:$0x8] =	wrdreg $0x0  }
0xbd: {  	[dreg:$0x9] =	wrdreg $0x9  }
0xbe: {  	_ =	task.clear_ibuf [dreg:s11], $0xAFFFF;
	_ =	strace $0x90000049  }
0xbf: {  	s29 =	simm.s32 $0x9;
	_ =	strace $0x8000004B  }
0xc0: {  	_ =	swait.ge [sflag:s29], $0x1  }
0xc1: {  	[sflag:s29] =	ssyncadd.s32 $0xFFFFFFFF  }
0xc2: {  	_ =	strace $0x9000004B  }
0xc3: {  	_ =	sfence  }
0xc4: {  	s30 =	sld [smem:$0x0];
	_ =	sdelay $0x2  }
0xc5: {  	s31 =	sshll.u32 s1, $0xD;
	s1 =	sshrl.u32 s1, $0x2  }
0xc6: {  	s3 =	sand.u32 $0x4000, s31;
	s1 =	sadd.s32 s1, s30  }
0xc7: {  	s0 =	sor.u32 s3, s0;
	s1 =	sshll.u32 s1, $0x11  }
0xc8: {  	s0 =	sor.u32 s1, s0  }
0xc9: {  	s0 =	sadd.s32 $0x8F2B, s0  }
0xca: {  	[sflag:s0] =	ssyncadd.remote.s32 $0x1  }
0xcb: {  	_ =	sfence.sel $0xFFFF  }
0xcc: {  	[dreg:$0x0] =	wrdreg $0xFFFFFFFF;
	(pc) =	sbr.abs _section_cstart, $3  }
0xcd: {  	[dreg:$0x1] =	wrdreg $0xFFFFFFFF  }
0xce: {  	_ =	task.clear_ibuf [dreg:s11], $0x2FFFF;
	_ =	strace $0x9FFFFFFF  }
0xcf: {  	(tm) =	ssettm $0x7FFFFFFF  }
tec
execute0_lowered:
.L_overlay_start_1:
0x0: {  	(tag) =	ssettag $0x1  }
0x1: {  	s0 =	rddreg [dreg:$0x0]  }
0x2: {  	s7 =	rddreg [dreg:$0x1]  }
0x3: {  	s8 =	rddreg [dreg:$0x2]  }
0x4: {  	s9 =	rddreg [dreg:$0x3]  }
0x5: {  	s10 =	rddreg [dreg:$0x4]  }
0x6: {  	s5 =	rddreg [dreg:$0x5]  }
0x7: {  	s3 =	rddreg [dreg:$0x6]  }
0x8: {  	s1 =	rddreg [dreg:$0x7]  }
0x9: {  	s2 =	stileid.u32;
	s6 =	srdreg.scid;
	s4 =	simm.s32 $0x0  }
0xa: {  	s17 =	simm.s32 $0x80;
	s18 =	simm.s32 $0x1A400;
	s11 =	smul.u32 $0x13C00, s2  }
0xb: {  	s19 =	simm.s32 $0x1;
	s12 =	sand.u32 $0x1, s6;
	s15 =	smul.u32 $0x4F000, s2  }
0xc: {  	[smem:$0x7FF] =	sst s4;
	s29 =	sshll.u32 s2, $0x6;
	s30 =	smul.u32 $0x680, s2  }
0xd: {  	s31 =	sshll.u32 s2, $0xA;
	s6 =	smul.u32 $0x13C000, s12;
	_ =	strace $0x8000004A  }
0xe: {  	s26 =	ssub.s32 $0x2, s12;
	p0 =	seq.s32 s12, $0x1;
	s9 =	sadd.s32 s9, s31  }
0xf: {  	s10 =	sadd.s32 s10, s31;
	s13 =	sshrl.u32 s11, $0x3;
	s14 =	sshrl.u32 s26, $0x1  }
0x10: {  	s28 =	sshrl.u32 s15, $0x2;
	s7 =	sadd.s32 s7, s30;
	s8 =	sadd.s32 s8, s30  }
.Ltmp0:
0x11: {  	s6 =	sadd.s32 s11, s6;
	s13 =	sadd.s32 s13, s5;
	(pc) =	sbr.rel .LBB2_1-.Ltmp0, $4  }
0x12: {  	s14 =	ssub.s32 s26, s14;
	s15 =	sadd.s32 s28, s3;
	s6 =	sshrl.u32 s6, $0x3  }
0x13: {  	s12 =	smax.u32 s14, $0x1;
	s14 =	simm.s32 $0x2;
	s16 =	sadd.s32 s6, s5  }
0x14: {  	s5 =	sadd.s32 $0x4600, s13;
	s6 =	sor.u32 $0x1C02, s29;
	s13 =	sshrl.u32 s15, $0x3  }
0x15: {  	s15 =	simm.s32 $0x13C00;
	s11 =	sadd.s32 $0x53000, s16;
	s16 =	simm.s32 $0x17000  }
.LBB2_7:
0x16: {  	s21 =	sadd.s32 $0x13C00, s20;
	[sflag:s14] =	ssyncadd.s32 $0xFFFFC000  }
0x17: {  	[tilespmem:s18], [sflag:$0x1] =	stream.indirect.gather [hbm4b:s0+s17], $0x80, s21, s17, $0xb8;
	[tilespmem:$0x1E400] =	vst v63  }
0x18: {  	_ =	swait.ge [sflag:s19], $0x4000  }
0x19: {  	[sflag:s19] =	ssyncset.done $0x0  }
0x1a: {  	s31 =	sadd.s32 $0x17000, s20;
	[sflag:s19] =	ssyncadd.s32 $0xFFFFC000  }
0x1b: {  	[spmem:s3] =	stream.indirect.scatter.add.f32 [tilespmem:s18], [sflag:$0x2], $0x80, s31, s17, $0xb8;
	[tilespmem:$0x1E400] =	vst v63  }
0x1c: {  	_ =	swait.ge [sflag:s14], $0x4000  }
0x1d: {  	[sflag:s14] =	ssyncset.done $0x0  }
0x1e: {  	[sflag:s14] =	ssyncadd.s32 $0xFFFFC000  }
.LBB2_8:
0x1f: {  	s4 =	sadd.s32 $0x1, s4  }
0x20: {  	p1 =	sne.s32 s4, s12  }
.Ltmp1:
0x21: {  	[bflag:$0x0] =	sbarrier.arrive $0xFFFF;
	(pc) =	sbr.rel @!p1 .LBB2_9-.Ltmp1, $4  }
0x22: {  	[hbm:s11], [sflag:s6] =	dma.local [spmem:s13], $0x2780  }
0x23: {  	_ =	swait.ge [sflag:s14], $0x2780  }
0x24: {  	[sflag:s14] =	ssyncset.done $0x0  }
0x25: {  	[sflag:s14] =	ssyncadd.s32 $0xFFFFD880  }
.LBB2_1:
0x26: {  	[spmem:s13], [sflag:s6] =	dma.local [hbm:s5], $0x2780  }
.Ltmp2:
0x27: {  	_ =	swait.ge [sflag:s14], $0x2780;
	(pc) =	sbr.rel @!p0 .LBB2_2-.Ltmp2, $4  }
0x28: {  	[sflag:s14] =	ssyncset.done $0x0  }
0x29: {  	[sflag:s14] =	ssyncadd.s32 $0xFFFFD880  }
0x2a: {  	[bflag:$0x0] =	sbarrier.arrive $0xFFFF  }
0x2b: {  	s20 =	simm.s32 $0x0  }
0x2c: {  	[tilespmem:s15], [sflag:$0x2] =	stream.linear.gather [hbm4b:s9+s20], $0x1D00, $0x38;
	[tilespmem:$0x1E400] =	vst v63  }
0x2d: {  	_ =	swait.ge [sflag:s14], $0x1D00  }
0x2e: {  	[sflag:s14] =	ssyncset.done $0x0  }
0x2f: {  	[sflag:s14] =	ssyncadd.s32 $0xFFFFE300  }
0x30: {  	[tilespmem:s16], [sflag:$0x2] =	stream.linear.gather [hbm4b:s10+s20], $0x1D00, $0x38;
	[tilespmem:$0x1E400] =	vst v63  }
0x31: {  	_ =	swait.ge [sflag:s14], $0x1D00  }
0x32: {  	[sflag:s14] =	ssyncset.done $0x0  }
0x33: {  	s30 =	simm.s32 $0x13C00;
	[sflag:s14] =	ssyncadd.s32 $0xFFFFE300  }
0x34: {  	[tilespmem:s18], [sflag:$0x1] =	stream.indirect.gather [hbm4b:s0+s17], $0x80, s30, s17, $0xb8;
	[tilespmem:$0x1E400] =	vst v63  }
0x35: {  	_ =	swait.ge [sflag:s19], $0x4000  }
0x36: {  	[sflag:s19] =	ssyncset.done $0x0  }
0x37: {  	s31 =	simm.s32 $0x17000;
	[sflag:s19] =	ssyncadd.s32 $0xFFFFC000  }
0x38: {  	[spmem:s3] =	stream.indirect.scatter.add.f32 [tilespmem:s18], [sflag:$0x2], $0x80, s31, s17, $0xb8;
	[tilespmem:$0x1E400] =	vst v63  }
0x39: {  	_ =	swait.ge [sflag:s14], $0x4000  }
0x3a: {  	s21 =	simm.s32 $0x400;
	s20 =	simm.s32 $0x80;
	[sflag:s14] =	ssyncset.done $0x0  }
.LBB2_6:
0x3b: {  	s22 =	sadd.s32 $0x13C00, s20  }
0x3c: {  	[sflag:s14] =	ssyncadd.s32 $0xFFFFC000;
	s23 =	smov.u32 s21;
	s24 =	sadd.s32 $0x200, s21  }
0x3d: {  	[tilespmem:s18], [sflag:$0x1] =	stream.indirect.gather [hbm4b:s0+s17], $0x80, s22, s17, $0xb8;
	[tilespmem:$0x1E400] =	vst v63  }
0x3e: {  	p1 =	sne.s32 s21, $0x7200;
	_ =	swait.ge [sflag:s19], $0x4000  }
.Ltmp3:
0x3f: {  	[sflag:s19] =	ssyncset.done $0x0;
	(pc) =	sbr.rel @p1 .LBB2_6-.Ltmp3, $4  }
0x40: {  	s20 =	sadd.s32 $0x17000, s20;
	[sflag:s19] =	ssyncadd.s32 $0xFFFFC000  }
0x41: {  	[spmem:s3] =	stream.indirect.scatter.add.f32 [tilespmem:s18], [sflag:$0x2], $0x80, s20, s17, $0xb8;
	[tilespmem:$0x1E400] =	vst v63  }
0x42: {  	_ =	swait.ge [sflag:s14], $0x4000  }
0x43: {  	s21 =	smov.u32 s24;
	s20 =	sshra.s32 s23, $0x2;
	[sflag:s14] =	ssyncset.done $0x0  }
.Ltmp4:
0x44: {  	_ = 	snop;
	(pc) =	sbr.rel .LBB2_7-.Ltmp4, $1  }
0x45: {  	_ =	sdelay $0x3  }
.LBB2_2:
0x46: {  	[tilespmem:s15], [sflag:$0x2] =	stream.linear.gather [hbm4b:s7+s20], $0x3200, $0x38;
	[tilespmem:$0x1E400] =	vst v63  }
0x47: {  	_ =	swait.ge [sflag:s14], $0x3200  }
0x48: {  	[sflag:s14] =	ssyncset.done $0x0  }
0x49: {  	[sflag:s14] =	ssyncadd.s32 $0xFFFFCE00  }
0x4a: {  	[tilespmem:s16], [sflag:$0x2] =	stream.linear.gather [hbm4b:s8+s20], $0x3200, $0x38;
	[tilespmem:$0x1E400] =	vst v63  }
0x4b: {  	_ =	swait.ge [sflag:s14], $0x3200  }
0x4c: {  	[sflag:s14] =	ssyncset.done $0x0  }
0x4d: {  	s30 =	simm.s32 $0x13C00;
	[sflag:s14] =	ssyncadd.s32 $0xFFFFCE00  }
0x4e: {  	[tilespmem:s18], [sflag:$0x1] =	stream.indirect.gather [hbm4b:s0+s17], $0x80, s30, s17, $0xb8;
	[tilespmem:$0x1E400] =	vst v63  }
0x4f: {  	_ =	swait.ge [sflag:s19], $0x4000  }
0x50: {  	[sflag:s19] =	ssyncset.done $0x0  }
0x51: {  	s31 =	simm.s32 $0x17000;
	[sflag:s19] =	ssyncadd.s32 $0xFFFFC000  }
0x52: {  	[spmem:s3] =	stream.indirect.scatter.add.f32 [tilespmem:s18], [sflag:$0x2], $0x80, s31, s17, $0xb8;
	[tilespmem:$0x1E400] =	vst v63  }
0x53: {  	_ =	swait.ge [sflag:s14], $0x4000  }
0x54: {  	s21 =	simm.s32 $0x400;
	s20 =	simm.s32 $0x80;
	[sflag:s14] =	ssyncset.done $0x0  }
.LBB2_3:
0x55: {  	s22 =	sadd.s32 $0x13C00, s20  }
0x56: {  	[sflag:s14] =	ssyncadd.s32 $0xFFFFC000;
	s23 =	smov.u32 s21;
	s24 =	sadd.s32 $0x200, s21  }
0x57: {  	[tilespmem:s18], [sflag:$0x1] =	stream.indirect.gather [hbm4b:s0+s17], $0x80, s22, s17, $0xb8;
	[tilespmem:$0x1E400] =	vst v63  }
0x58: {  	p1 =	seq.s32 s21, $0xC600;
	_ =	swait.ge [sflag:s19], $0x4000  }
.Ltmp5:
0x59: {  	[sflag:s19] =	ssyncset.done $0x0;
	(pc) =	sbr.rel @!p1 .LBB2_3-.Ltmp5, $4  }
0x5a: {  	s20 =	sadd.s32 $0x17000, s20;
	[sflag:s19] =	ssyncadd.s32 $0xFFFFC000  }
0x5b: {  	[spmem:s3] =	stream.indirect.scatter.add.f32 [tilespmem:s18], [sflag:$0x2], $0x80, s20, s17, $0xb8;
	[tilespmem:$0x1E400] =	vst v63  }
0x5c: {  	_ =	swait.ge [sflag:s14], $0x4000  }
0x5d: {  	s21 =	smov.u32 s24;
	s20 =	sshra.s32 s23, $0x2;
	[sflag:s14] =	ssyncset.done $0x0  }
0x5e: {  	s21 =	sadd.s32 $0x13C00, s20;
	[sflag:s14] =	ssyncadd.s32 $0xFFFFC000  }
0x5f: {  	[tilespmem:s18], [sflag:$0x1] =	stream.indirect.gather [hbm4b:s0+s17], $0x80, s21, s17, $0xb8;
	[tilespmem:$0x1E400] =	vst v63  }
0x60: {  	_ =	swait.ge [sflag:s19], $0x4000  }
0x61: {  	[sflag:s19] =	ssyncset.done $0x0  }
.Ltmp6:
0x62: {  	s31 =	sadd.s32 $0x17000, s20;
	[sflag:s19] =	ssyncadd.s32 $0xFFFFC000;
	(pc) =	sbr.rel .LBB2_8-.Ltmp6, $4  }
0x63: {  	[spmem:s3] =	stream.indirect.scatter.add.f32 [tilespmem:s18], [sflag:$0x2], $0x80, s31, s17, $0xb8;
	[tilespmem:$0x1E400] =	vst v63  }
0x64: {  	_ =	swait.ge [sflag:s14], $0x4000  }
0x65: {  	[sflag:s14] =	ssyncset.done $0x0  }
0x66: {  	[sflag:s14] =	ssyncadd.s32 $0xFFFFC000  }
.LBB2_9:
0x67: {  	_ =	sfence.sel $0x180000  }
0x68: {  	[bflag:$0x0] =	sbarrier.arrive $0xFFFF  }
0x69: {  	p0 =	sne.s32 s2, $0x0;
	_ =	strace $0x9000004A  }
0x6a: {  	s0 =	sadd.s32 @!p0 $0x100000, s1;
	[bflag:$0x2] =	sbarrier.arrive $0xFFFF  }
0x6b: {  	[sflag:s0] =	ssyncadd.tile.s32 @!p0 $0x1;
	_ =	shalt  }
.Lfunc_end2:
_tile_overlayer_lowered:
.L_overlay_start_2:
0x6c: {  	(tag) =	ssettag $0x2  }
0x6d: {  	s0 =	rddreg [dreg:$0x0];
	s2 =	stileid.u32  }
0x6e: {  	s1 =	rddreg [dreg:$0x1];
	p0 =	sne.s32 s2, $0x0  }
0x6f: {  	s3 =	rddreg [dreg:$0x2];
	[bflag:$0x3] =	sbarrier.arrive $0xFFFF;
	s2 =	simm.s32 @!p0 $0x1C02  }
0x70: {  	[timem:s3], [sflag:s2] =	dma.local @!p0 [hbm:s0], s1  }
0x71: {  	s0 =	simm.s32 @!p0 $0x2  }
0x72: {  	_ =	swait.ge @!p0 [sflag:s0], s1  }
0x73: {  	s1 =	ssub.s32 @!p0 $0x0, s1;
	[sflag:s0] =	ssyncset.done @!p0 $0x0  }
0x74: {  	[sflag:s0] =	ssyncadd.s32 @!p0 s1  }
0x75: {  	[bflag:$0x3] =	sbarrier.arrive $0xFFFF  }
0x76: {  	_ =	shalt  }

// kernel: kernel.16.cloned.1.call-start
scs
__scs_entry_jumppad:
0x0: {  	(pc) =	sbr.rel $0x88, $3  }
0x1: {  	(tag) =	ssettag $0x0;
	lr =	simm.s32 $0x1  }
0x2: {  	[smem:$0x3F98] =	sst lr;
	_ =	strace $0xD0000000  }
0x3: {  	_ = 	snop  }
0x4: {  	_ = 	snop  }
0x5: {  	_ = 	snop  }
0x6: {  	_ = 	snop  }
0x7: {  	_ = 	snop  }
__scs_overlays_trampoline_lowered:
0x8: {  	[smem:$0x3FA7] =	sst s0  }
0x9: {  	[smem:$0x3FA8] =	sst s1  }
0xa: {  	[smem:$0x3FA9] =	sst s2  }
0xb: {  	[smem:$0x3FAA] =	sst s3  }
0xc: {  	[smem:$0x3FAB] =	sst s4  }
0xd: {  	[smem:$0x3FAC] =	sst s5  }
0xe: {  	[smem:$0x3FAD] =	sst s6  }
0xf: {  	[smem:$0x3FAE] =	sst s7  }
0x10: {  	[smem:$0x3FAF] =	sst s8  }
0x11: {  	[smem:$0x3FB0] =	sst s9;
	s0 =	simm.s32 @!p0 $0x0  }
0x12: {  	s1 =	sld [smem:$0x3F96];
	s0 =	simm.s32 @p0 $0x1  }
0x13: {  	[smem:$0x3FB1] =	sst s0;
	s0 =	simm.s32 @!p1 $0x0  }
0x14: {  	s2 =	sld [smem:$0x3F95];
	s0 =	simm.s32 @p1 $0x1  }
0x15: {  	[smem:$0x3FB2] =	sst s0;
	s0 =	simm.s32 @!p2 $0x0  }
0x16: {  	s3 =	sld [smem:$0x3FDB];
	s0 =	simm.s32 @p2 $0x1  }
0x17: {  	s4 =	simm.s32 $0x1BF5;
	[smem:$0x3FB4] =	sst s0  }
0x18: {  	s0 =	sld [smem:$0x3F97];
	_ =	swait.ge [sflag:s4], $0x0  }
0x19: {  	s7 =	sld [smem:$0x3F98]  }
0x1a: {  	s8 =	sadd.s32 $0xFFFFE003, lr  }
0x1b: {  	s9 =	sadd.s32 $0xFFFFFEF7, lr;
	s5 =	simm.s32 $0xFFFFFFFF;
	p2 =	slt.u32 s8, $0xFFFFF086  }
0x1c: {  	p1 =	slt.u32 s9, $0xF7A;
	s5 =	simm.s32 @!p2 $0x0  }
0x1d: {  	s5 =	simm.s32 @p1 $0x1;
	p0 =	seq.s32 s7, s2  }
0x1e: {  	s7 =	smul.u32 @!p0 $0xF7A, s2;
	p2 =	seq.s32 @!p0 s5, $0x0  }
0x1f: {  	s9 =	smul.u32 $0xF7A, s1;
	s8 =	simm.s32 @!p0 $0x1BF5;
	p2 =	por !p2, p0  }
0x20: {  	[sflag:s8] =	ssyncset.s32 @!p0 $0xFFFFF086;
	s6 =	sadd.s32 @!p0 s3, s7;
	s7 =	simm.s32 @!p0 $0x108  }
0x21: {  	s3 =	sadd.s32 s3, s9;
	s6 =	sadd.s32 @!p0 $0x88, s6;
	s7 =	simm.s32 @p2 $0x1082  }
0x22: {  	[simem:s7], [sflag:s8] =	dma.local @!p0 [hbm:s6], $0xF7A  }
0x23: {  	s9 =	sor.u32 $0xD0000000, s2;
	s6 =	simm.s32 $0x108;
	_ =	swait.ge @!p0 [sflag:s8], $0x0  }
0x24: {  	s3 =	sadd.s32 $0x88, s3;
	s6 =	simm.s32 @!p1 $0x1082;
	[sflag:s4] =	ssyncset.s32 $0xFFFFF086  }
0x25: {  	[simem:s6], [sflag:s4] =	dma.local [hbm:s3], $0xF7A  }
0x26: {  	[smem:$0x3F98] =	sst s1;
	(tag) =	ssettag s2;
	_ =	strace s9  }
0x27: {  	s1 =	sld [smem:$0x3FA8]  }
0x28: {  	s2 =	sld [smem:$0x3FA9]  }
0x29: {  	s4 =	sld [smem:$0x3FAB]  }
0x2a: {  	p0 =	seq.s32 s5, $0x0;
	s5 =	sld [smem:$0x3FAC]  }
0x2b: {  	s6 =	sld [smem:$0x3FAD]  }
0x2c: {  	s7 =	sld [smem:$0x3FAE]  }
0x2d: {  	s3 =	simm.s32 $0x108;
	s8 =	sld [smem:$0x3FAF]  }
0x2e: {  	s3 =	simm.s32 @!p0 $0x1082;
	s9 =	sld [smem:$0x3FB0]  }
0x2f: {  	lr =	sadd.s32 s0, s3;
	s0 =	sld [smem:$0x3FA7]  }
0x30: {  	s3 =	sld [smem:$0x3FAA]  }
0x31: {  	[smem:$0x3FB3] =	sst s10  }
0x32: {  	s10 =	sld [smem:$0x3FB1];
	_ =	sdelay $0x3  }
0x33: {  	p0 =	seq.s32 s10, $0x1;
	s10 =	sld [smem:$0x3FB3];
	_ =	sdelay $0x3  }
0x34: {  	[smem:$0x3FB3] =	sst s10  }
0x35: {  	s10 =	sld [smem:$0x3FB2];
	_ =	sdelay $0x3  }
0x36: {  	p1 =	seq.s32 s10, $0x1;
	s10 =	sld [smem:$0x3FB3];
	_ =	sdelay $0x3  }
0x37: {  	[smem:$0x3FB3] =	sst s10  }
0x38: {  	s10 =	sld [smem:$0x3FB4]  }
0x39: {  	_ = 	snop;
	(pc) =	sbr.ind lr, $3  }
0x3a: {  	_ = 	snop  }
0x3b: {  	_ = 	snop  }
0x3c: {  	p2 =	seq.s32 s10, $0x1;
	s10 =	sld [smem:$0x3FB3]  }
0x3d: {  	_ =	shalt  }
0x3e: {  	_ =	shalt  }
0x3f: {  	_ =	shalt  }
0x40: {  	_ =	shalt  }
0x41: {  	_ =	shalt  }
0x42: {  	_ =	shalt  }
0x43: {  	_ =	shalt  }
0x44: {  	_ =	shalt  }
0x45: {  	_ =	shalt  }
0x46: {  	_ =	shalt  }
0x47: {  	_ =	shalt  }
0x48: {  	_ =	shalt  }
0x49: {  	_ =	shalt  }
0x4a: {  	_ =	shalt  }
0x4b: {  	_ =	shalt  }
0x4c: {  	_ =	shalt  }
0x4d: {  	_ =	shalt  }
0x4e: {  	_ =	shalt  }
0x4f: {  	_ =	shalt  }
0x50: {  	_ =	shalt  }
0x51: {  	_ =	shalt  }
0x52: {  	_ =	shalt  }
0x53: {  	_ =	shalt  }
0x54: {  	_ =	shalt  }
0x55: {  	_ =	shalt  }
0x56: {  	_ =	shalt  }
0x57: {  	_ =	shalt  }
0x58: {  	_ =	shalt  }
0x59: {  	_ =	shalt  }
0x5a: {  	_ =	shalt  }
0x5b: {  	_ =	shalt  }
0x5c: {  	_ =	shalt  }
0x5d: {  	_ =	shalt  }
0x5e: {  	_ =	shalt  }
0x5f: {  	_ =	shalt  }
0x60: {  	_ =	shalt  }
0x61: {  	_ =	shalt  }
0x62: {  	_ =	shalt  }
0x63: {  	_ =	shalt  }
0x64: {  	_ =	shalt  }
0x65: {  	_ =	shalt  }
0x66: {  	_ =	shalt  }
0x67: {  	_ =	shalt  }
0x68: {  	_ =	shalt  }
0x69: {  	_ =	shalt  }
0x6a: {  	_ =	shalt  }
0x6b: {  	_ =	shalt  }
0x6c: {  	_ =	shalt  }
0x6d: {  	_ =	shalt  }
0x6e: {  	_ =	shalt  }
0x6f: {  	_ =	shalt  }
0x70: {  	_ =	shalt  }
0x71: {  	_ =	shalt  }
0x72: {  	_ =	shalt  }
0x73: {  	_ =	shalt  }
0x74: {  	_ =	shalt  }
0x75: {  	_ =	shalt  }
0x76: {  	_ =	shalt  }
0x77: {  	_ =	shalt  }
0x78: {  	_ =	shalt  }
0x79: {  	_ =	shalt  }
0x7a: {  	_ =	shalt  }
0x7b: {  	_ =	shalt  }
0x7c: {  	_ =	shalt  }
0x7d: {  	_ =	shalt  }
0x7e: {  	_ =	shalt  }
0x7f: {  	_ =	shalt  }
0x80: {  	_ =	shalt  }
0x81: {  	_ =	shalt  }
0x82: {  	_ =	shalt  }
0x83: {  	_ =	shalt  }
0x84: {  	_ =	shalt  }
0x85: {  	_ =	shalt  }
0x86: {  	_ =	shalt  }
0x87: {  	_ =	shalt  }
.Lfunc_end0:
.L_simem_size_0:
called_computation.2_lowered:
.L_overlay_start_0:
0x88: {  	s2 =	sld [smem:$0x3FD9]  }
0x89: {  	s3 =	sld [smem:$0x3FFE];
	_ =	sdelay $0x1  }
0x8a: {  	s1 =	srdreg.scid  }
0x8b: {  	s0 =	sand.u32 $0x1, s1  }
0x8c: {  	s14 =	sshll.u32 s0, $0xA;
	s2 =	sadd.s32 s3, s2  }
0x8d: {  	s2 =	sadd.s32 s2, s14  }
0x8e: {  	[smem:$0x3FBF] =	sst s2  }
0x8f: {  	_ = 	snop  }
0x90: {  	s2 =	sld [smem:$0x3FD0];
	_ =	sdelay $0x2  }
0x91: {  	s15 =	simm.s32 $0xA;
	s4 =	simm.s32 $0x10  }
0x92: {  	[smem:s4], [sflag:s15] =	dma.local [hbm:s2], $0x1  }
0x93: {  	_ =	swait.eq [sflag:s15], $0x1  }
0x94: {  	s16 =	sld [smem:$0x12]  }
0x95: {  	s17 =	sld [smem:$0x13]  }
0x96: {  	s5 =	sld [smem:$0x14];
	[sflag:s15] =	ssyncset.done $0x0  }
0x97: {  	s6 =	sld [smem:$0x15];
	[sflag:s15] =	ssyncadd.s32 $0xFFFFFFFF  }
0x98: {  	s18 =	sld [smem:$0x16];
	(tm) =	ssettm $0x1  }
0x99: {  	s7 =	sld [smem:$0x3FFB];
	_ =	sdelay $0x3  }
0x9a: {  	_ =	strace s7  }
0x9b: {  	s7 =	sld [smem:$0x3FFC];
	_ =	sdelay $0x3  }
0x9c: {  	_ =	strace s7  }
0x9d: {  	s7 =	sld [smem:$0x3FFD];
	_ =	sdelay $0x3  }
0x9e: {  	_ =	strace s7  }
0x9f: {  	_ =	strace $0x8FFFFFFF  }
0xa0: {  	s19 =	sld [smem:$0x3FDB];
	_ =	sdelay $0x1  }
0xa1: {  	s8 =	simm.s32 $_scs_section_size  }
0xa2: {  	s9 =	simm.s32 $_size__tile_overlayer_lowered;
	s10 =	simm.s32 $_tile_overlayer_lowered  }
0xa3: {  	s22 =	simm.s32 $0x1BFF;
	s21 =	sshll.u32 s10, $0x1;
	s7 =	sadd.s32 s8, s19  }
0xa4: {  	s11 =	simm.s32 $0x0;
	s20 =	sshll.u32 s9, $0x1;
	s9 =	sadd.s32 s21, s7  }
0xa5: {  	[timem:s11], [sflag:s22] =	dma.local [hbm:s9], s20  }
0xa6: {  	_ =	swait.ge [sflag:s22], s20  }
0xa7: {  	s8 =	ssub.s32 $0x0, s20;
	[sflag:s22] =	ssyncset.done $0x0  }
0xa8: {  	[sflag:s22] =	ssyncadd.s32 s8;
	_ =	sdelay $0x1  }
0xa9: {  	s23 =	simm.s32 $0x1B8B  }
0xaa: {  	_ =	swait.ge [sflag:s23], $0x1  }
0xab: {  	[sflag:s23] =	ssyncset.done $0x0  }
0xac: {  	s25 =	simm.s32 $0x1B8E;
	s24 =	sld [smem:$0x3FFE];
	[sflag:s23] =	ssyncadd.s32 $0xFFFFFFFF  }
0xad: {  	s26 =	simm.s32 $execute0_lowered;
	[smem:$0x3FD2] =	sst s25  }
0xae: {  	s9 =	sshll.u32 s26, $0x1;
	_ =	strace $0x8000004C;
	[dreg:$0x1] =	wrdreg $0xFFFFFFFF  }
0xaf: {  	s28 =	simm.s32 $_size_execute0_lowered;
	s7 =	sadd.s32 s7, s9;
	[dreg:$0x0] =	wrdreg $0x0  }
0xb0: {  	s9 =	sshll.u32 s28, $0x1;
	[dreg:$0x2] =	wrdreg s7  }
0xb1: {  	[dreg:$0x3] =	wrdreg s9  }
0xb2: {  	[dreg:$0x4] =	wrdreg $0xC0  }
0xb3: {  	_ =	task [dreg:s11], $0x5FFFF  }
0xb4: {  	[dreg:$0x1] =	wrdreg $0xFFFFFFFF  }
0xb5: {  	[dreg:$0x0] =	wrdreg $0x60  }
0xb6: {  	[dreg:$0x2] =	wrdreg s17  }
0xb7: {  	[dreg:$0x3] =	wrdreg s6  }
0xb8: {  	[dreg:$0x4] =	wrdreg s18  }
0xb9: {  	[dreg:$0x5] =	wrdreg s16  }
0xba: {  	[dreg:$0x6] =	wrdreg s5  }
0xbb: {  	[dreg:$0x7] =	wrdreg s24  }
0xbc: {  	[dreg:$0x8] =	wrdreg $0x0  }
0xbd: {  	[dreg:$0x9] =	wrdreg $0x9  }
0xbe: {  	_ =	task.clear_ibuf [dreg:s11], $0xAFFFF;
	_ =	strace $0x9000004C  }
0xbf: {  	s29 =	simm.s32 $0x9;
	_ =	strace $0x8000004E  }
0xc0: {  	_ =	swait.ge [sflag:s29], $0x1  }
0xc1: {  	[sflag:s29] =	ssyncadd.s32 $0xFFFFFFFF  }
0xc2: {  	_ =	strace $0x9000004E  }
0xc3: {  	_ =	sfence  }
0xc4: {  	s30 =	sld [smem:$0x0];
	_ =	sdelay $0x2  }
0xc5: {  	s31 =	sshll.u32 s1, $0xD;
	s1 =	sshrl.u32 s1, $0x2  }
0xc6: {  	s3 =	sand.u32 $0x4000, s31;
	s1 =	sadd.s32 s1, s30  }
0xc7: {  	s0 =	sor.u32 s3, s0;
	s1 =	sshll.u32 s1, $0x11  }
0xc8: {  	s0 =	sor.u32 s1, s0  }
0xc9: {  	s0 =	sadd.s32 $0x8F2B, s0  }
0xca: {  	[sflag:s0] =	ssyncadd.remote.s32 $0x1  }
0xcb: {  	_ =	sfence.sel $0xFFFF  }
0xcc: {  	[dreg:$0x0] =	wrdreg $0xFFFFFFFF;
	(pc) =	sbr.abs _section_cstart, $3  }
0xcd: {  	[dreg:$0x1] =	wrdreg $0xFFFFFFFF  }
0xce: {  	_ =	task.clear_ibuf [dreg:s11], $0x2FFFF;
	_ =	strace $0x9FFFFFFF  }
0xcf: {  	(tm) =	ssettm $0x7FFFFFFF  }
tec
execute0_lowered:
.L_overlay_start_1:
0x0: {  	(tag) =	ssettag $0x1  }
0x1: {  	s0 =	rddreg [dreg:$0x0]  }
0x2: {  	s7 =	rddreg [dreg:$0x1]  }
0x3: {  	s8 =	rddreg [dreg:$0x2]  }
0x4: {  	s9 =	rddreg [dreg:$0x3]  }
0x5: {  	s10 =	rddreg [dreg:$0x4]  }
0x6: {  	s5 =	rddreg [dreg:$0x5]  }
0x7: {  	s3 =	rddreg [dreg:$0x6]  }
0x8: {  	s1 =	rddreg [dreg:$0x7]  }
0x9: {  	s2 =	stileid.u32;
	s6 =	srdreg.scid;
	s4 =	simm.s32 $0x0  }
0xa: {  	s17 =	simm.s32 $0x80;
	s18 =	simm.s32 $0x1A400;
	s11 =	smul.u32 $0x13C00, s2  }
0xb: {  	s19 =	simm.s32 $0x1;
	s12 =	sand.u32 $0x1, s6;
	s15 =	smul.u32 $0x4F000, s2  }
0xc: {  	[smem:$0x7FF] =	sst s4;
	s29 =	sshll.u32 s2, $0x6;
	s30 =	smul.u32 $0x680, s2  }
0xd: {  	s31 =	sshll.u32 s2, $0xA;
	s6 =	smul.u32 $0x13C000, s12;
	_ =	strace $0x8000004D  }
0xe: {  	s26 =	ssub.s32 $0x2, s12;
	p0 =	seq.s32 s12, $0x1;
	s9 =	sadd.s32 s9, s31  }
0xf: {  	s10 =	sadd.s32 s10, s31;
	s13 =	sshrl.u32 s11, $0x3;
	s14 =	sshrl.u32 s26, $0x1  }
0x10: {  	s28 =	sshrl.u32 s15, $0x2;
	s7 =	sadd.s32 s7, s30;
	s8 =	sadd.s32 s8, s30  }
.Ltmp0:
0x11: {  	s6 =	sadd.s32 s11, s6;
	s13 =	sadd.s32 s13, s5;
	(pc) =	sbr.rel .LBB2_1-.Ltmp0, $4  }
0x12: {  	s14 =	ssub.s32 s26, s14;
	s15 =	sadd.s32 s28, s3;
	s6 =	sshrl.u32 s6, $0x3  }
0x13: {  	s12 =	smax.u32 s14, $0x1;
	s14 =	simm.s32 $0x2;
	s16 =	sadd.s32 s6, s5  }
0x14: {  	s5 =	sadd.s32 $0x4600, s13;
	s6 =	sor.u32 $0x1C02, s29;
	s13 =	sshrl.u32 s15, $0x3  }
0x15: {  	s15 =	simm.s32 $0x13C00;
	s11 =	sadd.s32 $0x53000, s16;
	s16 =	simm.s32 $0x17000  }
.LBB2_7:
0x16: {  	s21 =	sadd.s32 $0x13C00, s20;
	[sflag:s14] =	ssyncadd.s32 $0xFFFFC000  }
0x17: {  	[tilespmem:s18], [sflag:$0x1] =	stream.indirect.gather [hbm4b:s0+s17], $0x80, s21, s17, $0xb8;
	[tilespmem:$0x1E400] =	vst v63  }
0x18: {  	_ =	swait.ge [sflag:s19], $0x4000  }
0x19: {  	[sflag:s19] =	ssyncset.done $0x0  }
0x1a: {  	s31 =	sadd.s32 $0x17000, s20;
	[sflag:s19] =	ssyncadd.s32 $0xFFFFC000  }
0x1b: {  	[spmem:s3] =	stream.indirect.scatter.add.f32 [tilespmem:s18], [sflag:$0x2], $0x80, s31, s17, $0xb8;
	[tilespmem:$0x1E400] =	vst v63  }
0x1c: {  	_ =	swait.ge [sflag:s14], $0x4000  }
0x1d: {  	[sflag:s14] =	ssyncset.done $0x0  }
0x1e: {  	[sflag:s14] =	ssyncadd.s32 $0xFFFFC000  }
.LBB2_8:
0x1f: {  	s4 =	sadd.s32 $0x1, s4  }
0x20: {  	p1 =	sne.s32 s4, s12  }
.Ltmp1:
0x21: {  	[bflag:$0x0] =	sbarrier.arrive $0xFFFF;
	(pc) =	sbr.rel @!p1 .LBB2_9-.Ltmp1, $4  }
0x22: {  	[hbm:s11], [sflag:s6] =	dma.local [spmem:s13], $0x2780  }
0x23: {  	_ =	swait.ge [sflag:s14], $0x2780  }
0x24: {  	[sflag:s14] =	ssyncset.done $0x0  }
0x25: {  	[sflag:s14] =	ssyncadd.s32 $0xFFFFD880  }
.LBB2_1:
0x26: {  	[spmem:s13], [sflag:s6] =	dma.local [hbm:s5], $0x2780  }
.Ltmp2:
0x27: {  	_ =	swait.ge [sflag:s14], $0x2780;
	(pc) =	sbr.rel @!p0 .LBB2_2-.Ltmp2, $4  }
0x28: {  	[sflag:s14] =	ssyncset.done $0x0  }
0x29: {  	[sflag:s14] =	ssyncadd.s32 $0xFFFFD880  }
0x2a: {  	[bflag:$0x0] =	sbarrier.arrive $0xFFFF  }
0x2b: {  	s20 =	simm.s32 $0x0  }
0x2c: {  	[tilespmem:s15], [sflag:$0x2] =	stream.linear.gather [hbm4b:s9+s20], $0x1D00, $0x38;
	[tilespmem:$0x1E400] =	vst v63  }
0x2d: {  	_ =	swait.ge [sflag:s14], $0x1D00  }
0x2e: {  	[sflag:s14] =	ssyncset.done $0x0  }
0x2f: {  	[sflag:s14] =	ssyncadd.s32 $0xFFFFE300  }
0x30: {  	[tilespmem:s16], [sflag:$0x2] =	stream.linear.gather [hbm4b:s10+s20], $0x1D00, $0x38;
	[tilespmem:$0x1E400] =	vst v63  }
0x31: {  	_ =	swait.ge [sflag:s14], $0x1D00  }
0x32: {  	[sflag:s14] =	ssyncset.done $0x0  }
0x33: {  	s30 =	simm.s32 $0x13C00;
	[sflag:s14] =	ssyncadd.s32 $0xFFFFE300  }
0x34: {  	[tilespmem:s18], [sflag:$0x1] =	stream.indirect.gather [hbm4b:s0+s17], $0x80, s30, s17, $0xb8;
	[tilespmem:$0x1E400] =	vst v63  }
0x35: {  	_ =	swait.ge [sflag:s19], $0x4000  }
0x36: {  	[sflag:s19] =	ssyncset.done $0x0  }
0x37: {  	s31 =	simm.s32 $0x17000;
	[sflag:s19] =	ssyncadd.s32 $0xFFFFC000  }
0x38: {  	[spmem:s3] =	stream.indirect.scatter.add.f32 [tilespmem:s18], [sflag:$0x2], $0x80, s31, s17, $0xb8;
	[tilespmem:$0x1E400] =	vst v63  }
0x39: {  	_ =	swait.ge [sflag:s14], $0x4000  }
0x3a: {  	s21 =	simm.s32 $0x400;
	s20 =	simm.s32 $0x80;
	[sflag:s14] =	ssyncset.done $0x0  }
.LBB2_6:
0x3b: {  	s22 =	sadd.s32 $0x13C00, s20  }
0x3c: {  	[sflag:s14] =	ssyncadd.s32 $0xFFFFC000;
	s23 =	smov.u32 s21;
	s24 =	sadd.s32 $0x200, s21  }
0x3d: {  	[tilespmem:s18], [sflag:$0x1] =	stream.indirect.gather [hbm4b:s0+s17], $0x80, s22, s17, $0xb8;
	[tilespmem:$0x1E400] =	vst v63  }
0x3e: {  	p1 =	sne.s32 s21, $0x7200;
	_ =	swait.ge [sflag:s19], $0x4000  }
.Ltmp3:
0x3f: {  	[sflag:s19] =	ssyncset.done $0x0;
	(pc) =	sbr.rel @p1 .LBB2_6-.Ltmp3, $4  }
0x40: {  	s20 =	sadd.s32 $0x17000, s20;
	[sflag:s19] =	ssyncadd.s32 $0xFFFFC000  }
0x41: {  	[spmem:s3] =	stream.indirect.scatter.add.f32 [tilespmem:s18], [sflag:$0x2], $0x80, s20, s17, $0xb8;
	[tilespmem:$0x1E400] =	vst v63  }
0x42: {  	_ =	swait.ge [sflag:s14], $0x4000  }
0x43: {  	s21 =	smov.u32 s24;
	s20 =	sshra.s32 s23, $0x2;
	[sflag:s14] =	ssyncset.done $0x0  }
.Ltmp4:
0x44: {  	_ = 	snop;
	(pc) =	sbr.rel .LBB2_7-.Ltmp4, $1  }
0x45: {  	_ =	sdelay $0x3  }
.LBB2_2:
0x46: {  	[tilespmem:s15], [sflag:$0x2] =	stream.linear.gather [hbm4b:s7+s20], $0x3200, $0x38;
	[tilespmem:$0x1E400] =	vst v63  }
0x47: {  	_ =	swait.ge [sflag:s14], $0x3200  }
0x48: {  	[sflag:s14] =	ssyncset.done $0x0  }
0x49: {  	[sflag:s14] =	ssyncadd.s32 $0xFFFFCE00  }
0x4a: {  	[tilespmem:s16], [sflag:$0x2] =	stream.linear.gather [hbm4b:s8+s20], $0x3200, $0x38;
	[tilespmem:$0x1E400] =	vst v63  }
0x4b: {  	_ =	swait.ge [sflag:s14], $0x3200  }
0x4c: {  	[sflag:s14] =	ssyncset.done $0x0  }
0x4d: {  	s30 =	simm.s32 $0x13C00;
	[sflag:s14] =	ssyncadd.s32 $0xFFFFCE00  }
0x4e: {  	[tilespmem:s18], [sflag:$0x1] =	stream.indirect.gather [hbm4b:s0+s17], $0x80, s30, s17, $0xb8;
	[tilespmem:$0x1E400] =	vst v63  }
0x4f: {  	_ =	swait.ge [sflag:s19], $0x4000  }
0x50: {  	[sflag:s19] =	ssyncset.done $0x0  }
0x51: {  	s31 =	simm.s32 $0x17000;
	[sflag:s19] =	ssyncadd.s32 $0xFFFFC000  }
0x52: {  	[spmem:s3] =	stream.indirect.scatter.add.f32 [tilespmem:s18], [sflag:$0x2], $0x80, s31, s17, $0xb8;
	[tilespmem:$0x1E400] =	vst v63  }
0x53: {  	_ =	swait.ge [sflag:s14], $0x4000  }
0x54: {  	s21 =	simm.s32 $0x400;
	s20 =	simm.s32 $0x80;
	[sflag:s14] =	ssyncset.done $0x0  }
.LBB2_3:
0x55: {  	s22 =	sadd.s32 $0x13C00, s20  }
0x56: {  	[sflag:s14] =	ssyncadd.s32 $0xFFFFC000;
	s23 =	smov.u32 s21;
	s24 =	sadd.s32 $0x200, s21  }
0x57: {  	[tilespmem:s18], [sflag:$0x1] =	stream.indirect.gather [hbm4b:s0+s17], $0x80, s22, s17, $0xb8;
	[tilespmem:$0x1E400] =	vst v63  }
0x58: {  	p1 =	seq.s32 s21, $0xC600;
	_ =	swait.ge [sflag:s19], $0x4000  }
.Ltmp5:
0x59: {  	[sflag:s19] =	ssyncset.done $0x0;
	(pc) =	sbr.rel @!p1 .LBB2_3-.Ltmp5, $4  }
0x5a: {  	s20 =	sadd.s32 $0x17000, s20;
	[sflag:s19] =	ssyncadd.s32 $0xFFFFC000  }
0x5b: {  	[spmem:s3] =	stream.indirect.scatter.add.f32 [tilespmem:s18], [sflag:$0x2], $0x80, s20, s17, $0xb8;
	[tilespmem:$0x1E400] =	vst v63  }
0x5c: {  	_ =	swait.ge [sflag:s14], $0x4000  }
0x5d: {  	s21 =	smov.u32 s24;
	s20 =	sshra.s32 s23, $0x2;
	[sflag:s14] =	ssyncset.done $0x0  }
0x5e: {  	s21 =	sadd.s32 $0x13C00, s20;
	[sflag:s14] =	ssyncadd.s32 $0xFFFFC000  }
0x5f: {  	[tilespmem:s18], [sflag:$0x1] =	stream.indirect.gather [hbm4b:s0+s17], $0x80, s21, s17, $0xb8;
	[tilespmem:$0x1E400] =	vst v63  }
0x60: {  	_ =	swait.ge [sflag:s19], $0x4000  }
0x61: {  	[sflag:s19] =	ssyncset.done $0x0  }
.Ltmp6:
0x62: {  	s31 =	sadd.s32 $0x17000, s20;
	[sflag:s19] =	ssyncadd.s32 $0xFFFFC000;
	(pc) =	sbr.rel .LBB2_8-.Ltmp6, $4  }
0x63: {  	[spmem:s3] =	stream.indirect.scatter.add.f32 [tilespmem:s18], [sflag:$0x2], $0x80, s31, s17, $0xb8;
	[tilespmem:$0x1E400] =	vst v63  }
0x64: {  	_ =	swait.ge [sflag:s14], $0x4000  }
0x65: {  	[sflag:s14] =	ssyncset.done $0x0  }
0x66: {  	[sflag:s14] =	ssyncadd.s32 $0xFFFFC000  }
.LBB2_9:
0x67: {  	_ =	sfence.sel $0x180000  }
0x68: {  	[bflag:$0x0] =	sbarrier.arrive $0xFFFF  }
0x69: {  	p0 =	sne.s32 s2, $0x0;
	_ =	strace $0x9000004D  }
0x6a: {  	s0 =	sadd.s32 @!p0 $0x100000, s1;
	[bflag:$0x2] =	sbarrier.arrive $0xFFFF  }
0x6b: {  	[sflag:s0] =	ssyncadd.tile.s32 @!p0 $0x1;
	_ =	shalt  }
.Lfunc_end2:
_tile_overlayer_lowered:
.L_overlay_start_2:
0x6c: {  	(tag) =	ssettag $0x2  }
0x6d: {  	s0 =	rddreg [dreg:$0x0];
	s2 =	stileid.u32  }
0x6e: {  	s1 =	rddreg [dreg:$0x1];
	p0 =	sne.s32 s2, $0x0  }
0x6f: {  	s3 =	rddreg [dreg:$0x2];
	[bflag:$0x3] =	sbarrier.arrive $0xFFFF;
	s2 =	simm.s32 @!p0 $0x1C02  }
0x70: {  	[timem:s3], [sflag:s2] =	dma.local @!p0 [hbm:s0], s1  }
0x71: {  	s0 =	simm.s32 @!p0 $0x2  }
0x72: {  	_ =	swait.ge @!p0 [sflag:s0], s1  }
0x73: {  	s1 =	ssub.s32 @!p0 $0x0, s1;
	[sflag:s0] =	ssyncset.done @!p0 $0x0  }
0x74: {  	[sflag:s0] =	ssyncadd.s32 @!p0 s1  }
0x75: {  	[bflag:$0x3] =	sbarrier.arrive $0xFFFF  }
0x76: {  	_ =	shalt  }

// kernel: kernel.19.cloned.1.call-start
scs
__scs_entry_jumppad:
0x0: {  	(pc) =	sbr.rel $0x88, $3  }
0x1: {  	(tag) =	ssettag $0x0;
	lr =	simm.s32 $0x1  }
0x2: {  	[smem:$0x3F98] =	sst lr;
	_ =	strace $0xD0000000  }
0x3: {  	_ = 	snop  }
0x4: {  	_ = 	snop  }
0x5: {  	_ = 	snop  }
0x6: {  	_ = 	snop  }
0x7: {  	_ = 	snop  }
__scs_overlays_trampoline_lowered:
0x8: {  	[smem:$0x3FA7] =	sst s0  }
0x9: {  	[smem:$0x3FA8] =	sst s1  }
0xa: {  	[smem:$0x3FA9] =	sst s2  }
0xb: {  	[smem:$0x3FAA] =	sst s3  }
0xc: {  	[smem:$0x3FAB] =	sst s4  }
0xd: {  	[smem:$0x3FAC] =	sst s5  }
0xe: {  	[smem:$0x3FAD] =	sst s6  }
0xf: {  	[smem:$0x3FAE] =	sst s7  }
0x10: {  	[smem:$0x3FAF] =	sst s8  }
0x11: {  	[smem:$0x3FB0] =	sst s9;
	s0 =	simm.s32 @!p0 $0x0  }
0x12: {  	s1 =	sld [smem:$0x3F96];
	s0 =	simm.s32 @p0 $0x1  }
0x13: {  	[smem:$0x3FB1] =	sst s0;
	s0 =	simm.s32 @!p1 $0x0  }
0x14: {  	s2 =	sld [smem:$0x3F95];
	s0 =	simm.s32 @p1 $0x1  }
0x15: {  	[smem:$0x3FB2] =	sst s0;
	s0 =	simm.s32 @!p2 $0x0  }
0x16: {  	s3 =	sld [smem:$0x3FDB];
	s0 =	simm.s32 @p2 $0x1  }
0x17: {  	s4 =	simm.s32 $0x1BF5;
	[smem:$0x3FB4] =	sst s0  }
0x18: {  	s0 =	sld [smem:$0x3F97];
	_ =	swait.ge [sflag:s4], $0x0  }
0x19: {  	s7 =	sld [smem:$0x3F98]  }
0x1a: {  	s8 =	sadd.s32 $0xFFFFE003, lr  }
0x1b: {  	s9 =	sadd.s32 $0xFFFFFEF7, lr;
	s5 =	simm.s32 $0xFFFFFFFF;
	p2 =	slt.u32 s8, $0xFFFFF086  }
0x1c: {  	p1 =	slt.u32 s9, $0xF7A;
	s5 =	simm.s32 @!p2 $0x0  }
0x1d: {  	s5 =	simm.s32 @p1 $0x1;
	p0 =	seq.s32 s7, s2  }
0x1e: {  	s7 =	smul.u32 @!p0 $0xF7A, s2;
	p2 =	seq.s32 @!p0 s5, $0x0  }
0x1f: {  	s9 =	smul.u32 $0xF7A, s1;
	s8 =	simm.s32 @!p0 $0x1BF5;
	p2 =	por !p2, p0  }
0x20: {  	[sflag:s8] =	ssyncset.s32 @!p0 $0xFFFFF086;
	s6 =	sadd.s32 @!p0 s3, s7;
	s7 =	simm.s32 @!p0 $0x108  }
0x21: {  	s3 =	sadd.s32 s3, s9;
	s6 =	sadd.s32 @!p0 $0x88, s6;
	s7 =	simm.s32 @p2 $0x1082  }
0x22: {  	[simem:s7], [sflag:s8] =	dma.local @!p0 [hbm:s6], $0xF7A  }
0x23: {  	s9 =	sor.u32 $0xD0000000, s2;
	s6 =	simm.s32 $0x108;
	_ =	swait.ge @!p0 [sflag:s8], $0x0  }
0x24: {  	s3 =	sadd.s32 $0x88, s3;
	s6 =	simm.s32 @!p1 $0x1082;
	[sflag:s4] =	ssyncset.s32 $0xFFFFF086  }
0x25: {  	[simem:s6], [sflag:s4] =	dma.local [hbm:s3], $0xF7A  }
0x26: {  	[smem:$0x3F98] =	sst s1;
	(tag) =	ssettag s2;
	_ =	strace s9  }
0x27: {  	s1 =	sld [smem:$0x3FA8]  }
0x28: {  	s2 =	sld [smem:$0x3FA9]  }
0x29: {  	s4 =	sld [smem:$0x3FAB]  }
0x2a: {  	p0 =	seq.s32 s5, $0x0;
	s5 =	sld [smem:$0x3FAC]  }
0x2b: {  	s6 =	sld [smem:$0x3FAD]  }
0x2c: {  	s7 =	sld [smem:$0x3FAE]  }
0x2d: {  	s3 =	simm.s32 $0x108;
	s8 =	sld [smem:$0x3FAF]  }
0x2e: {  	s3 =	simm.s32 @!p0 $0x1082;
	s9 =	sld [smem:$0x3FB0]  }
0x2f: {  	lr =	sadd.s32 s0, s3;
	s0 =	sld [smem:$0x3FA7]  }
0x30: {  	s3 =	sld [smem:$0x3FAA]  }
0x31: {  	[smem:$0x3FB3] =	sst s10  }
0x32: {  	s10 =	sld [smem:$0x3FB1];
	_ =	sdelay $0x3  }
0x33: {  	p0 =	seq.s32 s10, $0x1;
	s10 =	sld [smem:$0x3FB3];
	_ =	sdelay $0x3  }
0x34: {  	[smem:$0x3FB3] =	sst s10  }
0x35: {  	s10 =	sld [smem:$0x3FB2];
	_ =	sdelay $0x3  }
0x36: {  	p1 =	seq.s32 s10, $0x1;
	s10 =	sld [smem:$0x3FB3];
	_ =	sdelay $0x3  }
0x37: {  	[smem:$0x3FB3] =	sst s10  }
0x38: {  	s10 =	sld [smem:$0x3FB4]  }
0x39: {  	_ = 	snop;
	(pc) =	sbr.ind lr, $3  }
0x3a: {  	_ = 	snop  }
0x3b: {  	_ = 	snop  }
0x3c: {  	p2 =	seq.s32 s10, $0x1;
	s10 =	sld [smem:$0x3FB3]  }
0x3d: {  	_ =	shalt  }
0x3e: {  	_ =	shalt  }
0x3f: {  	_ =	shalt  }
0x40: {  	_ =	shalt  }
0x41: {  	_ =	shalt  }
0x42: {  	_ =	shalt  }
0x43: {  	_ =	shalt  }
0x44: {  	_ =	shalt  }
0x45: {  	_ =	shalt  }
0x46: {  	_ =	shalt  }
0x47: {  	_ =	shalt  }
0x48: {  	_ =	shalt  }
0x49: {  	_ =	shalt  }
0x4a: {  	_ =	shalt  }
0x4b: {  	_ =	shalt  }
0x4c: {  	_ =	shalt  }
0x4d: {  	_ =	shalt  }
0x4e: {  	_ =	shalt  }
0x4f: {  	_ =	shalt  }
0x50: {  	_ =	shalt  }
0x51: {  	_ =	shalt  }
0x52: {  	_ =	shalt  }
0x53: {  	_ =	shalt  }
0x54: {  	_ =	shalt  }
0x55: {  	_ =	shalt  }
0x56: {  	_ =	shalt  }
0x57: {  	_ =	shalt  }
0x58: {  	_ =	shalt  }
0x59: {  	_ =	shalt  }
0x5a: {  	_ =	shalt  }
0x5b: {  	_ =	shalt  }
0x5c: {  	_ =	shalt  }
0x5d: {  	_ =	shalt  }
0x5e: {  	_ =	shalt  }
0x5f: {  	_ =	shalt  }
0x60: {  	_ =	shalt  }
0x61: {  	_ =	shalt  }
0x62: {  	_ =	shalt  }
0x63: {  	_ =	shalt  }
0x64: {  	_ =	shalt  }
0x65: {  	_ =	shalt  }
0x66: {  	_ =	shalt  }
0x67: {  	_ =	shalt  }
0x68: {  	_ =	shalt  }
0x69: {  	_ =	shalt  }
0x6a: {  	_ =	shalt  }
0x6b: {  	_ =	shalt  }
0x6c: {  	_ =	shalt  }
0x6d: {  	_ =	shalt  }
0x6e: {  	_ =	shalt  }
0x6f: {  	_ =	shalt  }
0x70: {  	_ =	shalt  }
0x71: {  	_ =	shalt  }
0x72: {  	_ =	shalt  }
0x73: {  	_ =	shalt  }
0x74: {  	_ =	shalt  }
0x75: {  	_ =	shalt  }
0x76: {  	_ =	shalt  }
0x77: {  	_ =	shalt  }
0x78: {  	_ =	shalt  }
0x79: {  	_ =	shalt  }
0x7a: {  	_ =	shalt  }
0x7b: {  	_ =	shalt  }
0x7c: {  	_ =	shalt  }
0x7d: {  	_ =	shalt  }
0x7e: {  	_ =	shalt  }
0x7f: {  	_ =	shalt  }
0x80: {  	_ =	shalt  }
0x81: {  	_ =	shalt  }
0x82: {  	_ =	shalt  }
0x83: {  	_ =	shalt  }
0x84: {  	_ =	shalt  }
0x85: {  	_ =	shalt  }
0x86: {  	_ =	shalt  }
0x87: {  	_ =	shalt  }
.Lfunc_end0:
.L_simem_size_0:
called_computation.3_lowered:
.L_overlay_start_0:
0x88: {  	s2 =	sld [smem:$0x3FD9]  }
0x89: {  	s3 =	sld [smem:$0x3FFE];
	_ =	sdelay $0x1  }
0x8a: {  	s1 =	srdreg.scid  }
0x8b: {  	s0 =	sand.u32 $0x1, s1  }
0x8c: {  	s14 =	sshll.u32 s0, $0xA;
	s2 =	sadd.s32 s3, s2  }
0x8d: {  	s2 =	sadd.s32 s2, s14  }
0x8e: {  	[smem:$0x3FBF] =	sst s2  }
0x8f: {  	_ = 	snop  }
0x90: {  	s2 =	sld [smem:$0x3FD0];
	_ =	sdelay $0x2  }
0x91: {  	s15 =	simm.s32 $0xA;
	s4 =	simm.s32 $0x10  }
0x92: {  	[smem:s4], [sflag:s15] =	dma.local [hbm:s2], $0x1  }
0x93: {  	_ =	swait.eq [sflag:s15], $0x1  }
0x94: {  	s16 =	sld [smem:$0x12]  }
0x95: {  	s17 =	sld [smem:$0x13]  }
0x96: {  	s5 =	sld [smem:$0x14];
	[sflag:s15] =	ssyncset.done $0x0  }
0x97: {  	s6 =	sld [smem:$0x15];
	[sflag:s15] =	ssyncadd.s32 $0xFFFFFFFF  }
0x98: {  	s18 =	sld [smem:$0x16];
	(tm) =	ssettm $0x1  }
0x99: {  	s7 =	sld [smem:$0x3FFB];
	_ =	sdelay $0x3  }
0x9a: {  	_ =	strace s7  }
0x9b: {  	s7 =	sld [smem:$0x3FFC];
	_ =	sdelay $0x3  }
0x9c: {  	_ =	strace s7  }
0x9d: {  	s7 =	sld [smem:$0x3FFD];
	_ =	sdelay $0x3  }
0x9e: {  	_ =	strace s7  }
0x9f: {  	_ =	strace $0x8FFFFFFF  }
0xa0: {  	s19 =	sld [smem:$0x3FDB];
	_ =	sdelay $0x1  }
0xa1: {  	s8 =	simm.s32 $_scs_section_size  }
0xa2: {  	s9 =	simm.s32 $_size__tile_overlayer_lowered;
	s10 =	simm.s32 $_tile_overlayer_lowered  }
0xa3: {  	s22 =	simm.s32 $0x1BFF;
	s21 =	sshll.u32 s10, $0x1;
	s7 =	sadd.s32 s8, s19  }
0xa4: {  	s11 =	simm.s32 $0x0;
	s20 =	sshll.u32 s9, $0x1;
	s9 =	sadd.s32 s21, s7  }
0xa5: {  	[timem:s11], [sflag:s22] =	dma.local [hbm:s9], s20  }
0xa6: {  	_ =	swait.ge [sflag:s22], s20  }
0xa7: {  	s8 =	ssub.s32 $0x0, s20;
	[sflag:s22] =	ssyncset.done $0x0  }
0xa8: {  	[sflag:s22] =	ssyncadd.s32 s8;
	_ =	sdelay $0x1  }
0xa9: {  	s23 =	simm.s32 $0x1B8B  }
0xaa: {  	_ =	swait.ge [sflag:s23], $0x1  }
0xab: {  	[sflag:s23] =	ssyncset.done $0x0  }
0xac: {  	s25 =	simm.s32 $0x1B8E;
	s24 =	sld [smem:$0x3FFE];
	[sflag:s23] =	ssyncadd.s32 $0xFFFFFFFF  }
0xad: {  	s26 =	simm.s32 $execute0_lowered;
	[smem:$0x3FD2] =	sst s25  }
0xae: {  	s9 =	sshll.u32 s26, $0x1;
	_ =	strace $0x8000004F;
	[dreg:$0x1] =	wrdreg $0xFFFFFFFF  }
0xaf: {  	s28 =	simm.s32 $_size_execute0_lowered;
	s7 =	sadd.s32 s7, s9;
	[dreg:$0x0] =	wrdreg $0x0  }
0xb0: {  	s9 =	sshll.u32 s28, $0x1;
	[dreg:$0x2] =	wrdreg s7  }
0xb1: {  	[dreg:$0x3] =	wrdreg s9  }
0xb2: {  	[dreg:$0x4] =	wrdreg $0xC0  }
0xb3: {  	_ =	task [dreg:s11], $0x5FFFF  }
0xb4: {  	[dreg:$0x1] =	wrdreg $0xFFFFFFFF  }
0xb5: {  	[dreg:$0x0] =	wrdreg $0x60  }
0xb6: {  	[dreg:$0x2] =	wrdreg s17  }
0xb7: {  	[dreg:$0x3] =	wrdreg s6  }
0xb8: {  	[dreg:$0x4] =	wrdreg s18  }
0xb9: {  	[dreg:$0x5] =	wrdreg s16  }
0xba: {  	[dreg:$0x6] =	wrdreg s5  }
0xbb: {  	[dreg:$0x7] =	wrdreg s24  }
0xbc: {  	[dreg:$0x8] =	wrdreg $0x0  }
0xbd: {  	[dreg:$0x9] =	wrdreg $0x9  }
0xbe: {  	_ =	task.clear_ibuf [dreg:s11], $0xAFFFF;
	_ =	strace $0x9000004F  }
0xbf: {  	s29 =	simm.s32 $0x9;
	_ =	strace $0x80000051  }
0xc0: {  	_ =	swait.ge [sflag:s29], $0x1  }
0xc1: {  	[sflag:s29] =	ssyncadd.s32 $0xFFFFFFFF  }
0xc2: {  	_ =	strace $0x90000051  }
0xc3: {  	_ =	sfence  }
0xc4: {  	s30 =	sld [smem:$0x0];
	_ =	sdelay $0x2  }
0xc5: {  	s31 =	sshll.u32 s1, $0xD;
	s1 =	sshrl.u32 s1, $0x2  }
0xc6: {  	s3 =	sand.u32 $0x4000, s31;
	s1 =	sadd.s32 s1, s30  }
0xc7: {  	s0 =	sor.u32 s3, s0;
	s1 =	sshll.u32 s1, $0x11  }
0xc8: {  	s0 =	sor.u32 s1, s0  }
0xc9: {  	s0 =	sadd.s32 $0x8F2B, s0  }
0xca: {  	[sflag:s0] =	ssyncadd.remote.s32 $0x1  }
0xcb: {  	_ =	sfence.sel $0xFFFF  }
0xcc: {  	[dreg:$0x0] =	wrdreg $0xFFFFFFFF;
	(pc) =	sbr.abs _section_cstart, $3  }
0xcd: {  	[dreg:$0x1] =	wrdreg $0xFFFFFFFF  }
0xce: {  	_ =	task.clear_ibuf [dreg:s11], $0x2FFFF;
	_ =	strace $0x9FFFFFFF  }
0xcf: {  	(tm) =	ssettm $0x7FFFFFFF  }
tec
execute0_lowered:
.L_overlay_start_1:
0x0: {  	(tag) =	ssettag $0x1  }
0x1: {  	s0 =	rddreg [dreg:$0x0]  }
0x2: {  	s7 =	rddreg [dreg:$0x1]  }
0x3: {  	s8 =	rddreg [dreg:$0x2]  }
0x4: {  	s9 =	rddreg [dreg:$0x3]  }
0x5: {  	s10 =	rddreg [dreg:$0x4]  }
0x6: {  	s5 =	rddreg [dreg:$0x5]  }
0x7: {  	s3 =	rddreg [dreg:$0x6]  }
0x8: {  	s1 =	rddreg [dreg:$0x7]  }
0x9: {  	s2 =	stileid.u32;
	s6 =	srdreg.scid;
	s4 =	simm.s32 $0x0  }
0xa: {  	s17 =	simm.s32 $0x80;
	s18 =	simm.s32 $0x1A400;
	s11 =	smul.u32 $0x13C00, s2  }
0xb: {  	s19 =	simm.s32 $0x1;
	s12 =	sand.u32 $0x1, s6;
	s15 =	smul.u32 $0x4F000, s2  }
0xc: {  	[smem:$0x7FF] =	sst s4;
	s29 =	sshll.u32 s2, $0x6;
	s30 =	smul.u32 $0x680, s2  }
0xd: {  	s31 =	sshll.u32 s2, $0xA;
	s6 =	smul.u32 $0x13C000, s12;
	_ =	strace $0x80000050  }
0xe: {  	s26 =	ssub.s32 $0x2, s12;
	p0 =	seq.s32 s12, $0x1;
	s9 =	sadd.s32 s9, s31  }
0xf: {  	s10 =	sadd.s32 s10, s31;
	s13 =	sshrl.u32 s11, $0x3;
	s14 =	sshrl.u32 s26, $0x1  }
0x10: {  	s28 =	sshrl.u32 s15, $0x2;
	s7 =	sadd.s32 s7, s30;
	s8 =	sadd.s32 s8, s30  }
.Ltmp0:
0x11: {  	s6 =	sadd.s32 s11, s6;
	s13 =	sadd.s32 s13, s5;
	(pc) =	sbr.rel .LBB2_1-.Ltmp0, $4  }
0x12: {  	s14 =	ssub.s32 s26, s14;
	s15 =	sadd.s32 s28, s3;
	s6 =	sshrl.u32 s6, $0x3  }
0x13: {  	s12 =	smax.u32 s14, $0x1;
	s14 =	simm.s32 $0x2;
	s16 =	sadd.s32 s6, s5  }
0x14: {  	s5 =	sadd.s32 $0x4600, s13;
	s6 =	sor.u32 $0x1C02, s29;
	s13 =	sshrl.u32 s15, $0x3  }
0x15: {  	s15 =	simm.s32 $0x13C00;
	s11 =	sadd.s32 $0x53000, s16;
	s16 =	simm.s32 $0x17000  }
.LBB2_7:
0x16: {  	s21 =	sadd.s32 $0x13C00, s20;
	[sflag:s14] =	ssyncadd.s32 $0xFFFFC000  }
0x17: {  	[tilespmem:s18], [sflag:$0x1] =	stream.indirect.gather [hbm4b:s0+s17], $0x80, s21, s17, $0xb8;
	[tilespmem:$0x1E400] =	vst v63  }
0x18: {  	_ =	swait.ge [sflag:s19], $0x4000  }
0x19: {  	[sflag:s19] =	ssyncset.done $0x0  }
0x1a: {  	s31 =	sadd.s32 $0x17000, s20;
	[sflag:s19] =	ssyncadd.s32 $0xFFFFC000  }
0x1b: {  	[spmem:s3] =	stream.indirect.scatter.add.f32 [tilespmem:s18], [sflag:$0x2], $0x80, s31, s17, $0xb8;
	[tilespmem:$0x1E400] =	vst v63  }
0x1c: {  	_ =	swait.ge [sflag:s14], $0x4000  }
0x1d: {  	[sflag:s14] =	ssyncset.done $0x0  }
0x1e: {  	[sflag:s14] =	ssyncadd.s32 $0xFFFFC000  }
.LBB2_8:
0x1f: {  	s4 =	sadd.s32 $0x1, s4  }
0x20: {  	p1 =	sne.s32 s4, s12  }
.Ltmp1:
0x21: {  	[bflag:$0x0] =	sbarrier.arrive $0xFFFF;
	(pc) =	sbr.rel @!p1 .LBB2_9-.Ltmp1, $4  }
0x22: {  	[hbm:s11], [sflag:s6] =	dma.local [spmem:s13], $0x2780  }
0x23: {  	_ =	swait.ge [sflag:s14], $0x2780  }
0x24: {  	[sflag:s14] =	ssyncset.done $0x0  }
0x25: {  	[sflag:s14] =	ssyncadd.s32 $0xFFFFD880  }
.LBB2_1:
0x26: {  	[spmem:s13], [sflag:s6] =	dma.local [hbm:s5], $0x2780  }
.Ltmp2:
0x27: {  	_ =	swait.ge [sflag:s14], $0x2780;
	(pc) =	sbr.rel @!p0 .LBB2_2-.Ltmp2, $4  }
0x28: {  	[sflag:s14] =	ssyncset.done $0x0  }
0x29: {  	[sflag:s14] =	ssyncadd.s32 $0xFFFFD880  }
0x2a: {  	[bflag:$0x0] =	sbarrier.arrive $0xFFFF  }
0x2b: {  	s20 =	simm.s32 $0x0  }
0x2c: {  	[tilespmem:s15], [sflag:$0x2] =	stream.linear.gather [hbm4b:s9+s20], $0x1D00, $0x38;
	[tilespmem:$0x1E400] =	vst v63  }
0x2d: {  	_ =	swait.ge [sflag:s14], $0x1D00  }
0x2e: {  	[sflag:s14] =	ssyncset.done $0x0  }
0x2f: {  	[sflag:s14] =	ssyncadd.s32 $0xFFFFE300  }
0x30: {  	[tilespmem:s16], [sflag:$0x2] =	stream.linear.gather [hbm4b:s10+s20], $0x1D00, $0x38;
	[tilespmem:$0x1E400] =	vst v63  }
0x31: {  	_ =	swait.ge [sflag:s14], $0x1D00  }
0x32: {  	[sflag:s14] =	ssyncset.done $0x0  }
0x33: {  	s30 =	simm.s32 $0x13C00;
	[sflag:s14] =	ssyncadd.s32 $0xFFFFE300  }
0x34: {  	[tilespmem:s18], [sflag:$0x1] =	stream.indirect.gather [hbm4b:s0+s17], $0x80, s30, s17, $0xb8;
	[tilespmem:$0x1E400] =	vst v63  }
0x35: {  	_ =	swait.ge [sflag:s19], $0x4000  }
0x36: {  	[sflag:s19] =	ssyncset.done $0x0  }
0x37: {  	s31 =	simm.s32 $0x17000;
	[sflag:s19] =	ssyncadd.s32 $0xFFFFC000  }
0x38: {  	[spmem:s3] =	stream.indirect.scatter.add.f32 [tilespmem:s18], [sflag:$0x2], $0x80, s31, s17, $0xb8;
	[tilespmem:$0x1E400] =	vst v63  }
0x39: {  	_ =	swait.ge [sflag:s14], $0x4000  }
0x3a: {  	s21 =	simm.s32 $0x400;
	s20 =	simm.s32 $0x80;
	[sflag:s14] =	ssyncset.done $0x0  }
.LBB2_6:
0x3b: {  	s22 =	sadd.s32 $0x13C00, s20  }
0x3c: {  	[sflag:s14] =	ssyncadd.s32 $0xFFFFC000;
	s23 =	smov.u32 s21;
	s24 =	sadd.s32 $0x200, s21  }
0x3d: {  	[tilespmem:s18], [sflag:$0x1] =	stream.indirect.gather [hbm4b:s0+s17], $0x80, s22, s17, $0xb8;
	[tilespmem:$0x1E400] =	vst v63  }
0x3e: {  	p1 =	sne.s32 s21, $0x7200;
	_ =	swait.ge [sflag:s19], $0x4000  }
.Ltmp3:
0x3f: {  	[sflag:s19] =	ssyncset.done $0x0;
	(pc) =	sbr.rel @p1 .LBB2_6-.Ltmp3, $4  }
0x40: {  	s20 =	sadd.s32 $0x17000, s20;
	[sflag:s19] =	ssyncadd.s32 $0xFFFFC000  }
0x41: {  	[spmem:s3] =	stream.indirect.scatter.add.f32 [tilespmem:s18], [sflag:$0x2], $0x80, s20, s17, $0xb8;
	[tilespmem:$0x1E400] =	vst v63  }
0x42: {  	_ =	swait.ge [sflag:s14], $0x4000  }
0x43: {  	s21 =	smov.u32 s24;
	s20 =	sshra.s32 s23, $0x2;
	[sflag:s14] =	ssyncset.done $0x0  }
.Ltmp4:
0x44: {  	_ = 	snop;
	(pc) =	sbr.rel .LBB2_7-.Ltmp4, $1  }
0x45: {  	_ =	sdelay $0x3  }
.LBB2_2:
0x46: {  	[tilespmem:s15], [sflag:$0x2] =	stream.linear.gather [hbm4b:s7+s20], $0x3200, $0x38;
	[tilespmem:$0x1E400] =	vst v63  }
0x47: {  	_ =	swait.ge [sflag:s14], $0x3200  }
0x48: {  	[sflag:s14] =	ssyncset.done $0x0  }
0x49: {  	[sflag:s14] =	ssyncadd.s32 $0xFFFFCE00  }
0x4a: {  	[tilespmem:s16], [sflag:$0x2] =	stream.linear.gather [hbm4b:s8+s20], $0x3200, $0x38;
	[tilespmem:$0x1E400] =	vst v63  }
0x4b: {  	_ =	swait.ge [sflag:s14], $0x3200  }
0x4c: {  	[sflag:s14] =	ssyncset.done $0x0  }
0x4d: {  	s30 =	simm.s32 $0x13C00;
	[sflag:s14] =	ssyncadd.s32 $0xFFFFCE00  }
0x4e: {  	[tilespmem:s18], [sflag:$0x1] =	stream.indirect.gather [hbm4b:s0+s17], $0x80, s30, s17, $0xb8;
	[tilespmem:$0x1E400] =	vst v63  }
0x4f: {  	_ =	swait.ge [sflag:s19], $0x4000  }
0x50: {  	[sflag:s19] =	ssyncset.done $0x0  }
0x51: {  	s31 =	simm.s32 $0x17000;
	[sflag:s19] =	ssyncadd.s32 $0xFFFFC000  }
0x52: {  	[spmem:s3] =	stream.indirect.scatter.add.f32 [tilespmem:s18], [sflag:$0x2], $0x80, s31, s17, $0xb8;
	[tilespmem:$0x1E400] =	vst v63  }
0x53: {  	_ =	swait.ge [sflag:s14], $0x4000  }
0x54: {  	s21 =	simm.s32 $0x400;
	s20 =	simm.s32 $0x80;
	[sflag:s14] =	ssyncset.done $0x0  }
.LBB2_3:
0x55: {  	s22 =	sadd.s32 $0x13C00, s20  }
0x56: {  	[sflag:s14] =	ssyncadd.s32 $0xFFFFC000;
	s23 =	smov.u32 s21;
	s24 =	sadd.s32 $0x200, s21  }
0x57: {  	[tilespmem:s18], [sflag:$0x1] =	stream.indirect.gather [hbm4b:s0+s17], $0x80, s22, s17, $0xb8;
	[tilespmem:$0x1E400] =	vst v63  }
0x58: {  	p1 =	seq.s32 s21, $0xC600;
	_ =	swait.ge [sflag:s19], $0x4000  }
.Ltmp5:
0x59: {  	[sflag:s19] =	ssyncset.done $0x0;
	(pc) =	sbr.rel @!p1 .LBB2_3-.Ltmp5, $4  }
0x5a: {  	s20 =	sadd.s32 $0x17000, s20;
	[sflag:s19] =	ssyncadd.s32 $0xFFFFC000  }
0x5b: {  	[spmem:s3] =	stream.indirect.scatter.add.f32 [tilespmem:s18], [sflag:$0x2], $0x80, s20, s17, $0xb8;
	[tilespmem:$0x1E400] =	vst v63  }
0x5c: {  	_ =	swait.ge [sflag:s14], $0x4000  }
0x5d: {  	s21 =	smov.u32 s24;
	s20 =	sshra.s32 s23, $0x2;
	[sflag:s14] =	ssyncset.done $0x0  }
0x5e: {  	s21 =	sadd.s32 $0x13C00, s20;
	[sflag:s14] =	ssyncadd.s32 $0xFFFFC000  }
0x5f: {  	[tilespmem:s18], [sflag:$0x1] =	stream.indirect.gather [hbm4b:s0+s17], $0x80, s21, s17, $0xb8;
	[tilespmem:$0x1E400] =	vst v63  }
0x60: {  	_ =	swait.ge [sflag:s19], $0x4000  }
0x61: {  	[sflag:s19] =	ssyncset.done $0x0  }
.Ltmp6:
0x62: {  	s31 =	sadd.s32 $0x17000, s20;
	[sflag:s19] =	ssyncadd.s32 $0xFFFFC000;
	(pc) =	sbr.rel .LBB2_8-.Ltmp6, $4  }
0x63: {  	[spmem:s3] =	stream.indirect.scatter.add.f32 [tilespmem:s18], [sflag:$0x2], $0x80, s31, s17, $0xb8;
	[tilespmem:$0x1E400] =	vst v63  }
0x64: {  	_ =	swait.ge [sflag:s14], $0x4000  }
0x65: {  	[sflag:s14] =	ssyncset.done $0x0  }
0x66: {  	[sflag:s14] =	ssyncadd.s32 $0xFFFFC000  }
.LBB2_9:
0x67: {  	_ =	sfence.sel $0x180000  }
0x68: {  	[bflag:$0x0] =	sbarrier.arrive $0xFFFF  }
0x69: {  	p0 =	sne.s32 s2, $0x0;
	_ =	strace $0x90000050  }
0x6a: {  	s0 =	sadd.s32 @!p0 $0x100000, s1;
	[bflag:$0x2] =	sbarrier.arrive $0xFFFF  }
0x6b: {  	[sflag:s0] =	ssyncadd.tile.s32 @!p0 $0x1;
	_ =	shalt  }
.Lfunc_end2:
_tile_overlayer_lowered:
.L_overlay_start_2:
0x6c: {  	(tag) =	ssettag $0x2  }
0x6d: {  	s0 =	rddreg [dreg:$0x0];
	s2 =	stileid.u32  }
0x6e: {  	s1 =	rddreg [dreg:$0x1];
	p0 =	sne.s32 s2, $0x0  }
0x6f: {  	s3 =	rddreg [dreg:$0x2];
	[bflag:$0x3] =	sbarrier.arrive $0xFFFF;
	s2 =	simm.s32 @!p0 $0x1C02  }
0x70: {  	[timem:s3], [sflag:s2] =	dma.local @!p0 [hbm:s0], s1  }
0x71: {  	s0 =	simm.s32 @!p0 $0x2  }
0x72: {  	_ =	swait.ge @!p0 [sflag:s0], s1  }
0x73: {  	s1 =	ssub.s32 @!p0 $0x0, s1;
	[sflag:s0] =	ssyncset.done @!p0 $0x0  }
0x74: {  	[sflag:s0] =	ssyncadd.s32 @!p0 s1  }
0x75: {  	[bflag:$0x3] =	sbarrier.arrive $0xFFFF  }
0x76: {  	_ =	shalt  }

</sc_bundles>
